<compile_context>
chip_gen: v7x
topology: tpu7x:2x2x1
jax: 0.10.2.dev20260603
libtpu: 0.0.44.dev20260713+nightly
codegen_flags: <defaults>
</compile_context>

<pallas_src>
import functools

import numpy as np
import jax
import jax.numpy as jnp
from jax import lax
from jax.experimental import pallas as pl
from jax.experimental.pallas import tpu as pltpu
from jax.experimental.pallas import tpu_sc as plsc

_VOCAB = 100000
_D = 768
_MAX_LEN = 2048
_LANES = 16


def _pe_table(max_len: int, d_model: int) -> np.ndarray:
    pos = np.arange(max_len, dtype=np.float64)[:, None]
    i = np.arange(0, d_model, 2, dtype=np.float64)
    angle = pos / np.power(10000.0, i / d_model)
    pe = np.zeros((max_len, d_model), dtype=np.float32)
    pe[:, 0::2] = np.sin(angle).astype(np.float32)
    pe[:, 1::2] = np.cos(angle).astype(np.float32)
    return pe


_PE = _pe_table(_MAX_LEN, _D)

_CHUNK = 32
_NBUF = 2
_GAP = 1


@functools.cache
def _build(batch: int, seq: int, d: int):
    info = plsc.get_sparse_core_info()
    nc, ns = info.num_cores, info.num_subcores
    nw = nc * ns
    total = batch * seq
    ppw = seq // nw
    bpw = total // nw
    chunk = _CHUNK
    nch = bpw // chunk
    cpb = ppw // chunk
    ngrp = nch // _NBUF
    bfac = _NBUF // cpb
    assert seq % nw == 0 and ppw % chunk == 0
    assert _NBUF % cpb == 0 and nch % _NBUF == 0 and ngrp >= 2

    mesh = plsc.VectorSubcoreMesh(core_axis_name="c", subcore_axis_name="s")

    @functools.partial(
        pl.kernel,
        mesh=mesh,
        out_type=jax.ShapeDtypeStruct((batch, seq, d), jnp.float32),
        scratch_types=[
            pltpu.VMEM((batch, ppw), jnp.int32),
            pltpu.VMEM((_NBUF, chunk, d), jnp.float32),
            pltpu.VMEM((ppw, d), jnp.float32),
        ] + [pltpu.SemaphoreType.DMA] * (2 * _NBUF + 2),
    )
    def emb_kernel(x_hbm, table_hbm, pe_hbm, out_hbm,
                   idx_v, buf_v, pe_v, *sems):
        gsem, wsem = sems[:_NBUF], sems[_NBUF:2 * _NBUF]
        psem, isem = sems[2 * _NBUF], sems[2 * _NBUF + 1]
        wid = lax.axis_index("s") * nc + lax.axis_index("c")
        pos_base = wid * ppw
        pe_cp = pltpu.async_copy(
            pe_hbm.at[pl.ds(pos_base, ppw)], pe_v, psem)
        for b in range(batch):
            pltpu.async_copy(
                x_hbm.at[b, pl.ds(pos_base, ppw)], idx_v.at[b], isem)
        for b in range(batch):
            pltpu.make_async_copy(
                x_hbm.at[b, pl.ds(pos_base, ppw)], idx_v.at[b], isem).wait()

        def gather(b_ix, off, slot):
            pltpu.async_copy(
                table_hbm.at[idx_v.at[b_ix, pl.ds(off, chunk)]],
                buf_v.at[slot], gsem[slot])

        def wb_wait(slot):
            pltpu.make_async_copy(
                buf_v.at[slot],
                out_hbm.at[0, pl.ds(pos_base, chunk)],
                wsem[slot]).wait()

        for c in range(_GAP):
            gather(c // cpb, (c % cpb) * chunk, c)
        pe_cp.wait()

        def group(g, _):
            for i in range(_NBUF):
                sa = (i + _GAP) % _NBUF
                gb = g * bfac + (i + _GAP) // cpb
                go = ((i + _GAP) % cpb) * chunk
                if i < _GAP:
                    @pl.when(g >= 1)
                    def _():
                        wb_wait(sa)
                    gather(gb, go, sa)
                else:
                    @pl.when(g < ngrp - 1)
                    def _():
                        wb_wait(sa)
                        gather(gb, go, sa)
                pltpu.make_async_copy(
                    table_hbm.at[idx_v.at[0, pl.ds(0, chunk)]],
                    buf_v.at[i], gsem[i]).wait()
                pe_off = (i % cpb) * chunk
                wb_off = pe_off

                @plsc.parallel_loop(0, chunk, 1, unroll=2)
                def row_add(r, i=i, pe_off=pe_off):
                    for j in range(d // _LANES):
                        plsc.addupdate(
                            buf_v.at[i, r, pl.ds(j * _LANES, _LANES)],
                            pe_v[pe_off + r, pl.ds(j * _LANES, _LANES)])

                pltpu.async_copy(
                    buf_v.at[i],
                    out_hbm.at[g * bfac + i // cpb,
                               pl.ds(pos_base + wb_off, chunk)],
                    wsem[i])
            return 0

        lax.fori_loop(0, ngrp, group, 0)
        for i in range(_NBUF):
            wb_wait(i)

    return emb_kernel


def kernel(x, table):
    batch, seq = x.shape
    d = table.shape[1]
    pe = jnp.asarray(_PE[:seq])
    return _build(batch, seq, d)(x.astype(jnp.int32), table, pe)

# --- scband reference (transcript-rebuilt; emitter-appended) ---
"""Pipeline reference for scband-transformer-embedding-86827058855937 (READ-ONLY COPY).

The authoritative reference and input builder live on the scoring server;
editing this copy changes nothing except your own understanding.
"""

import jax, jax.numpy as jnp
import numpy as np

VOCAB = 100000
D_MODEL = 768
MAX_LEN = 2048
BATCH = 4
SEQ = 2048

def _positional_encoding(max_len, d_model):
    pos = jnp.arange(max_len, dtype=jnp.float32)[:, None]
    i = jnp.arange(0, d_model, 2, dtype=jnp.float32)
    angle = pos / jnp.power(10000.0, i / d_model)
    pe = jnp.zeros((max_len, d_model), dtype=jnp.float32)
    pe = pe.at[:, 0::2].set(jnp.sin(angle))
    pe = pe.at[:, 1::2].set(jnp.cos(angle))
    return pe

def setup_inputs(seed: int = 0) -> dict:
    key = jax.random.key(seed)
    k1, k2 = jax.random.split(key)
    x = jax.random.randint(k1, (BATCH, SEQ), 0, VOCAB, dtype=jnp.int64) if jax.config.jax_enable_x64 else jax.random.randint(k1, (BATCH, SEQ), 0, VOCAB, dtype=jnp.int32)
    table = jax.random.normal(k2, (VOCAB, D_MODEL), dtype=jnp.float32)
    return {"x": x, "table": table}

def reference(x, table):
    # TokenEmbedding: gather rows from the embedding table
    tok_embedding = jnp.take(table, x, axis=0)  # [B, S, d_model]
    # PositionalEncoding: fixed sinusoidal encoding sliced to seq_len
    seq_len = x.shape[1]
    pos_embedding = _positional_encoding(MAX_LEN, D_MODEL)[:seq_len, :]  # [S, d_model]
    # Dropout is identity in eval/deterministic reference
    return tok_embedding + pos_embedding[None, :, :]

if __name__ == "__main__":
    import jax
    _d = setup_inputs()
    print(jax.jit(kernel)(*tuple(_d.values())))

</pallas_src>

<mosaic_0001>
#map = affine_map<(d0, d1) -> (0, 0)>
#map1 = affine_map<(d0, d1) -> (0, 0, 0)>
module attributes {stable_mosaic.version = 14 : i64} {
  func.func @emb_kernel(%arg0: i32, %arg1: i32, %arg2: memref<4x2048xi32, #tpu.memory_space<hbm>>, %arg3: memref<100000x768xf32, #tpu.memory_space<hbm>>, %arg4: memref<2048x768xf32, #tpu.memory_space<hbm>>, %arg5: memref<4x2048x768xf32, #tpu.memory_space<hbm>>, %arg6: memref<4x64xi32, #tpu.memory_space<vmem>>, %arg7: memref<2x32x768xf32, #tpu.memory_space<vmem>>, %arg8: memref<64x768xf32, #tpu.memory_space<vmem>>, %arg9: memref<!tpu.dma_semaphore, #tpu.memory_space<semaphore_mem>>, %arg10: memref<!tpu.dma_semaphore, #tpu.memory_space<semaphore_mem>>, %arg11: memref<!tpu.dma_semaphore, #tpu.memory_space<semaphore_mem>>, %arg12: memref<!tpu.dma_semaphore, #tpu.memory_space<semaphore_mem>>, %arg13: memref<!tpu.dma_semaphore, #tpu.memory_space<semaphore_mem>>, %arg14: memref<!tpu.dma_semaphore, #tpu.memory_space<semaphore_mem>>) attributes {dimension_semantics = [#tpu.dimension_semantics<core_parallel>, #tpu.dimension_semantics<subcore_parallel>], iteration_bounds = array<i64: 2, 16>, scalar_prefetch = 0 : i64, scratch_operands = 9 : i64, tpu.core_type = #tpu.core_type<sc_vector_subcore>, window_params = [{transform_indices = #map}, {transform_indices = #map}, {transform_indices = #map}, {transform_indices = #map1}]} {
    %mul3A = arith.constant 2 : i32
    %mul3A_0 = arith.muli %arg1, %mul3A : i32
    %add3A = arith.addi %mul3A_0, %arg0 : i32
    %mul3A_1 = arith.constant 64 : i32
    %mul3A_2 = arith.muli %add3A, %mul3A_1 : i32
    %dma_start3A = arith.constant 0 : i32
    %dma_start3A_3 = tpu.memref_slice %arg4[%mul3A_2, %dma_start3A] : memref<2048x768xf32, #tpu.memory_space<hbm>> -> memref<64x768xf32, #tpu.memory_space<hbm>>
    %dma_start3A_4 = arith.constant 0 : i32
    %dma_start3A_5 = tpu.memref_slice %arg4[%mul3A_2, %dma_start3A_4] : memref<2048x768xf32, #tpu.memory_space<hbm>> -> memref<64x768xf32, #tpu.memory_space<hbm>>
    tpu.enqueue_dma source(%dma_start3A_5 : memref<64x768xf32, #tpu.memory_space<hbm>>) target(%arg8 : memref<64x768xf32, #tpu.memory_space<vmem>>) target_semaphore(%arg13 : memref<!tpu.dma_semaphore, #tpu.memory_space<semaphore_mem>>)
    %dma_start3A_6 = arith.constant 0 : i32
    %dma_start3A_7 = arith.constant 0 : i32
    %dma_start3A_8 = arith.constant 0 : i32
    %dma_start3A_9 = tpu.memref_slice %arg6[%dma_start3A_7, %dma_start3A_8] : memref<4x64xi32, #tpu.memory_space<vmem>> -> memref<1x64xi32, #tpu.memory_space<vmem>>
    %dma_start3A_10 = tpu.memref_squeeze %dma_start3A_9 : memref<1x64xi32, #tpu.memory_space<vmem>> -> memref<64xi32, #tpu.memory_space<vmem>>
    %dma_start3A_11 = tpu.memref_slice %arg2[%dma_start3A_6, %mul3A_2] : memref<4x2048xi32, #tpu.memory_space<hbm>> -> memref<1x64xi32, #tpu.memory_space<hbm>>
    %dma_start3A_12 = tpu.memref_squeeze %dma_start3A_11 : memref<1x64xi32, #tpu.memory_space<hbm>> -> memref<64xi32, #tpu.memory_space<hbm>>
    %dma_start3A_13 = arith.constant 0 : i32
    %dma_start3A_14 = tpu.memref_slice %arg6[%dma_start3A_7, %dma_start3A_13] : memref<4x64xi32, #tpu.memory_space<vmem>> -> memref<1x64xi32, #tpu.memory_space<vmem>>
    %dma_start3A_15 = tpu.memref_squeeze %dma_start3A_14 : memref<1x64xi32, #tpu.memory_space<vmem>> -> memref<64xi32, #tpu.memory_space<vmem>>
    %dma_start3A_16 = tpu.memref_slice %arg2[%dma_start3A_6, %mul3A_2] : memref<4x2048xi32, #tpu.memory_space<hbm>> -> memref<1x64xi32, #tpu.memory_space<hbm>>
    %dma_start3A_17 = tpu.memref_squeeze %dma_start3A_16 : memref<1x64xi32, #tpu.memory_space<hbm>> -> memref<64xi32, #tpu.memory_space<hbm>>
    tpu.enqueue_dma source(%dma_start3A_17 : memref<64xi32, #tpu.memory_space<hbm>>) target(%dma_start3A_15 : memref<64xi32, #tpu.memory_space<vmem>>) target_semaphore(%arg14 : memref<!tpu.dma_semaphore, #tpu.memory_space<semaphore_mem>>)
    %dma_start3A_18 = arith.constant 1 : i32
    %dma_start3A_19 = arith.constant 1 : i32
    %dma_start3A_20 = arith.constant 0 : i32
    %dma_start3A_21 = tpu.memref_slice %arg6[%dma_start3A_19, %dma_start3A_20] : memref<4x64xi32, #tpu.memory_space<vmem>> -> memref<1x64xi32, #tpu.memory_space<vmem>>
    %dma_start3A_22 = tpu.memref_squeeze %dma_start3A_21 : memref<1x64xi32, #tpu.memory_space<vmem>> -> memref<64xi32, #tpu.memory_space<vmem>>
    %dma_start3A_23 = tpu.memref_slice %arg2[%dma_start3A_18, %mul3A_2] : memref<4x2048xi32, #tpu.memory_space<hbm>> -> memref<1x64xi32, #tpu.memory_space<hbm>>
    %dma_start3A_24 = tpu.memref_squeeze %dma_start3A_23 : memref<1x64xi32, #tpu.memory_space<hbm>> -> memref<64xi32, #tpu.memory_space<hbm>>
    %dma_start3A_25 = arith.constant 0 : i32
    %dma_start3A_26 = tpu.memref_slice %arg6[%dma_start3A_19, %dma_start3A_25] : memref<4x64xi32, #tpu.memory_space<vmem>> -> memref<1x64xi32, #tpu.memory_space<vmem>>
    %dma_start3A_27 = tpu.memref_squeeze %dma_start3A_26 : memref<1x64xi32, #tpu.memory_space<vmem>> -> memref<64xi32, #tpu.memory_space<vmem>>
    %dma_start3A_28 = tpu.memref_slice %arg2[%dma_start3A_18, %mul3A_2] : memref<4x2048xi32, #tpu.memory_space<hbm>> -> memref<1x64xi32, #tpu.memory_space<hbm>>
    %dma_start3A_29 = tpu.memref_squeeze %dma_start3A_28 : memref<1x64xi32, #tpu.memory_space<hbm>> -> memref<64xi32, #tpu.memory_space<hbm>>
    tpu.enqueue_dma source(%dma_start3A_29 : memref<64xi32, #tpu.memory_space<hbm>>) target(%dma_start3A_27 : memref<64xi32, #tpu.memory_space<vmem>>) target_semaphore(%arg14 : memref<!tpu.dma_semaphore, #tpu.memory_space<semaphore_mem>>)
    %dma_start3A_30 = arith.constant 2 : i32
    %dma_start3A_31 = arith.constant 2 : i32
    %dma_start3A_32 = arith.constant 0 : i32
    %dma_start3A_33 = tpu.memref_slice %arg6[%dma_start3A_31, %dma_start3A_32] : memref<4x64xi32, #tpu.memory_space<vmem>> -> memref<1x64xi32, #tpu.memory_space<vmem>>
    %dma_start3A_34 = tpu.memref_squeeze %dma_start3A_33 : memref<1x64xi32, #tpu.memory_space<vmem>> -> memref<64xi32, #tpu.memory_space<vmem>>
    %dma_start3A_35 = tpu.memref_slice %arg2[%dma_start3A_30, %mul3A_2] : memref<4x2048xi32, #tpu.memory_space<hbm>> -> memref<1x64xi32, #tpu.memory_space<hbm>>
    %dma_start3A_36 = tpu.memref_squeeze %dma_start3A_35 : memref<1x64xi32, #tpu.memory_space<hbm>> -> memref<64xi32, #tpu.memory_space<hbm>>
    %dma_start3A_37 = arith.constant 0 : i32
    %dma_start3A_38 = tpu.memref_slice %arg6[%dma_start3A_31, %dma_start3A_37] : memref<4x64xi32, #tpu.memory_space<vmem>> -> memref<1x64xi32, #tpu.memory_space<vmem>>
    %dma_start3A_39 = tpu.memref_squeeze %dma_start3A_38 : memref<1x64xi32, #tpu.memory_space<vmem>> -> memref<64xi32, #tpu.memory_space<vmem>>
    %dma_start3A_40 = tpu.memref_slice %arg2[%dma_start3A_30, %mul3A_2] : memref<4x2048xi32, #tpu.memory_space<hbm>> -> memref<1x64xi32, #tpu.memory_space<hbm>>
    %dma_start3A_41 = tpu.memref_squeeze %dma_start3A_40 : memref<1x64xi32, #tpu.memory_space<hbm>> -> memref<64xi32, #tpu.memory_space<hbm>>
    tpu.enqueue_dma source(%dma_start3A_41 : memref<64xi32, #tpu.memory_space<hbm>>) target(%dma_start3A_39 : memref<64xi32, #tpu.memory_space<vmem>>) target_semaphore(%arg14 : memref<!tpu.dma_semaphore, #tpu.memory_space<semaphore_mem>>)
    %dma_start3A_42 = arith.constant 3 : i32
    %dma_start3A_43 = arith.constant 3 : i32
    %dma_start3A_44 = arith.constant 0 : i32
    %dma_start3A_45 = tpu.memref_slice %arg6[%dma_start3A_43, %dma_start3A_44] : memref<4x64xi32, #tpu.memory_space<vmem>> -> memref<1x64xi32, #tpu.memory_space<vmem>>
    %dma_start3A_46 = tpu.memref_squeeze %dma_start3A_45 : memref<1x64xi32, #tpu.memory_space<vmem>> -> memref<64xi32, #tpu.memory_space<vmem>>
    %dma_start3A_47 = tpu.memref_slice %arg2[%dma_start3A_42, %mul3A_2] : memref<4x2048xi32, #tpu.memory_space<hbm>> -> memref<1x64xi32, #tpu.memory_space<hbm>>
    %dma_start3A_48 = tpu.memref_squeeze %dma_start3A_47 : memref<1x64xi32, #tpu.memory_space<hbm>> -> memref<64xi32, #tpu.memory_space<hbm>>
    %dma_start3A_49 = arith.constant 0 : i32
    %dma_start3A_50 = tpu.memref_slice %arg6[%dma_start3A_43, %dma_start3A_49] : memref<4x64xi32, #tpu.memory_space<vmem>> -> memref<1x64xi32, #tpu.memory_space<vmem>>
    %dma_start3A_51 = tpu.memref_squeeze %dma_start3A_50 : memref<1x64xi32, #tpu.memory_space<vmem>> -> memref<64xi32, #tpu.memory_space<vmem>>
    %dma_start3A_52 = tpu.memref_slice %arg2[%dma_start3A_42, %mul3A_2] : memref<4x2048xi32, #tpu.memory_space<hbm>> -> memref<1x64xi32, #tpu.memory_space<hbm>>
    %dma_start3A_53 = tpu.memref_squeeze %dma_start3A_52 : memref<1x64xi32, #tpu.memory_space<hbm>> -> memref<64xi32, #tpu.memory_space<hbm>>
    tpu.enqueue_dma source(%dma_start3A_53 : memref<64xi32, #tpu.memory_space<hbm>>) target(%dma_start3A_51 : memref<64xi32, #tpu.memory_space<vmem>>) target_semaphore(%arg14 : memref<!tpu.dma_semaphore, #tpu.memory_space<semaphore_mem>>)
    %dma_wait3A = arith.constant 0 : i32
    %dma_wait3A_54 = arith.constant 0 : i32
    %dma_wait3A_55 = arith.constant 0 : i32
    %dma_wait3A_56 = tpu.memref_slice %arg6[%dma_wait3A_54, %dma_wait3A_55] : memref<4x64xi32, #tpu.memory_space<vmem>> -> memref<1x64xi32, #tpu.memory_space<vmem>>
    %dma_wait3A_57 = tpu.memref_squeeze %dma_wait3A_56 : memref<1x64xi32, #tpu.memory_space<vmem>> -> memref<64xi32, #tpu.memory_space<vmem>>
    %dma_wait3A_58 = tpu.memref_slice %arg2[%dma_wait3A, %mul3A_2] : memref<4x2048xi32, #tpu.memory_space<hbm>> -> memref<1x64xi32, #tpu.memory_space<hbm>>
    %dma_wait3A_59 = tpu.memref_squeeze %dma_wait3A_58 : memref<1x64xi32, #tpu.memory_space<hbm>> -> memref<64xi32, #tpu.memory_space<hbm>>
    %dma_wait3A_60 = arith.constant 0 : i32
    %dma_wait3A_61 = tpu.memref_slice %arg6[%dma_wait3A_54, %dma_wait3A_60] : memref<4x64xi32, #tpu.memory_space<vmem>> -> memref<1x64xi32, #tpu.memory_space<vmem>>
    %dma_wait3A_62 = tpu.memref_squeeze %dma_wait3A_61 : memref<1x64xi32, #tpu.memory_space<vmem>> -> memref<64xi32, #tpu.memory_space<vmem>>
    %dma_wait3A_63 = tpu.memref_slice %arg2[%dma_wait3A, %mul3A_2] : memref<4x2048xi32, #tpu.memory_space<hbm>> -> memref<1x64xi32, #tpu.memory_space<hbm>>
    %dma_wait3A_64 = tpu.memref_squeeze %dma_wait3A_63 : memref<1x64xi32, #tpu.memory_space<hbm>> -> memref<64xi32, #tpu.memory_space<hbm>>
    tpu.wait_dma2 semaphore(%arg14 : memref<!tpu.dma_semaphore, #tpu.memory_space<semaphore_mem>>) src(%dma_wait3A_64 : memref<64xi32, #tpu.memory_space<hbm>>) dst(%dma_wait3A_62 : memref<64xi32, #tpu.memory_space<vmem>>)
    %dma_wait3A_65 = arith.constant 1 : i32
    %dma_wait3A_66 = arith.constant 1 : i32
    %dma_wait3A_67 = arith.constant 0 : i32
    %dma_wait3A_68 = tpu.memref_slice %arg6[%dma_wait3A_66, %dma_wait3A_67] : memref<4x64xi32, #tpu.memory_space<vmem>> -> memref<1x64xi32, #tpu.memory_space<vmem>>
    %dma_wait3A_69 = tpu.memref_squeeze %dma_wait3A_68 : memref<1x64xi32, #tpu.memory_space<vmem>> -> memref<64xi32, #tpu.memory_space<vmem>>
    %dma_wait3A_70 = tpu.memref_slice %arg2[%dma_wait3A_65, %mul3A_2] : memref<4x2048xi32, #tpu.memory_space<hbm>> -> memref<1x64xi32, #tpu.memory_space<hbm>>
    %dma_wait3A_71 = tpu.memref_squeeze %dma_wait3A_70 : memref<1x64xi32, #tpu.memory_space<hbm>> -> memref<64xi32, #tpu.memory_space<hbm>>
    %dma_wait3A_72 = arith.constant 0 : i32
    %dma_wait3A_73 = tpu.memref_slice %arg6[%dma_wait3A_66, %dma_wait3A_72] : memref<4x64xi32, #tpu.memory_space<vmem>> -> memref<1x64xi32, #tpu.memory_space<vmem>>
    %dma_wait3A_74 = tpu.memref_squeeze %dma_wait3A_73 : memref<1x64xi32, #tpu.memory_space<vmem>> -> memref<64xi32, #tpu.memory_space<vmem>>
    %dma_wait3A_75 = tpu.memref_slice %arg2[%dma_wait3A_65, %mul3A_2] : memref<4x2048xi32, #tpu.memory_space<hbm>> -> memref<1x64xi32, #tpu.memory_space<hbm>>
    %dma_wait3A_76 = tpu.memref_squeeze %dma_wait3A_75 : memref<1x64xi32, #tpu.memory_space<hbm>> -> memref<64xi32, #tpu.memory_space<hbm>>
    tpu.wait_dma2 semaphore(%arg14 : memref<!tpu.dma_semaphore, #tpu.memory_space<semaphore_mem>>) src(%dma_wait3A_76 : memref<64xi32, #tpu.memory_space<hbm>>) dst(%dma_wait3A_74 : memref<64xi32, #tpu.memory_space<vmem>>)
    %dma_wait3A_77 = arith.constant 2 : i32
    %dma_wait3A_78 = arith.constant 2 : i32
    %dma_wait3A_79 = arith.constant 0 : i32
    %dma_wait3A_80 = tpu.memref_slice %arg6[%dma_wait3A_78, %dma_wait3A_79] : memref<4x64xi32, #tpu.memory_space<vmem>> -> memref<1x64xi32, #tpu.memory_space<vmem>>
    %dma_wait3A_81 = tpu.memref_squeeze %dma_wait3A_80 : memref<1x64xi32, #tpu.memory_space<vmem>> -> memref<64xi32, #tpu.memory_space<vmem>>
    %dma_wait3A_82 = tpu.memref_slice %arg2[%dma_wait3A_77, %mul3A_2] : memref<4x2048xi32, #tpu.memory_space<hbm>> -> memref<1x64xi32, #tpu.memory_space<hbm>>
    %dma_wait3A_83 = tpu.memref_squeeze %dma_wait3A_82 : memref<1x64xi32, #tpu.memory_space<hbm>> -> memref<64xi32, #tpu.memory_space<hbm>>
    %dma_wait3A_84 = arith.constant 0 : i32
    %dma_wait3A_85 = tpu.memref_slice %arg6[%dma_wait3A_78, %dma_wait3A_84] : memref<4x64xi32, #tpu.memory_space<vmem>> -> memref<1x64xi32, #tpu.memory_space<vmem>>
    %dma_wait3A_86 = tpu.memref_squeeze %dma_wait3A_85 : memref<1x64xi32, #tpu.memory_space<vmem>> -> memref<64xi32, #tpu.memory_space<vmem>>
    %dma_wait3A_87 = tpu.memref_slice %arg2[%dma_wait3A_77, %mul3A_2] : memref<4x2048xi32, #tpu.memory_space<hbm>> -> memref<1x64xi32, #tpu.memory_space<hbm>>
    %dma_wait3A_88 = tpu.memref_squeeze %dma_wait3A_87 : memref<1x64xi32, #tpu.memory_space<hbm>> -> memref<64xi32, #tpu.memory_space<hbm>>
    tpu.wait_dma2 semaphore(%arg14 : memref<!tpu.dma_semaphore, #tpu.memory_space<semaphore_mem>>) src(%dma_wait3A_88 : memref<64xi32, #tpu.memory_space<hbm>>) dst(%dma_wait3A_86 : memref<64xi32, #tpu.memory_space<vmem>>)
    %dma_wait3A_89 = arith.constant 3 : i32
    %dma_wait3A_90 = arith.constant 3 : i32
    %dma_wait3A_91 = arith.constant 0 : i32
    %dma_wait3A_92 = tpu.memref_slice %arg6[%dma_wait3A_90, %dma_wait3A_91] : memref<4x64xi32, #tpu.memory_space<vmem>> -> memref<1x64xi32, #tpu.memory_space<vmem>>
    %dma_wait3A_93 = tpu.memref_squeeze %dma_wait3A_92 : memref<1x64xi32, #tpu.memory_space<vmem>> -> memref<64xi32, #tpu.memory_space<vmem>>
    %dma_wait3A_94 = tpu.memref_slice %arg2[%dma_wait3A_89, %mul3A_2] : memref<4x2048xi32, #tpu.memory_space<hbm>> -> memref<1x64xi32, #tpu.memory_space<hbm>>
    %dma_wait3A_95 = tpu.memref_squeeze %dma_wait3A_94 : memref<1x64xi32, #tpu.memory_space<hbm>> -> memref<64xi32, #tpu.memory_space<hbm>>
    %dma_wait3A_96 = arith.constant 0 : i32
    %dma_wait3A_97 = tpu.memref_slice %arg6[%dma_wait3A_90, %dma_wait3A_96] : memref<4x64xi32, #tpu.memory_space<vmem>> -> memref<1x64xi32, #tpu.memory_space<vmem>>
    %dma_wait3A_98 = tpu.memref_squeeze %dma_wait3A_97 : memref<1x64xi32, #tpu.memory_space<vmem>> -> memref<64xi32, #tpu.memory_space<vmem>>
    %dma_wait3A_99 = tpu.memref_slice %arg2[%dma_wait3A_89, %mul3A_2] : memref<4x2048xi32, #tpu.memory_space<hbm>> -> memref<1x64xi32, #tpu.memory_space<hbm>>
    %dma_wait3A_100 = tpu.memref_squeeze %dma_wait3A_99 : memref<1x64xi32, #tpu.memory_space<hbm>> -> memref<64xi32, #tpu.memory_space<hbm>>
    tpu.wait_dma2 semaphore(%arg14 : memref<!tpu.dma_semaphore, #tpu.memory_space<semaphore_mem>>) src(%dma_wait3A_100 : memref<64xi32, #tpu.memory_space<hbm>>) dst(%dma_wait3A_98 : memref<64xi32, #tpu.memory_space<vmem>>)
    %dma_start3A_101 = arith.constant 0 : i32
    %dma_start3A_102 = arith.constant 0 : i32
    %dma_start3A_103 = arith.constant 0 : i32
    %dma_start3A_104 = arith.constant 0 : i32
    %dma_start3A_105 = tpu.memref_slice %arg7[%dma_start3A_102, %dma_start3A_103, %dma_start3A_104] : memref<2x32x768xf32, #tpu.memory_space<vmem>> -> memref<1x32x768xf32, #tpu.memory_space<vmem>>
    %dma_start3A_106 = tpu.memref_squeeze %dma_start3A_105 : memref<1x32x768xf32, #tpu.memory_space<vmem>> -> memref<32x768xf32, #tpu.memory_space<vmem>>
    %dma_start3A_107 = arith.constant 0 : i32
    %dma_start3A_108 = tpu.memref_slice %arg6[%dma_start3A_101, %dma_start3A_107] : memref<4x64xi32, #tpu.memory_space<vmem>> -> memref<1x32xi32, #tpu.memory_space<vmem>>
    %dma_start3A_109 = tpu.memref_squeeze %dma_start3A_108 : memref<1x32xi32, #tpu.memory_space<vmem>> -> memref<32xi32, #tpu.memory_space<vmem>>
    %dma_start3A_110 = arith.constant 0 : i32
    %dma_start3A_111 = arith.constant 0 : i32
    %dma_start3A_112 = tpu.memref_slice %arg3[%dma_start3A_110, %dma_start3A_111] : memref<100000x768xf32, #tpu.memory_space<hbm>> -> memref<100000x768xf32, #tpu.memory_space<hbm>>
    tpu.enqueue_indirect_dma source(%dma_start3A_112 : memref<100000x768xf32, #tpu.memory_space<hbm>>) target(%dma_start3A_106 : memref<32x768xf32, #tpu.memory_space<vmem>>) offsets(%dma_start3A_109 : memref<32xi32, #tpu.memory_space<vmem>>) semaphore(%arg9 : memref<!tpu.dma_semaphore, #tpu.memory_space<semaphore_mem>>)
    %dma_wait3A_113 = arith.constant 0 : i32
    %dma_wait3A_114 = tpu.memref_slice %arg4[%mul3A_2, %dma_wait3A_113] : memref<2048x768xf32, #tpu.memory_space<hbm>> -> memref<64x768xf32, #tpu.memory_space<hbm>>
    %dma_wait3A_115 = arith.constant 0 : i32
    %dma_wait3A_116 = tpu.memref_slice %arg4[%mul3A_2, %dma_wait3A_115] : memref<2048x768xf32, #tpu.memory_space<hbm>> -> memref<64x768xf32, #tpu.memory_space<hbm>>
    tpu.wait_dma2 semaphore(%arg13 : memref<!tpu.dma_semaphore, #tpu.memory_space<semaphore_mem>>) src(%dma_wait3A_116 : memref<64x768xf32, #tpu.memory_space<hbm>>) dst(%arg8 : memref<64x768xf32, #tpu.memory_space<vmem>>)
    %scan3A = arith.constant 0 : i32
    %scan3A_117 = arith.constant 0 : i32
    %scan3A_118 = arith.constant 4 : i32
    %scan3A_119 = arith.addi %scan3A_117, %scan3A_118 : i32
    %scan3A_120 = arith.constant 1 : i32
    %scan3A_121 = scf.for %scan3A_155 = %scan3A_117 to %scan3A_119 step %scan3A_120 iter_args(%scan3A_156 = %scan3A) -> (i32)  : i32 {
      %mul3A_157 = arith.constant 1 : i32
      %mul3A_158 = arith.muli %scan3A_155, %mul3A_157 : i32
      %add3A_159 = arith.constant 0 : i32
      %add3A_160 = arith.addi %mul3A_158, %add3A_159 : i32
      %ge3A = arith.constant 1 : i32
      %ge3A_161 = arith.cmpi sge, %scan3A_155, %ge3A : i32
      %convert_element_type3A = arith.extui %ge3A_161 : i1 to i32
      %cond3A = arith.constant 0 : i32
      %cond3A_162 = arith.cmpi ne, %convert_element_type3A, %cond3A : i32
      scf.if %cond3A_162 {
        %dma_wait3A_254 = arith.constant 1 : i32
        %dma_wait3A_255 = arith.constant 0 : i32
        %dma_wait3A_256 = arith.constant 0 : i32
        %dma_wait3A_257 = arith.constant 0 : i32
        %dma_wait3A_258 = tpu.memref_slice %arg7[%dma_wait3A_254, %dma_wait3A_256, %dma_wait3A_257] : memref<2x32x768xf32, #tpu.memory_space<vmem>> -> memref<1x32x768xf32, #tpu.memory_space<vmem>>
        %dma_wait3A_259 = tpu.memref_squeeze %dma_wait3A_258 : memref<1x32x768xf32, #tpu.memory_space<vmem>> -> memref<32x768xf32, #tpu.memory_space<vmem>>
        %dma_wait3A_260 = arith.constant 0 : i32
        %dma_wait3A_261 = tpu.memref_slice %arg5[%dma_wait3A_255, %mul3A_2, %dma_wait3A_260] : memref<4x2048x768xf32, #tpu.memory_space<hbm>> -> memref<1x32x768xf32, #tpu.memory_space<hbm>>
        %dma_wait3A_262 = tpu.memref_squeeze %dma_wait3A_261 : memref<1x32x768xf32, #tpu.memory_space<hbm>> -> memref<32x768xf32, #tpu.memory_space<hbm>>
        %dma_wait3A_263 = arith.constant 0 : i32
        %dma_wait3A_264 = tpu.memref_slice %arg5[%dma_wait3A_255, %mul3A_2, %dma_wait3A_263] : memref<4x2048x768xf32, #tpu.memory_space<hbm>> -> memref<1x32x768xf32, #tpu.memory_space<hbm>>
        %dma_wait3A_265 = tpu.memref_squeeze %dma_wait3A_264 : memref<1x32x768xf32, #tpu.memory_space<hbm>> -> memref<32x768xf32, #tpu.memory_space<hbm>>
        %dma_wait3A_266 = arith.constant 0 : i32
        %dma_wait3A_267 = arith.constant 0 : i32
        %dma_wait3A_268 = tpu.memref_slice %arg7[%dma_wait3A_254, %dma_wait3A_266, %dma_wait3A_267] : memref<2x32x768xf32, #tpu.memory_space<vmem>> -> memref<1x32x768xf32, #tpu.memory_space<vmem>>
        %dma_wait3A_269 = tpu.memref_squeeze %dma_wait3A_268 : memref<1x32x768xf32, #tpu.memory_space<vmem>> -> memref<32x768xf32, #tpu.memory_space<vmem>>
        tpu.wait_dma2 semaphore(%arg12 : memref<!tpu.dma_semaphore, #tpu.memory_space<semaphore_mem>>) src(%dma_wait3A_269 : memref<32x768xf32, #tpu.memory_space<vmem>>) dst(%dma_wait3A_265 : memref<32x768xf32, #tpu.memory_space<hbm>>)
      } else {
      }
      %dma_start3A_163 = arith.constant 1 : i32
      %dma_start3A_164 = arith.constant 0 : i32
      %dma_start3A_165 = arith.constant 0 : i32
      %dma_start3A_166 = tpu.memref_slice %arg7[%dma_start3A_163, %dma_start3A_164, %dma_start3A_165] : memref<2x32x768xf32, #tpu.memory_space<vmem>> -> memref<1x32x768xf32, #tpu.memory_space<vmem>>
      %dma_start3A_167 = tpu.memref_squeeze %dma_start3A_166 : memref<1x32x768xf32, #tpu.memory_space<vmem>> -> memref<32x768xf32, #tpu.memory_space<vmem>>
      %dma_start3A_168 = arith.constant 32 : i32
      %dma_start3A_169 = tpu.memref_slice %arg6[%add3A_160, %dma_start3A_168] : memref<4x64xi32, #tpu.memory_space<vmem>> -> memref<1x32xi32, #tpu.memory_space<vmem>>
      %dma_start3A_170 = tpu.memref_squeeze %dma_start3A_169 : memref<1x32xi32, #tpu.memory_space<vmem>> -> memref<32xi32, #tpu.memory_space<vmem>>
      %dma_start3A_171 = arith.constant 0 : i32
      %dma_start3A_172 = arith.constant 0 : i32
      %dma_start3A_173 = tpu.memref_slice %arg3[%dma_start3A_171, %dma_start3A_172] : memref<100000x768xf32, #tpu.memory_space<hbm>> -> memref<100000x768xf32, #tpu.memory_space<hbm>>
      tpu.enqueue_indirect_dma source(%dma_start3A_173 : memref<100000x768xf32, #tpu.memory_space<hbm>>) target(%dma_start3A_167 : memref<32x768xf32, #tpu.memory_space<vmem>>) offsets(%dma_start3A_170 : memref<32xi32, #tpu.memory_space<vmem>>) semaphore(%arg10 : memref<!tpu.dma_semaphore, #tpu.memory_space<semaphore_mem>>)
      %dma_wait3A_174 = arith.constant 0 : i32
      %dma_wait3A_175 = arith.constant 0 : i32
      %dma_wait3A_176 = arith.constant 0 : i32
      %dma_wait3A_177 = arith.constant 0 : i32
      %dma_wait3A_178 = tpu.memref_slice %arg7[%dma_wait3A_175, %dma_wait3A_176, %dma_wait3A_177] : memref<2x32x768xf32, #tpu.memory_space<vmem>> -> memref<1x32x768xf32, #tpu.memory_space<vmem>>
      %dma_wait3A_179 = tpu.memref_squeeze %dma_wait3A_178 : memref<1x32x768xf32, #tpu.memory_space<vmem>> -> memref<32x768xf32, #tpu.memory_space<vmem>>
      %dma_wait3A_180 = arith.constant 0 : i32
      %dma_wait3A_181 = tpu.memref_slice %arg6[%dma_wait3A_174, %dma_wait3A_180] : memref<4x64xi32, #tpu.memory_space<vmem>> -> memref<1x32xi32, #tpu.memory_space<vmem>>
      %dma_wait3A_182 = tpu.memref_squeeze %dma_wait3A_181 : memref<1x32xi32, #tpu.memory_space<vmem>> -> memref<32xi32, #tpu.memory_space<vmem>>
      %dma_wait3A_183 = arith.constant 0 : i32
      %dma_wait3A_184 = arith.constant 0 : i32
      %dma_wait3A_185 = tpu.memref_slice %arg3[%dma_wait3A_183, %dma_wait3A_184] : memref<100000x768xf32, #tpu.memory_space<hbm>> -> memref<100000x768xf32, #tpu.memory_space<hbm>>
      tpu.wait_indirect_dma semaphore(%arg9 : memref<!tpu.dma_semaphore, #tpu.memory_space<semaphore_mem>>) src(%dma_wait3A_185 : memref<100000x768xf32, #tpu.memory_space<hbm>>) dst(%dma_wait3A_179 : memref<32x768xf32, #tpu.memory_space<vmem>>)
      %parallel_loop3A = arith.constant 0 : i32
      %parallel_loop3A_186 = arith.constant 32 : i32
      %parallel_loop3A_187 = arith.constant 1 : i32
      scf.for %parallel_loop3A_254 = %parallel_loop3A to %parallel_loop3A_186 step %parallel_loop3A_187  : i32 {
        %parallel_loop3A_255 = arith.constant 0 : i32
        %parallel_loop3A_256 = arith.addi %parallel_loop3A_255, %parallel_loop3A_254 : i32
        %parallel_loop3A_257 = arith.index_cast %parallel_loop3A_256 : i32 to index
        %parallel_loop3A_258 = arith.constant 0 : index
        %parallel_loop3A_259 = tpu.vector_load %arg8[%parallel_loop3A_257, %parallel_loop3A_258] {strides = array<i32>} : memref<64x768xf32, #tpu.memory_space<vmem>>, vector<1x16xf32>,
        %parallel_loop3A_260 = vector.shape_cast %parallel_loop3A_259 : vector<1x16xf32> to vector<16xf32>
        %parallel_loop3A_261 = arith.constant 0 : i32
        %parallel_loop3A_262 = arith.index_cast %parallel_loop3A_261 : i32 to index
        %parallel_loop3A_263 = arith.index_cast %parallel_loop3A_254 : i32 to index
        %parallel_loop3A_264 = arith.constant 0 : index
        %parallel_loop3A_265 = tpu.vector_load %arg7[%parallel_loop3A_262, %parallel_loop3A_263, %parallel_loop3A_264] {strides = array<i32>} : memref<2x32x768xf32, #tpu.memory_space<vmem>>, vector<1x1x16xf32>,
        %parallel_loop3A_266 = vector.shape_cast %parallel_loop3A_265 : vector<1x1x16xf32> to vector<16xf32>
        %parallel_loop3A_267 = vector.shape_cast %parallel_loop3A_260 : vector<16xf32> to vector<1x1x16xf32>
        tpu.vector_store %arg7[%parallel_loop3A_262, %parallel_loop3A_263, %parallel_loop3A_264], %parallel_loop3A_267 {add = true, strides = array<i32>} : memref<2x32x768xf32, #tpu.memory_space<vmem>>, vector<1x1x16xf32>,
        %parallel_loop3A_268 = arith.constant 0 : i32
        %parallel_loop3A_269 = arith.addi %parallel_loop3A_268, %parallel_loop3A_254 : i32
        %parallel_loop3A_270 = arith.index_cast %parallel_loop3A_269 : i32 to index
        %parallel_loop3A_271 = arith.constant 16 : index
        %parallel_loop3A_272 = tpu.vector_load %arg8[%parallel_loop3A_270, %parallel_loop3A_271] {strides = array<i32>} : memref<64x768xf32, #tpu.memory_space<vmem>>, vector<1x16xf32>,
        %parallel_loop3A_273 = vector.shape_cast %parallel_loop3A_272 : vector<1x16xf32> to vector<16xf32>
        %parallel_loop3A_274 = arith.constant 0 : i32
        %parallel_loop3A_275 = arith.index_cast %parallel_loop3A_274 : i32 to index
        %parallel_loop3A_276 = arith.index_cast %parallel_loop3A_254 : i32 to index
        %parallel_loop3A_277 = arith.constant 16 : index
        %parallel_loop3A_278 = tpu.vector_load %arg7[%parallel_loop3A_275, %parallel_loop3A_276, %parallel_loop3A_277] {strides = array<i32>} : memref<2x32x768xf32, #tpu.memory_space<vmem>>, vector<1x1x16xf32>,
        %parallel_loop3A_279 = vector.shape_cast %parallel_loop3A_278 : vector<1x1x16xf32> to vector<16xf32>
        %parallel_loop3A_280 = vector.shape_cast %parallel_loop3A_273 : vector<16xf32> to vector<1x1x16xf32>
        tpu.vector_store %arg7[%parallel_loop3A_275, %parallel_loop3A_276, %parallel_loop3A_277], %parallel_loop3A_280 {add = true, strides = array<i32>} : memref<2x32x768xf32, #tpu.memory_space<vmem>>, vector<1x1x16xf32>,
        %parallel_loop3A_281 = arith.constant 0 : i32
        %parallel_loop3A_282 = arith.addi %parallel_loop3A_281, %parallel_loop3A_254 : i32
        %parallel_loop3A_283 = arith.index_cast %parallel_loop3A_282 : i32 to index
        %parallel_loop3A_284 = arith.constant 32 : index
        %parallel_loop3A_285 = tpu.vector_load %arg8[%parallel_loop3A_283, %parallel_loop3A_284] {strides = array<i32>} : memref<64x768xf32, #tpu.memory_space<vmem>>, vector<1x16xf32>,
        %parallel_loop3A_286 = vector.shape_cast %parallel_loop3A_285 : vector<1x16xf32> to vector<16xf32>
        %parallel_loop3A_287 = arith.constant 0 : i32
        %parallel_loop3A_288 = arith.index_cast %parallel_loop3A_287 : i32 to index
        %parallel_loop3A_289 = arith.index_cast %parallel_loop3A_254 : i32 to index
        %parallel_loop3A_290 = arith.constant 32 : index
        %parallel_loop3A_291 = tpu.vector_load %arg7[%parallel_loop3A_288, %parallel_loop3A_289, %parallel_loop3A_290] {strides = array<i32>} : memref<2x32x768xf32, #tpu.memory_space<vmem>>, vector<1x1x16xf32>,
        %parallel_loop3A_292 = vector.shape_cast %parallel_loop3A_291 : vector<1x1x16xf32> to vector<16xf32>
        %parallel_loop3A_293 = vector.shape_cast %parallel_loop3A_286 : vector<16xf32> to vector<1x1x16xf32>
        tpu.vector_store %arg7[%parallel_loop3A_288, %parallel_loop3A_289, %parallel_loop3A_290], %parallel_loop3A_293 {add = true, strides = array<i32>} : memref<2x32x768xf32, #tpu.memory_space<vmem>>, vector<1x1x16xf32>,
        %parallel_loop3A_294 = arith.constant 0 : i32
        %parallel_loop3A_295 = arith.addi %parallel_loop3A_294, %parallel_loop3A_254 : i32
        %parallel_loop3A_296 = arith.index_cast %parallel_loop3A_295 : i32 to index
        %parallel_loop3A_297 = arith.constant 48 : index
        %parallel_loop3A_298 = tpu.vector_load %arg8[%parallel_loop3A_296, %parallel_loop3A_297] {strides = array<i32>} : memref<64x768xf32, #tpu.memory_space<vmem>>, vector<1x16xf32>,
        %parallel_loop3A_299 = vector.shape_cast %parallel_loop3A_298 : vector<1x16xf32> to vector<16xf32>
        %parallel_loop3A_300 = arith.constant 0 : i32
        %parallel_loop3A_301 = arith.index_cast %parallel_loop3A_300 : i32 to index
        %parallel_loop3A_302 = arith.index_cast %parallel_loop3A_254 : i32 to index
        %parallel_loop3A_303 = arith.constant 48 : index
        %parallel_loop3A_304 = tpu.vector_load %arg7[%parallel_loop3A_301, %parallel_loop3A_302, %parallel_loop3A_303] {strides = array<i32>} : memref<2x32x768xf32, #tpu.memory_space<vmem>>, vector<1x1x16xf32>,
        %parallel_loop3A_305 = vector.shape_cast %parallel_loop3A_304 : vector<1x1x16xf32> to vector<16xf32>
        %parallel_loop3A_306 = vector.shape_cast %parallel_loop3A_299 : vector<16xf32> to vector<1x1x16xf32>
        tpu.vector_store %arg7[%parallel_loop3A_301, %parallel_loop3A_302, %parallel_loop3A_303], %parallel_loop3A_306 {add = true, strides = array<i32>} : memref<2x32x768xf32, #tpu.memory_space<vmem>>, vector<1x1x16xf32>,
        %parallel_loop3A_307 = arith.constant 0 : i32
        %parallel_loop3A_308 = arith.addi %parallel_loop3A_307, %parallel_loop3A_254 : i32
        %parallel_loop3A_309 = arith.index_cast %parallel_loop3A_308 : i32 to index
        %parallel_loop3A_310 = arith.constant 64 : index
        %parallel_loop3A_311 = tpu.vector_load %arg8[%parallel_loop3A_309, %parallel_loop3A_310] {strides = array<i32>} : memref<64x768xf32, #tpu.memory_space<vmem>>, vector<1x16xf32>,
        %parallel_loop3A_312 = vector.shape_cast %parallel_loop3A_311 : vector<1x16xf32> to vector<16xf32>
        %parallel_loop3A_313 = arith.constant 0 : i32
        %parallel_loop3A_314 = arith.index_cast %parallel_loop3A_313 : i32 to index
        %parallel_loop3A_315 = arith.index_cast %parallel_loop3A_254 : i32 to index
        %parallel_loop3A_316 = arith.constant 64 : index
        %parallel_loop3A_317 = tpu.vector_load %arg7[%parallel_loop3A_314, %parallel_loop3A_315, %parallel_loop3A_316] {strides = array<i32>} : memref<2x32x768xf32, #tpu.memory_space<vmem>>, vector<1x1x16xf32>,
        %parallel_loop3A_318 = vector.shape_cast %parallel_loop3A_317 : vector<1x1x16xf32> to vector<16xf32>
        %parallel_loop3A_319 = vector.shape_cast %parallel_loop3A_312 : vector<16xf32> to vector<1x1x16xf32>
        tpu.vector_store %arg7[%parallel_loop3A_314, %parallel_loop3A_315, %parallel_loop3A_316], %parallel_loop3A_319 {add = true, strides = array<i32>} : memref<2x32x768xf32, #tpu.memory_space<vmem>>, vector<1x1x16xf32>,
        %parallel_loop3A_320 = arith.constant 0 : i32
        %parallel_loop3A_321 = arith.addi %parallel_loop3A_320, %parallel_loop3A_254 : i32
        %parallel_loop3A_322 = arith.index_cast %parallel_loop3A_321 : i32 to index
        %parallel_loop3A_323 = arith.constant 80 : index
        %parallel_loop3A_324 = tpu.vector_load %arg8[%parallel_loop3A_322, %parallel_loop3A_323] {strides = array<i32>} : memref<64x768xf32, #tpu.memory_space<vmem>>, vector<1x16xf32>,
        %parallel_loop3A_325 = vector.shape_cast %parallel_loop3A_324 : vector<1x16xf32> to vector<16xf32>
        %parallel_loop3A_326 = arith.constant 0 : i32
        %parallel_loop3A_327 = arith.index_cast %parallel_loop3A_326 : i32 to index
        %parallel_loop3A_328 = arith.index_cast %parallel_loop3A_254 : i32 to index
        %parallel_loop3A_329 = arith.constant 80 : index
        %parallel_loop3A_330 = tpu.vector_load %arg7[%parallel_loop3A_327, %parallel_loop3A_328, %parallel_loop3A_329] {strides = array<i32>} : memref<2x32x768xf32, #tpu.memory_space<vmem>>, vector<1x1x16xf32>,
        %parallel_loop3A_331 = vector.shape_cast %parallel_loop3A_330 : vector<1x1x16xf32> to vector<16xf32>
        %parallel_loop3A_332 = vector.shape_cast %parallel_loop3A_325 : vector<16xf32> to vector<1x1x16xf32>
        tpu.vector_store %arg7[%parallel_loop3A_327, %parallel_loop3A_328, %parallel_loop3A_329], %parallel_loop3A_332 {add = true, strides = array<i32>} : memref<2x32x768xf32, #tpu.memory_space<vmem>>, vector<1x1x16xf32>,
        %parallel_loop3A_333 = arith.constant 0 : i32
        %parallel_loop3A_334 = arith.addi %parallel_loop3A_333, %parallel_loop3A_254 : i32
        %parallel_loop3A_335 = arith.index_cast %parallel_loop3A_334 : i32 to index
        %parallel_loop3A_336 = arith.constant 96 : index
        %parallel_loop3A_337 = tpu.vector_load %arg8[%parallel_loop3A_335, %parallel_loop3A_336] {strides = array<i32>} : memref<64x768xf32, #tpu.memory_space<vmem>>, vector<1x16xf32>,
        %parallel_loop3A_338 = vector.shape_cast %parallel_loop3A_337 : vector<1x16xf32> to vector<16xf32>
        %parallel_loop3A_339 = arith.constant 0 : i32
        %parallel_loop3A_340 = arith.index_cast %parallel_loop3A_339 : i32 to index
        %parallel_loop3A_341 = arith.index_cast %parallel_loop3A_254 : i32 to index
        %parallel_loop3A_342 = arith.constant 96 : index
        %parallel_loop3A_343 = tpu.vector_load %arg7[%parallel_loop3A_340, %parallel_loop3A_341, %parallel_loop3A_342] {strides = array<i32>} : memref<2x32x768xf32, #tpu.memory_space<vmem>>, vector<1x1x16xf32>,
        %parallel_loop3A_344 = vector.shape_cast %parallel_loop3A_343 : vector<1x1x16xf32> to vector<16xf32>
        %parallel_loop3A_345 = vector.shape_cast %parallel_loop3A_338 : vector<16xf32> to vector<1x1x16xf32>
        tpu.vector_store %arg7[%parallel_loop3A_340, %parallel_loop3A_341, %parallel_loop3A_342], %parallel_loop3A_345 {add = true, strides = array<i32>} : memref<2x32x768xf32, #tpu.memory_space<vmem>>, vector<1x1x16xf32>,
        %parallel_loop3A_346 = arith.constant 0 : i32
        %parallel_loop3A_347 = arith.addi %parallel_loop3A_346, %parallel_loop3A_254 : i32
        %parallel_loop3A_348 = arith.index_cast %parallel_loop3A_347 : i32 to index
        %parallel_loop3A_349 = arith.constant 112 : index
        %parallel_loop3A_350 = tpu.vector_load %arg8[%parallel_loop3A_348, %parallel_loop3A_349] {strides = array<i32>} : memref<64x768xf32, #tpu.memory_space<vmem>>, vector<1x16xf32>,
        %parallel_loop3A_351 = vector.shape_cast %parallel_loop3A_350 : vector<1x16xf32> to vector<16xf32>
        %parallel_loop3A_352 = arith.constant 0 : i32
        %parallel_loop3A_353 = arith.index_cast %parallel_loop3A_352 : i32 to index
        %parallel_loop3A_354 = arith.index_cast %parallel_loop3A_254 : i32 to index
        %parallel_loop3A_355 = arith.constant 112 : index
        %parallel_loop3A_356 = tpu.vector_load %arg7[%parallel_loop3A_353, %parallel_loop3A_354, %parallel_loop3A_355] {strides = array<i32>} : memref<2x32x768xf32, #tpu.memory_space<vmem>>, vector<1x1x16xf32>,
        %parallel_loop3A_357 = vector.shape_cast %parallel_loop3A_356 : vector<1x1x16xf32> to vector<16xf32>
        %parallel_loop3A_358 = vector.shape_cast %parallel_loop3A_351 : vector<16xf32> to vector<1x1x16xf32>
        tpu.vector_store %arg7[%parallel_loop3A_353, %parallel_loop3A_354, %parallel_loop3A_355], %parallel_loop3A_358 {add = true, strides = array<i32>} : memref<2x32x768xf32, #tpu.memory_space<vmem>>, vector<1x1x16xf32>,
        %parallel_loop3A_359 = arith.constant 0 : i32
        %parallel_loop3A_360 = arith.addi %parallel_loop3A_359, %parallel_loop3A_254 : i32
        %parallel_loop3A_361 = arith.index_cast %parallel_loop3A_360 : i32 to index
        %parallel_loop3A_362 = arith.constant 128 : index
        %parallel_loop3A_363 = tpu.vector_load %arg8[%parallel_loop3A_361, %parallel_loop3A_362] {strides = array<i32>} : memref<64x768xf32, #tpu.memory_space<vmem>>, vector<1x16xf32>,
        %parallel_loop3A_364 = vector.shape_cast %parallel_loop3A_363 : vector<1x16xf32> to vector<16xf32>
        %parallel_loop3A_365 = arith.constant 0 : i32
        %parallel_loop3A_366 = arith.index_cast %parallel_loop3A_365 : i32 to index
        %parallel_loop3A_367 = arith.index_cast %parallel_loop3A_254 : i32 to index
        %parallel_loop3A_368 = arith.constant 128 : index
        %parallel_loop3A_369 = tpu.vector_load %arg7[%parallel_loop3A_366, %parallel_loop3A_367, %parallel_loop3A_368] {strides = array<i32>} : memref<2x32x768xf32, #tpu.memory_space<vmem>>, vector<1x1x16xf32>,
        %parallel_loop3A_370 = vector.shape_cast %parallel_loop3A_369 : vector<1x1x16xf32> to vector<16xf32>
        %parallel_loop3A_371 = vector.shape_cast %parallel_loop3A_364 : vector<16xf32> to vector<1x1x16xf32>
        tpu.vector_store %arg7[%parallel_loop3A_366, %parallel_loop3A_367, %parallel_loop3A_368], %parallel_loop3A_371 {add = true, strides = array<i32>} : memref<2x32x768xf32, #tpu.memory_space<vmem>>, vector<1x1x16xf32>,
        %parallel_loop3A_372 = arith.constant 0 : i32
        %parallel_loop3A_373 = arith.addi %parallel_loop3A_372, %parallel_loop3A_254 : i32
        %parallel_loop3A_374 = arith.index_cast %parallel_loop3A_373 : i32 to index
        %parallel_loop3A_375 = arith.constant 144 : index
        %parallel_loop3A_376 = tpu.vector_load %arg8[%parallel_loop3A_374, %parallel_loop3A_375] {strides = array<i32>} : memref<64x768xf32, #tpu.memory_space<vmem>>, vector<1x16xf32>,
        %parallel_loop3A_377 = vector.shape_cast %parallel_loop3A_376 : vector<1x16xf32> to vector<16xf32>
        %parallel_loop3A_378 = arith.constant 0 : i32
        %parallel_loop3A_379 = arith.index_cast %parallel_loop3A_378 : i32 to index
        %parallel_loop3A_380 = arith.index_cast %parallel_loop3A_254 : i32 to index
        %parallel_loop3A_381 = arith.constant 144 : index
        %parallel_loop3A_382 = tpu.vector_load %arg7[%parallel_loop3A_379, %parallel_loop3A_380, %parallel_loop3A_381] {strides = array<i32>} : memref<2x32x768xf32, #tpu.memory_space<vmem>>, vector<1x1x16xf32>,
        %parallel_loop3A_383 = vector.shape_cast %parallel_loop3A_382 : vector<1x1x16xf32> to vector<16xf32>
        %parallel_loop3A_384 = vector.shape_cast %parallel_loop3A_377 : vector<16xf32> to vector<1x1x16xf32>
        tpu.vector_store %arg7[%parallel_loop3A_379, %parallel_loop3A_380, %parallel_loop3A_381], %parallel_loop3A_384 {add = true, strides = array<i32>} : memref<2x32x768xf32, #tpu.memory_space<vmem>>, vector<1x1x16xf32>,
        %parallel_loop3A_385 = arith.constant 0 : i32
        %parallel_loop3A_386 = arith.addi %parallel_loop3A_385, %parallel_loop3A_254 : i32
        %parallel_loop3A_387 = arith.index_cast %parallel_loop3A_386 : i32 to index
        %parallel_loop3A_388 = arith.constant 160 : index
        %parallel_loop3A_389 = tpu.vector_load %arg8[%parallel_loop3A_387, %parallel_loop3A_388] {strides = array<i32>} : memref<64x768xf32, #tpu.memory_space<vmem>>, vector<1x16xf32>,
        %parallel_loop3A_390 = vector.shape_cast %parallel_loop3A_389 : vector<1x16xf32> to vector<16xf32>
        %parallel_loop3A_391 = arith.constant 0 : i32
        %parallel_loop3A_392 = arith.index_cast %parallel_loop3A_391 : i32 to index
        %parallel_loop3A_393 = arith.index_cast %parallel_loop3A_254 : i32 to index
        %parallel_loop3A_394 = arith.constant 160 : index
        %parallel_loop3A_395 = tpu.vector_load %arg7[%parallel_loop3A_392, %parallel_loop3A_393, %parallel_loop3A_394] {strides = array<i32>} : memref<2x32x768xf32, #tpu.memory_space<vmem>>, vector<1x1x16xf32>,
        %parallel_loop3A_396 = vector.shape_cast %parallel_loop3A_395 : vector<1x1x16xf32> to vector<16xf32>
        %parallel_loop3A_397 = vector.shape_cast %parallel_loop3A_390 : vector<16xf32> to vector<1x1x16xf32>
        tpu.vector_store %arg7[%parallel_loop3A_392, %parallel_loop3A_393, %parallel_loop3A_394], %parallel_loop3A_397 {add = true, strides = array<i32>} : memref<2x32x768xf32, #tpu.memory_space<vmem>>, vector<1x1x16xf32>,
        %parallel_loop3A_398 = arith.constant 0 : i32
        %parallel_loop3A_399 = arith.addi %parallel_loop3A_398, %parallel_loop3A_254 : i32
        %parallel_loop3A_400 = arith.index_cast %parallel_loop3A_399 : i32 to index
        %parallel_loop3A_401 = arith.constant 176 : index
        %parallel_loop3A_402 = tpu.vector_load %arg8[%parallel_loop3A_400, %parallel_loop3A_401] {strides = array<i32>} : memref<64x768xf32, #tpu.memory_space<vmem>>, vector<1x16xf32>,
        %parallel_loop3A_403 = vector.shape_cast %parallel_loop3A_402 : vector<1x16xf32> to vector<16xf32>
        %parallel_loop3A_404 = arith.constant 0 : i32
        %parallel_loop3A_405 = arith.index_cast %parallel_loop3A_404 : i32 to index
        %parallel_loop3A_406 = arith.index_cast %parallel_loop3A_254 : i32 to index
        %parallel_loop3A_407 = arith.constant 176 : index
        %parallel_loop3A_408 = tpu.vector_load %arg7[%parallel_loop3A_405, %parallel_loop3A_406, %parallel_loop3A_407] {strides = array<i32>} : memref<2x32x768xf32, #tpu.memory_space<vmem>>, vector<1x1x16xf32>,
        %parallel_loop3A_409 = vector.shape_cast %parallel_loop3A_408 : vector<1x1x16xf32> to vector<16xf32>
        %parallel_loop3A_410 = vector.shape_cast %parallel_loop3A_403 : vector<16xf32> to vector<1x1x16xf32>
        tpu.vector_store %arg7[%parallel_loop3A_405, %parallel_loop3A_406, %parallel_loop3A_407], %parallel_loop3A_410 {add = true, strides = array<i32>} : memref<2x32x768xf32, #tpu.memory_space<vmem>>, vector<1x1x16xf32>,
        %parallel_loop3A_411 = arith.constant 0 : i32
        %parallel_loop3A_412 = arith.addi %parallel_loop3A_411, %parallel_loop3A_254 : i32
        %parallel_loop3A_413 = arith.index_cast %parallel_loop3A_412 : i32 to index
        %parallel_loop3A_414 = arith.constant 192 : index
        %parallel_loop3A_415 = tpu.vector_load %arg8[%parallel_loop3A_413, %parallel_loop3A_414] {strides = array<i32>} : memref<64x768xf32, #tpu.memory_space<vmem>>, vector<1x16xf32>,
        %parallel_loop3A_416 = vector.shape_cast %parallel_loop3A_415 : vector<1x16xf32> to vector<16xf32>
        %parallel_loop3A_417 = arith.constant 0 : i32
        %parallel_loop3A_418 = arith.index_cast %parallel_loop3A_417 : i32 to index
        %parallel_loop3A_419 = arith.index_cast %parallel_loop3A_254 : i32 to index
        %parallel_loop3A_420 = arith.constant 192 : index
        %parallel_loop3A_421 = tpu.vector_load %arg7[%parallel_loop3A_418, %parallel_loop3A_419, %parallel_loop3A_420] {strides = array<i32>} : memref<2x32x768xf32, #tpu.memory_space<vmem>>, vector<1x1x16xf32>,
        %parallel_loop3A_422 = vector.shape_cast %parallel_loop3A_421 : vector<1x1x16xf32> to vector<16xf32>
        %parallel_loop3A_423 = vector.shape_cast %parallel_loop3A_416 : vector<16xf32> to vector<1x1x16xf32>
        tpu.vector_store %arg7[%parallel_loop3A_418, %parallel_loop3A_419, %parallel_loop3A_420], %parallel_loop3A_423 {add = true, strides = array<i32>} : memref<2x32x768xf32, #tpu.memory_space<vmem>>, vector<1x1x16xf32>,
        %parallel_loop3A_424 = arith.constant 0 : i32
        %parallel_loop3A_425 = arith.addi %parallel_loop3A_424, %parallel_loop3A_254 : i32
        %parallel_loop3A_426 = arith.index_cast %parallel_loop3A_425 : i32 to index
        %parallel_loop3A_427 = arith.constant 208 : index
        %parallel_loop3A_428 = tpu.vector_load %arg8[%parallel_loop3A_426, %parallel_loop3A_427] {strides = array<i32>} : memref<64x768xf32, #tpu.memory_space<vmem>>, vector<1x16xf32>,
        %parallel_loop3A_429 = vector.shape_cast %parallel_loop3A_428 : vector<1x16xf32> to vector<16xf32>
        %parallel_loop3A_430 = arith.constant 0 : i32
        %parallel_loop3A_431 = arith.index_cast %parallel_loop3A_430 : i32 to index
        %parallel_loop3A_432 = arith.index_cast %parallel_loop3A_254 : i32 to index
        %parallel_loop3A_433 = arith.constant 208 : index
        %parallel_loop3A_434 = tpu.vector_load %arg7[%parallel_loop3A_431, %parallel_loop3A_432, %parallel_loop3A_433] {strides = array<i32>} : memref<2x32x768xf32, #tpu.memory_space<vmem>>, vector<1x1x16xf32>,
        %parallel_loop3A_435 = vector.shape_cast %parallel_loop3A_434 : vector<1x1x16xf32> to vector<16xf32>
        %parallel_loop3A_436 = vector.shape_cast %parallel_loop3A_429 : vector<16xf32> to vector<1x1x16xf32>
        tpu.vector_store %arg7[%parallel_loop3A_431, %parallel_loop3A_432, %parallel_loop3A_433], %parallel_loop3A_436 {add = true, strides = array<i32>} : memref<2x32x768xf32, #tpu.memory_space<vmem>>, vector<1x1x16xf32>,
        %parallel_loop3A_437 = arith.constant 0 : i32
        %parallel_loop3A_438 = arith.addi %parallel_loop3A_437, %parallel_loop3A_254 : i32
        %parallel_loop3A_439 = arith.index_cast %parallel_loop3A_438 : i32 to index
        %parallel_loop3A_440 = arith.constant 224 : index
        %parallel_loop3A_441 = tpu.vector_load %arg8[%parallel_loop3A_439, %parallel_loop3A_440] {strides = array<i32>} : memref<64x768xf32, #tpu.memory_space<vmem>>, vector<1x16xf32>,
        %parallel_loop3A_442 = vector.shape_cast %parallel_loop3A_441 : vector<1x16xf32> to vector<16xf32>
        %parallel_loop3A_443 = arith.constant 0 : i32
        %parallel_loop3A_444 = arith.index_cast %parallel_loop3A_443 : i32 to index
        %parallel_loop3A_445 = arith.index_cast %parallel_loop3A_254 : i32 to index
        %parallel_loop3A_446 = arith.constant 224 : index
        %parallel_loop3A_447 = tpu.vector_load %arg7[%parallel_loop3A_444, %parallel_loop3A_445, %parallel_loop3A_446] {strides = array<i32>} : memref<2x32x768xf32, #tpu.memory_space<vmem>>, vector<1x1x16xf32>,
        %parallel_loop3A_448 = vector.shape_cast %parallel_loop3A_447 : vector<1x1x16xf32> to vector<16xf32>
        %parallel_loop3A_449 = vector.shape_cast %parallel_loop3A_442 : vector<16xf32> to vector<1x1x16xf32>
        tpu.vector_store %arg7[%parallel_loop3A_444, %parallel_loop3A_445, %parallel_loop3A_446], %parallel_loop3A_449 {add = true, strides = array<i32>} : memref<2x32x768xf32, #tpu.memory_space<vmem>>, vector<1x1x16xf32>,
        %parallel_loop3A_450 = arith.constant 0 : i32
        %parallel_loop3A_451 = arith.addi %parallel_loop3A_450, %parallel_loop3A_254 : i32
        %parallel_loop3A_452 = arith.index_cast %parallel_loop3A_451 : i32 to index
        %parallel_loop3A_453 = arith.constant 240 : index
        %parallel_loop3A_454 = tpu.vector_load %arg8[%parallel_loop3A_452, %parallel_loop3A_453] {strides = array<i32>} : memref<64x768xf32, #tpu.memory_space<vmem>>, vector<1x16xf32>,
        %parallel_loop3A_455 = vector.shape_cast %parallel_loop3A_454 : vector<1x16xf32> to vector<16xf32>
        %parallel_loop3A_456 = arith.constant 0 : i32
        %parallel_loop3A_457 = arith.index_cast %parallel_loop3A_456 : i32 to index
        %parallel_loop3A_458 = arith.index_cast %parallel_loop3A_254 : i32 to index
        %parallel_loop3A_459 = arith.constant 240 : index
        %parallel_loop3A_460 = tpu.vector_load %arg7[%parallel_loop3A_457, %parallel_loop3A_458, %parallel_loop3A_459] {strides = array<i32>} : memref<2x32x768xf32, #tpu.memory_space<vmem>>, vector<1x1x16xf32>,
        %parallel_loop3A_461 = vector.shape_cast %parallel_loop3A_460 : vector<1x1x16xf32> to vector<16xf32>
        %parallel_loop3A_462 = vector.shape_cast %parallel_loop3A_455 : vector<16xf32> to vector<1x1x16xf32>
        tpu.vector_store %arg7[%parallel_loop3A_457, %parallel_loop3A_458, %parallel_loop3A_459], %parallel_loop3A_462 {add = true, strides = array<i32>} : memref<2x32x768xf32, #tpu.memory_space<vmem>>, vector<1x1x16xf32>,
        %parallel_loop3A_463 = arith.constant 0 : i32
        %parallel_loop3A_464 = arith.addi %parallel_loop3A_463, %parallel_loop3A_254 : i32
        %parallel_loop3A_465 = arith.index_cast %parallel_loop3A_464 : i32 to index
        %parallel_loop3A_466 = arith.constant 256 : index
        %parallel_loop3A_467 = tpu.vector_load %arg8[%parallel_loop3A_465, %parallel_loop3A_466] {strides = array<i32>} : memref<64x768xf32, #tpu.memory_space<vmem>>, vector<1x16xf32>,
        %parallel_loop3A_468 = vector.shape_cast %parallel_loop3A_467 : vector<1x16xf32> to vector<16xf32>
        %parallel_loop3A_469 = arith.constant 0 : i32
        %parallel_loop3A_470 = arith.index_cast %parallel_loop3A_469 : i32 to index
        %parallel_loop3A_471 = arith.index_cast %parallel_loop3A_254 : i32 to index
        %parallel_loop3A_472 = arith.constant 256 : index
        %parallel_loop3A_473 = tpu.vector_load %arg7[%parallel_loop3A_470, %parallel_loop3A_471, %parallel_loop3A_472] {strides = array<i32>} : memref<2x32x768xf32, #tpu.memory_space<vmem>>, vector<1x1x16xf32>,
        %parallel_loop3A_474 = vector.shape_cast %parallel_loop3A_473 : vector<1x1x16xf32> to vector<16xf32>
        %parallel_loop3A_475 = vector.shape_cast %parallel_loop3A_468 : vector<16xf32> to vector<1x1x16xf32>
        tpu.vector_store %arg7[%parallel_loop3A_470, %parallel_loop3A_471, %parallel_loop3A_472], %parallel_loop3A_475 {add = true, strides = array<i32>} : memref<2x32x768xf32, #tpu.memory_space<vmem>>, vector<1x1x16xf32>,
        %parallel_loop3A_476 = arith.constant 0 : i32
        %parallel_loop3A_477 = arith.addi %parallel_loop3A_476, %parallel_loop3A_254 : i32
        %parallel_loop3A_478 = arith.index_cast %parallel_loop3A_477 : i32 to index
        %parallel_loop3A_479 = arith.constant 272 : index
        %parallel_loop3A_480 = tpu.vector_load %arg8[%parallel_loop3A_478, %parallel_loop3A_479] {strides = array<i32>} : memref<64x768xf32, #tpu.memory_space<vmem>>, vector<1x16xf32>,
        %parallel_loop3A_481 = vector.shape_cast %parallel_loop3A_480 : vector<1x16xf32> to vector<16xf32>
        %parallel_loop3A_482 = arith.constant 0 : i32
        %parallel_loop3A_483 = arith.index_cast %parallel_loop3A_482 : i32 to index
        %parallel_loop3A_484 = arith.index_cast %parallel_loop3A_254 : i32 to index
        %parallel_loop3A_485 = arith.constant 272 : index
        %parallel_loop3A_486 = tpu.vector_load %arg7[%parallel_loop3A_483, %parallel_loop3A_484, %parallel_loop3A_485] {strides = array<i32>} : memref<2x32x768xf32, #tpu.memory_space<vmem>>, vector<1x1x16xf32>,
        %parallel_loop3A_487 = vector.shape_cast %parallel_loop3A_486 : vector<1x1x16xf32> to vector<16xf32>
        %parallel_loop3A_488 = vector.shape_cast %parallel_loop3A_481 : vector<16xf32> to vector<1x1x16xf32>
        tpu.vector_store %arg7[%parallel_loop3A_483, %parallel_loop3A_484, %parallel_loop3A_485], %parallel_loop3A_488 {add = true, strides = array<i32>} : memref<2x32x768xf32, #tpu.memory_space<vmem>>, vector<1x1x16xf32>,
        %parallel_loop3A_489 = arith.constant 0 : i32
        %parallel_loop3A_490 = arith.addi %parallel_loop3A_489, %parallel_loop3A_254 : i32
        %parallel_loop3A_491 = arith.index_cast %parallel_loop3A_490 : i32 to index
        %parallel_loop3A_492 = arith.constant 288 : index
        %parallel_loop3A_493 = tpu.vector_load %arg8[%parallel_loop3A_491, %parallel_loop3A_492] {strides = array<i32>} : memref<64x768xf32, #tpu.memory_space<vmem>>, vector<1x16xf32>,
        %parallel_loop3A_494 = vector.shape_cast %parallel_loop3A_493 : vector<1x16xf32> to vector<16xf32>
        %parallel_loop3A_495 = arith.constant 0 : i32
        %parallel_loop3A_496 = arith.index_cast %parallel_loop3A_495 : i32 to index
        %parallel_loop3A_497 = arith.index_cast %parallel_loop3A_254 : i32 to index
        %parallel_loop3A_498 = arith.constant 288 : index
        %parallel_loop3A_499 = tpu.vector_load %arg7[%parallel_loop3A_496, %parallel_loop3A_497, %parallel_loop3A_498] {strides = array<i32>} : memref<2x32x768xf32, #tpu.memory_space<vmem>>, vector<1x1x16xf32>,
        %parallel_loop3A_500 = vector.shape_cast %parallel_loop3A_499 : vector<1x1x16xf32> to vector<16xf32>
        %parallel_loop3A_501 = vector.shape_cast %parallel_loop3A_494 : vector<16xf32> to vector<1x1x16xf32>
        tpu.vector_store %arg7[%parallel_loop3A_496, %parallel_loop3A_497, %parallel_loop3A_498], %parallel_loop3A_501 {add = true, strides = array<i32>} : memref<2x32x768xf32, #tpu.memory_space<vmem>>, vector<1x1x16xf32>,
        %parallel_loop3A_502 = arith.constant 0 : i32
        %parallel_loop3A_503 = arith.addi %parallel_loop3A_502, %parallel_loop3A_254 : i32
        %parallel_loop3A_504 = arith.index_cast %parallel_loop3A_503 : i32 to index
        %parallel_loop3A_505 = arith.constant 304 : index
        %parallel_loop3A_506 = tpu.vector_load %arg8[%parallel_loop3A_504, %parallel_loop3A_505] {strides = array<i32>} : memref<64x768xf32, #tpu.memory_space<vmem>>, vector<1x16xf32>,
        %parallel_loop3A_507 = vector.shape_cast %parallel_loop3A_506 : vector<1x16xf32> to vector<16xf32>
        %parallel_loop3A_508 = arith.constant 0 : i32
        %parallel_loop3A_509 = arith.index_cast %parallel_loop3A_508 : i32 to index
        %parallel_loop3A_510 = arith.index_cast %parallel_loop3A_254 : i32 to index
        %parallel_loop3A_511 = arith.constant 304 : index
        %parallel_loop3A_512 = tpu.vector_load %arg7[%parallel_loop3A_509, %parallel_loop3A_510, %parallel_loop3A_511] {strides = array<i32>} : memref<2x32x768xf32, #tpu.memory_space<vmem>>, vector<1x1x16xf32>,
        %parallel_loop3A_513 = vector.shape_cast %parallel_loop3A_512 : vector<1x1x16xf32> to vector<16xf32>
        %parallel_loop3A_514 = vector.shape_cast %parallel_loop3A_507 : vector<16xf32> to vector<1x1x16xf32>
        tpu.vector_store %arg7[%parallel_loop3A_509, %parallel_loop3A_510, %parallel_loop3A_511], %parallel_loop3A_514 {add = true, strides = array<i32>} : memref<2x32x768xf32, #tpu.memory_space<vmem>>, vector<1x1x16xf32>,
        %parallel_loop3A_515 = arith.constant 0 : i32
        %parallel_loop3A_516 = arith.addi %parallel_loop3A_515, %parallel_loop3A_254 : i32
        %parallel_loop3A_517 = arith.index_cast %parallel_loop3A_516 : i32 to index
        %parallel_loop3A_518 = arith.constant 320 : index
        %parallel_loop3A_519 = tpu.vector_load %arg8[%parallel_loop3A_517, %parallel_loop3A_518] {strides = array<i32>} : memref<64x768xf32, #tpu.memory_space<vmem>>, vector<1x16xf32>,
        %parallel_loop3A_520 = vector.shape_cast %parallel_loop3A_519 : vector<1x16xf32> to vector<16xf32>
        %parallel_loop3A_521 = arith.constant 0 : i32
        %parallel_loop3A_522 = arith.index_cast %parallel_loop3A_521 : i32 to index
        %parallel_loop3A_523 = arith.index_cast %parallel_loop3A_254 : i32 to index
        %parallel_loop3A_524 = arith.constant 320 : index
        %parallel_loop3A_525 = tpu.vector_load %arg7[%parallel_loop3A_522, %parallel_loop3A_523, %parallel_loop3A_524] {strides = array<i32>} : memref<2x32x768xf32, #tpu.memory_space<vmem>>, vector<1x1x16xf32>,
        %parallel_loop3A_526 = vector.shape_cast %parallel_loop3A_525 : vector<1x1x16xf32> to vector<16xf32>
        %parallel_loop3A_527 = vector.shape_cast %parallel_loop3A_520 : vector<16xf32> to vector<1x1x16xf32>
        tpu.vector_store %arg7[%parallel_loop3A_522, %parallel_loop3A_523, %parallel_loop3A_524], %parallel_loop3A_527 {add = true, strides = array<i32>} : memref<2x32x768xf32, #tpu.memory_space<vmem>>, vector<1x1x16xf32>,
        %parallel_loop3A_528 = arith.constant 0 : i32
        %parallel_loop3A_529 = arith.addi %parallel_loop3A_528, %parallel_loop3A_254 : i32
        %parallel_loop3A_530 = arith.index_cast %parallel_loop3A_529 : i32 to index
        %parallel_loop3A_531 = arith.constant 336 : index
        %parallel_loop3A_532 = tpu.vector_load %arg8[%parallel_loop3A_530, %parallel_loop3A_531] {strides = array<i32>} : memref<64x768xf32, #tpu.memory_space<vmem>>, vector<1x16xf32>,
        %parallel_loop3A_533 = vector.shape_cast %parallel_loop3A_532 : vector<1x16xf32> to vector<16xf32>
        %parallel_loop3A_534 = arith.constant 0 : i32
        %parallel_loop3A_535 = arith.index_cast %parallel_loop3A_534 : i32 to index
        %parallel_loop3A_536 = arith.index_cast %parallel_loop3A_254 : i32 to index
        %parallel_loop3A_537 = arith.constant 336 : index
        %parallel_loop3A_538 = tpu.vector_load %arg7[%parallel_loop3A_535, %parallel_loop3A_536, %parallel_loop3A_537] {strides = array<i32>} : memref<2x32x768xf32, #tpu.memory_space<vmem>>, vector<1x1x16xf32>,
        %parallel_loop3A_539 = vector.shape_cast %parallel_loop3A_538 : vector<1x1x16xf32> to vector<16xf32>
        %parallel_loop3A_540 = vector.shape_cast %parallel_loop3A_533 : vector<16xf32> to vector<1x1x16xf32>
        tpu.vector_store %arg7[%parallel_loop3A_535, %parallel_loop3A_536, %parallel_loop3A_537], %parallel_loop3A_540 {add = true, strides = array<i32>} : memref<2x32x768xf32, #tpu.memory_space<vmem>>, vector<1x1x16xf32>,
        %parallel_loop3A_541 = arith.constant 0 : i32
        %parallel_loop3A_542 = arith.addi %parallel_loop3A_541, %parallel_loop3A_254 : i32
        %parallel_loop3A_543 = arith.index_cast %parallel_loop3A_542 : i32 to index
        %parallel_loop3A_544 = arith.constant 352 : index
        %parallel_loop3A_545 = tpu.vector_load %arg8[%parallel_loop3A_543, %parallel_loop3A_544] {strides = array<i32>} : memref<64x768xf32, #tpu.memory_space<vmem>>, vector<1x16xf32>,
        %parallel_loop3A_546 = vector.shape_cast %parallel_loop3A_545 : vector<1x16xf32> to vector<16xf32>
        %parallel_loop3A_547 = arith.constant 0 : i32
        %parallel_loop3A_548 = arith.index_cast %parallel_loop3A_547 : i32 to index
        %parallel_loop3A_549 = arith.index_cast %parallel_loop3A_254 : i32 to index
        %parallel_loop3A_550 = arith.constant 352 : index
        %parallel_loop3A_551 = tpu.vector_load %arg7[%parallel_loop3A_548, %parallel_loop3A_549, %parallel_loop3A_550] {strides = array<i32>} : memref<2x32x768xf32, #tpu.memory_space<vmem>>, vector<1x1x16xf32>,
        %parallel_loop3A_552 = vector.shape_cast %parallel_loop3A_551 : vector<1x1x16xf32> to vector<16xf32>
        %parallel_loop3A_553 = vector.shape_cast %parallel_loop3A_546 : vector<16xf32> to vector<1x1x16xf32>
        tpu.vector_store %arg7[%parallel_loop3A_548, %parallel_loop3A_549, %parallel_loop3A_550], %parallel_loop3A_553 {add = true, strides = array<i32>} : memref<2x32x768xf32, #tpu.memory_space<vmem>>, vector<1x1x16xf32>,
        %parallel_loop3A_554 = arith.constant 0 : i32
        %parallel_loop3A_555 = arith.addi %parallel_loop3A_554, %parallel_loop3A_254 : i32
        %parallel_loop3A_556 = arith.index_cast %parallel_loop3A_555 : i32 to index
        %parallel_loop3A_557 = arith.constant 368 : index
        %parallel_loop3A_558 = tpu.vector_load %arg8[%parallel_loop3A_556, %parallel_loop3A_557] {strides = array<i32>} : memref<64x768xf32, #tpu.memory_space<vmem>>, vector<1x16xf32>,
        %parallel_loop3A_559 = vector.shape_cast %parallel_loop3A_558 : vector<1x16xf32> to vector<16xf32>
        %parallel_loop3A_560 = arith.constant 0 : i32
        %parallel_loop3A_561 = arith.index_cast %parallel_loop3A_560 : i32 to index
        %parallel_loop3A_562 = arith.index_cast %parallel_loop3A_254 : i32 to index
        %parallel_loop3A_563 = arith.constant 368 : index
        %parallel_loop3A_564 = tpu.vector_load %arg7[%parallel_loop3A_561, %parallel_loop3A_562, %parallel_loop3A_563] {strides = array<i32>} : memref<2x32x768xf32, #tpu.memory_space<vmem>>, vector<1x1x16xf32>,
        %parallel_loop3A_565 = vector.shape_cast %parallel_loop3A_564 : vector<1x1x16xf32> to vector<16xf32>
        %parallel_loop3A_566 = vector.shape_cast %parallel_loop3A_559 : vector<16xf32> to vector<1x1x16xf32>
        tpu.vector_store %arg7[%parallel_loop3A_561, %parallel_loop3A_562, %parallel_loop3A_563], %parallel_loop3A_566 {add = true, strides = array<i32>} : memref<2x32x768xf32, #tpu.memory_space<vmem>>, vector<1x1x16xf32>,
        %parallel_loop3A_567 = arith.constant 0 : i32
        %parallel_loop3A_568 = arith.addi %parallel_loop3A_567, %parallel_loop3A_254 : i32
        %parallel_loop3A_569 = arith.index_cast %parallel_loop3A_568 : i32 to index
        %parallel_loop3A_570 = arith.constant 384 : index
        %parallel_loop3A_571 = tpu.vector_load %arg8[%parallel_loop3A_569, %parallel_loop3A_570] {strides = array<i32>} : memref<64x768xf32, #tpu.memory_space<vmem>>, vector<1x16xf32>,
        %parallel_loop3A_572 = vector.shape_cast %parallel_loop3A_571 : vector<1x16xf32> to vector<16xf32>
        %parallel_loop3A_573 = arith.constant 0 : i32
        %parallel_loop3A_574 = arith.index_cast %parallel_loop3A_573 : i32 to index
        %parallel_loop3A_575 = arith.index_cast %parallel_loop3A_254 : i32 to index
        %parallel_loop3A_576 = arith.constant 384 : index
        %parallel_loop3A_577 = tpu.vector_load %arg7[%parallel_loop3A_574, %parallel_loop3A_575, %parallel_loop3A_576] {strides = array<i32>} : memref<2x32x768xf32, #tpu.memory_space<vmem>>, vector<1x1x16xf32>,
        %parallel_loop3A_578 = vector.shape_cast %parallel_loop3A_577 : vector<1x1x16xf32> to vector<16xf32>
        %parallel_loop3A_579 = vector.shape_cast %parallel_loop3A_572 : vector<16xf32> to vector<1x1x16xf32>
        tpu.vector_store %arg7[%parallel_loop3A_574, %parallel_loop3A_575, %parallel_loop3A_576], %parallel_loop3A_579 {add = true, strides = array<i32>} : memref<2x32x768xf32, #tpu.memory_space<vmem>>, vector<1x1x16xf32>,
        %parallel_loop3A_580 = arith.constant 0 : i32
        %parallel_loop3A_581 = arith.addi %parallel_loop3A_580, %parallel_loop3A_254 : i32
        %parallel_loop3A_582 = arith.index_cast %parallel_loop3A_581 : i32 to index
        %parallel_loop3A_583 = arith.constant 400 : index
        %parallel_loop3A_584 = tpu.vector_load %arg8[%parallel_loop3A_582, %parallel_loop3A_583] {strides = array<i32>} : memref<64x768xf32, #tpu.memory_space<vmem>>, vector<1x16xf32>,
        %parallel_loop3A_585 = vector.shape_cast %parallel_loop3A_584 : vector<1x16xf32> to vector<16xf32>
        %parallel_loop3A_586 = arith.constant 0 : i32
        %parallel_loop3A_587 = arith.index_cast %parallel_loop3A_586 : i32 to index
        %parallel_loop3A_588 = arith.index_cast %parallel_loop3A_254 : i32 to index
        %parallel_loop3A_589 = arith.constant 400 : index
        %parallel_loop3A_590 = tpu.vector_load %arg7[%parallel_loop3A_587, %parallel_loop3A_588, %parallel_loop3A_589] {strides = array<i32>} : memref<2x32x768xf32, #tpu.memory_space<vmem>>, vector<1x1x16xf32>,
        %parallel_loop3A_591 = vector.shape_cast %parallel_loop3A_590 : vector<1x1x16xf32> to vector<16xf32>
        %parallel_loop3A_592 = vector.shape_cast %parallel_loop3A_585 : vector<16xf32> to vector<1x1x16xf32>
        tpu.vector_store %arg7[%parallel_loop3A_587, %parallel_loop3A_588, %parallel_loop3A_589], %parallel_loop3A_592 {add = true, strides = array<i32>} : memref<2x32x768xf32, #tpu.memory_space<vmem>>, vector<1x1x16xf32>,
        %parallel_loop3A_593 = arith.constant 0 : i32
        %parallel_loop3A_594 = arith.addi %parallel_loop3A_593, %parallel_loop3A_254 : i32
        %parallel_loop3A_595 = arith.index_cast %parallel_loop3A_594 : i32 to index
        %parallel_loop3A_596 = arith.constant 416 : index
        %parallel_loop3A_597 = tpu.vector_load %arg8[%parallel_loop3A_595, %parallel_loop3A_596] {strides = array<i32>} : memref<64x768xf32, #tpu.memory_space<vmem>>, vector<1x16xf32>,
        %parallel_loop3A_598 = vector.shape_cast %parallel_loop3A_597 : vector<1x16xf32> to vector<16xf32>
        %parallel_loop3A_599 = arith.constant 0 : i32
        %parallel_loop3A_600 = arith.index_cast %parallel_loop3A_599 : i32 to index
        %parallel_loop3A_601 = arith.index_cast %parallel_loop3A_254 : i32 to index
        %parallel_loop3A_602 = arith.constant 416 : index
        %parallel_loop3A_603 = tpu.vector_load %arg7[%parallel_loop3A_600, %parallel_loop3A_601, %parallel_loop3A_602] {strides = array<i32>} : memref<2x32x768xf32, #tpu.memory_space<vmem>>, vector<1x1x16xf32>,
        %parallel_loop3A_604 = vector.shape_cast %parallel_loop3A_603 : vector<1x1x16xf32> to vector<16xf32>
        %parallel_loop3A_605 = vector.shape_cast %parallel_loop3A_598 : vector<16xf32> to vector<1x1x16xf32>
        tpu.vector_store %arg7[%parallel_loop3A_600, %parallel_loop3A_601, %parallel_loop3A_602], %parallel_loop3A_605 {add = true, strides = array<i32>} : memref<2x32x768xf32, #tpu.memory_space<vmem>>, vector<1x1x16xf32>,
        %parallel_loop3A_606 = arith.constant 0 : i32
        %parallel_loop3A_607 = arith.addi %parallel_loop3A_606, %parallel_loop3A_254 : i32
        %parallel_loop3A_608 = arith.index_cast %parallel_loop3A_607 : i32 to index
        %parallel_loop3A_609 = arith.constant 432 : index
        %parallel_loop3A_610 = tpu.vector_load %arg8[%parallel_loop3A_608, %parallel_loop3A_609] {strides = array<i32>} : memref<64x768xf32, #tpu.memory_space<vmem>>, vector<1x16xf32>,
        %parallel_loop3A_611 = vector.shape_cast %parallel_loop3A_610 : vector<1x16xf32> to vector<16xf32>
        %parallel_loop3A_612 = arith.constant 0 : i32
        %parallel_loop3A_613 = arith.index_cast %parallel_loop3A_612 : i32 to index
        %parallel_loop3A_614 = arith.index_cast %parallel_loop3A_254 : i32 to index
        %parallel_loop3A_615 = arith.constant 432 : index
        %parallel_loop3A_616 = tpu.vector_load %arg7[%parallel_loop3A_613, %parallel_loop3A_614, %parallel_loop3A_615] {strides = array<i32>} : memref<2x32x768xf32, #tpu.memory_space<vmem>>, vector<1x1x16xf32>,
        %parallel_loop3A_617 = vector.shape_cast %parallel_loop3A_616 : vector<1x1x16xf32> to vector<16xf32>
        %parallel_loop3A_618 = vector.shape_cast %parallel_loop3A_611 : vector<16xf32> to vector<1x1x16xf32>
        tpu.vector_store %arg7[%parallel_loop3A_613, %parallel_loop3A_614, %parallel_loop3A_615], %parallel_loop3A_618 {add = true, strides = array<i32>} : memref<2x32x768xf32, #tpu.memory_space<vmem>>, vector<1x1x16xf32>,
        %parallel_loop3A_619 = arith.constant 0 : i32
        %parallel_loop3A_620 = arith.addi %parallel_loop3A_619, %parallel_loop3A_254 : i32
        %parallel_loop3A_621 = arith.index_cast %parallel_loop3A_620 : i32 to index
        %parallel_loop3A_622 = arith.constant 448 : index
        %parallel_loop3A_623 = tpu.vector_load %arg8[%parallel_loop3A_621, %parallel_loop3A_622] {strides = array<i32>} : memref<64x768xf32, #tpu.memory_space<vmem>>, vector<1x16xf32>,
        %parallel_loop3A_624 = vector.shape_cast %parallel_loop3A_623 : vector<1x16xf32> to vector<16xf32>
        %parallel_loop3A_625 = arith.constant 0 : i32
        %parallel_loop3A_626 = arith.index_cast %parallel_loop3A_625 : i32 to index
        %parallel_loop3A_627 = arith.index_cast %parallel_loop3A_254 : i32 to index
        %parallel_loop3A_628 = arith.constant 448 : index
        %parallel_loop3A_629 = tpu.vector_load %arg7[%parallel_loop3A_626, %parallel_loop3A_627, %parallel_loop3A_628] {strides = array<i32>} : memref<2x32x768xf32, #tpu.memory_space<vmem>>, vector<1x1x16xf32>,
        %parallel_loop3A_630 = vector.shape_cast %parallel_loop3A_629 : vector<1x1x16xf32> to vector<16xf32>
        %parallel_loop3A_631 = vector.shape_cast %parallel_loop3A_624 : vector<16xf32> to vector<1x1x16xf32>
        tpu.vector_store %arg7[%parallel_loop3A_626, %parallel_loop3A_627, %parallel_loop3A_628], %parallel_loop3A_631 {add = true, strides = array<i32>} : memref<2x32x768xf32, #tpu.memory_space<vmem>>, vector<1x1x16xf32>,
        %parallel_loop3A_632 = arith.constant 0 : i32
        %parallel_loop3A_633 = arith.addi %parallel_loop3A_632, %parallel_loop3A_254 : i32
        %parallel_loop3A_634 = arith.index_cast %parallel_loop3A_633 : i32 to index
        %parallel_loop3A_635 = arith.constant 464 : index
        %parallel_loop3A_636 = tpu.vector_load %arg8[%parallel_loop3A_634, %parallel_loop3A_635] {strides = array<i32>} : memref<64x768xf32, #tpu.memory_space<vmem>>, vector<1x16xf32>,
        %parallel_loop3A_637 = vector.shape_cast %parallel_loop3A_636 : vector<1x16xf32> to vector<16xf32>
        %parallel_loop3A_638 = arith.constant 0 : i32
        %parallel_loop3A_639 = arith.index_cast %parallel_loop3A_638 : i32 to index
        %parallel_loop3A_640 = arith.index_cast %parallel_loop3A_254 : i32 to index
        %parallel_loop3A_641 = arith.constant 464 : index
        %parallel_loop3A_642 = tpu.vector_load %arg7[%parallel_loop3A_639, %parallel_loop3A_640, %parallel_loop3A_641] {strides = array<i32>} : memref<2x32x768xf32, #tpu.memory_space<vmem>>, vector<1x1x16xf32>,
        %parallel_loop3A_643 = vector.shape_cast %parallel_loop3A_642 : vector<1x1x16xf32> to vector<16xf32>
        %parallel_loop3A_644 = vector.shape_cast %parallel_loop3A_637 : vector<16xf32> to vector<1x1x16xf32>
        tpu.vector_store %arg7[%parallel_loop3A_639, %parallel_loop3A_640, %parallel_loop3A_641], %parallel_loop3A_644 {add = true, strides = array<i32>} : memref<2x32x768xf32, #tpu.memory_space<vmem>>, vector<1x1x16xf32>,
        %parallel_loop3A_645 = arith.constant 0 : i32
        %parallel_loop3A_646 = arith.addi %parallel_loop3A_645, %parallel_loop3A_254 : i32
        %parallel_loop3A_647 = arith.index_cast %parallel_loop3A_646 : i32 to index
        %parallel_loop3A_648 = arith.constant 480 : index
        %parallel_loop3A_649 = tpu.vector_load %arg8[%parallel_loop3A_647, %parallel_loop3A_648] {strides = array<i32>} : memref<64x768xf32, #tpu.memory_space<vmem>>, vector<1x16xf32>,
        %parallel_loop3A_650 = vector.shape_cast %parallel_loop3A_649 : vector<1x16xf32> to vector<16xf32>
        %parallel_loop3A_651 = arith.constant 0 : i32
        %parallel_loop3A_652 = arith.index_cast %parallel_loop3A_651 : i32 to index
        %parallel_loop3A_653 = arith.index_cast %parallel_loop3A_254 : i32 to index
        %parallel_loop3A_654 = arith.constant 480 : index
        %parallel_loop3A_655 = tpu.vector_load %arg7[%parallel_loop3A_652, %parallel_loop3A_653, %parallel_loop3A_654] {strides = array<i32>} : memref<2x32x768xf32, #tpu.memory_space<vmem>>, vector<1x1x16xf32>,
        %parallel_loop3A_656 = vector.shape_cast %parallel_loop3A_655 : vector<1x1x16xf32> to vector<16xf32>
        %parallel_loop3A_657 = vector.shape_cast %parallel_loop3A_650 : vector<16xf32> to vector<1x1x16xf32>
        tpu.vector_store %arg7[%parallel_loop3A_652, %parallel_loop3A_653, %parallel_loop3A_654], %parallel_loop3A_657 {add = true, strides = array<i32>} : memref<2x32x768xf32, #tpu.memory_space<vmem>>, vector<1x1x16xf32>,
        %parallel_loop3A_658 = arith.constant 0 : i32
        %parallel_loop3A_659 = arith.addi %parallel_loop3A_658, %parallel_loop3A_254 : i32
        %parallel_loop3A_660 = arith.index_cast %parallel_loop3A_659 : i32 to index
        %parallel_loop3A_661 = arith.constant 496 : index
        %parallel_loop3A_662 = tpu.vector_load %arg8[%parallel_loop3A_660, %parallel_loop3A_661] {strides = array<i32>} : memref<64x768xf32, #tpu.memory_space<vmem>>, vector<1x16xf32>,
        %parallel_loop3A_663 = vector.shape_cast %parallel_loop3A_662 : vector<1x16xf32> to vector<16xf32>
        %parallel_loop3A_664 = arith.constant 0 : i32
        %parallel_loop3A_665 = arith.index_cast %parallel_loop3A_664 : i32 to index
        %parallel_loop3A_666 = arith.index_cast %parallel_loop3A_254 : i32 to index
        %parallel_loop3A_667 = arith.constant 496 : index
        %parallel_loop3A_668 = tpu.vector_load %arg7[%parallel_loop3A_665, %parallel_loop3A_666, %parallel_loop3A_667] {strides = array<i32>} : memref<2x32x768xf32, #tpu.memory_space<vmem>>, vector<1x1x16xf32>,
        %parallel_loop3A_669 = vector.shape_cast %parallel_loop3A_668 : vector<1x1x16xf32> to vector<16xf32>
        %parallel_loop3A_670 = vector.shape_cast %parallel_loop3A_663 : vector<16xf32> to vector<1x1x16xf32>
        tpu.vector_store %arg7[%parallel_loop3A_665, %parallel_loop3A_666, %parallel_loop3A_667], %parallel_loop3A_670 {add = true, strides = array<i32>} : memref<2x32x768xf32, #tpu.memory_space<vmem>>, vector<1x1x16xf32>,
        %parallel_loop3A_671 = arith.constant 0 : i32
        %parallel_loop3A_672 = arith.addi %parallel_loop3A_671, %parallel_loop3A_254 : i32
        %parallel_loop3A_673 = arith.index_cast %parallel_loop3A_672 : i32 to index
        %parallel_loop3A_674 = arith.constant 512 : index
        %parallel_loop3A_675 = tpu.vector_load %arg8[%parallel_loop3A_673, %parallel_loop3A_674] {strides = array<i32>} : memref<64x768xf32, #tpu.memory_space<vmem>>, vector<1x16xf32>,
        %parallel_loop3A_676 = vector.shape_cast %parallel_loop3A_675 : vector<1x16xf32> to vector<16xf32>
        %parallel_loop3A_677 = arith.constant 0 : i32
        %parallel_loop3A_678 = arith.index_cast %parallel_loop3A_677 : i32 to index
        %parallel_loop3A_679 = arith.index_cast %parallel_loop3A_254 : i32 to index
        %parallel_loop3A_680 = arith.constant 512 : index
        %parallel_loop3A_681 = tpu.vector_load %arg7[%parallel_loop3A_678, %parallel_loop3A_679, %parallel_loop3A_680] {strides = array<i32>} : memref<2x32x768xf32, #tpu.memory_space<vmem>>, vector<1x1x16xf32>,
        %parallel_loop3A_682 = vector.shape_cast %parallel_loop3A_681 : vector<1x1x16xf32> to vector<16xf32>
        %parallel_loop3A_683 = vector.shape_cast %parallel_loop3A_676 : vector<16xf32> to vector<1x1x16xf32>
        tpu.vector_store %arg7[%parallel_loop3A_678, %parallel_loop3A_679, %parallel_loop3A_680], %parallel_loop3A_683 {add = true, strides = array<i32>} : memref<2x32x768xf32, #tpu.memory_space<vmem>>, vector<1x1x16xf32>,
        %parallel_loop3A_684 = arith.constant 0 : i32
        %parallel_loop3A_685 = arith.addi %parallel_loop3A_684, %parallel_loop3A_254 : i32
        %parallel_loop3A_686 = arith.index_cast %parallel_loop3A_685 : i32 to index
        %parallel_loop3A_687 = arith.constant 528 : index
        %parallel_loop3A_688 = tpu.vector_load %arg8[%parallel_loop3A_686, %parallel_loop3A_687] {strides = array<i32>} : memref<64x768xf32, #tpu.memory_space<vmem>>, vector<1x16xf32>,
        %parallel_loop3A_689 = vector.shape_cast %parallel_loop3A_688 : vector<1x16xf32> to vector<16xf32>
        %parallel_loop3A_690 = arith.constant 0 : i32
        %parallel_loop3A_691 = arith.index_cast %parallel_loop3A_690 : i32 to index
        %parallel_loop3A_692 = arith.index_cast %parallel_loop3A_254 : i32 to index
        %parallel_loop3A_693 = arith.constant 528 : index
        %parallel_loop3A_694 = tpu.vector_load %arg7[%parallel_loop3A_691, %parallel_loop3A_692, %parallel_loop3A_693] {strides = array<i32>} : memref<2x32x768xf32, #tpu.memory_space<vmem>>, vector<1x1x16xf32>,
        %parallel_loop3A_695 = vector.shape_cast %parallel_loop3A_694 : vector<1x1x16xf32> to vector<16xf32>
        %parallel_loop3A_696 = vector.shape_cast %parallel_loop3A_689 : vector<16xf32> to vector<1x1x16xf32>
        tpu.vector_store %arg7[%parallel_loop3A_691, %parallel_loop3A_692, %parallel_loop3A_693], %parallel_loop3A_696 {add = true, strides = array<i32>} : memref<2x32x768xf32, #tpu.memory_space<vmem>>, vector<1x1x16xf32>,
        %parallel_loop3A_697 = arith.constant 0 : i32
        %parallel_loop3A_698 = arith.addi %parallel_loop3A_697, %parallel_loop3A_254 : i32
        %parallel_loop3A_699 = arith.index_cast %parallel_loop3A_698 : i32 to index
        %parallel_loop3A_700 = arith.constant 544 : index
        %parallel_loop3A_701 = tpu.vector_load %arg8[%parallel_loop3A_699, %parallel_loop3A_700] {strides = array<i32>} : memref<64x768xf32, #tpu.memory_space<vmem>>, vector<1x16xf32>,
        %parallel_loop3A_702 = vector.shape_cast %parallel_loop3A_701 : vector<1x16xf32> to vector<16xf32>
        %parallel_loop3A_703 = arith.constant 0 : i32
        %parallel_loop3A_704 = arith.index_cast %parallel_loop3A_703 : i32 to index
        %parallel_loop3A_705 = arith.index_cast %parallel_loop3A_254 : i32 to index
        %parallel_loop3A_706 = arith.constant 544 : index
        %parallel_loop3A_707 = tpu.vector_load %arg7[%parallel_loop3A_704, %parallel_loop3A_705, %parallel_loop3A_706] {strides = array<i32>} : memref<2x32x768xf32, #tpu.memory_space<vmem>>, vector<1x1x16xf32>,
        %parallel_loop3A_708 = vector.shape_cast %parallel_loop3A_707 : vector<1x1x16xf32> to vector<16xf32>
        %parallel_loop3A_709 = vector.shape_cast %parallel_loop3A_702 : vector<16xf32> to vector<1x1x16xf32>
        tpu.vector_store %arg7[%parallel_loop3A_704, %parallel_loop3A_705, %parallel_loop3A_706], %parallel_loop3A_709 {add = true, strides = array<i32>} : memref<2x32x768xf32, #tpu.memory_space<vmem>>, vector<1x1x16xf32>,
        %parallel_loop3A_710 = arith.constant 0 : i32
        %parallel_loop3A_711 = arith.addi %parallel_loop3A_710, %parallel_loop3A_254 : i32
        %parallel_loop3A_712 = arith.index_cast %parallel_loop3A_711 : i32 to index
        %parallel_loop3A_713 = arith.constant 560 : index
        %parallel_loop3A_714 = tpu.vector_load %arg8[%parallel_loop3A_712, %parallel_loop3A_713] {strides = array<i32>} : memref<64x768xf32, #tpu.memory_space<vmem>>, vector<1x16xf32>,
        %parallel_loop3A_715 = vector.shape_cast %parallel_loop3A_714 : vector<1x16xf32> to vector<16xf32>
        %parallel_loop3A_716 = arith.constant 0 : i32
        %parallel_loop3A_717 = arith.index_cast %parallel_loop3A_716 : i32 to index
        %parallel_loop3A_718 = arith.index_cast %parallel_loop3A_254 : i32 to index
        %parallel_loop3A_719 = arith.constant 560 : index
        %parallel_loop3A_720 = tpu.vector_load %arg7[%parallel_loop3A_717, %parallel_loop3A_718, %parallel_loop3A_719] {strides = array<i32>} : memref<2x32x768xf32, #tpu.memory_space<vmem>>, vector<1x1x16xf32>,
        %parallel_loop3A_721 = vector.shape_cast %parallel_loop3A_720 : vector<1x1x16xf32> to vector<16xf32>
        %parallel_loop3A_722 = vector.shape_cast %parallel_loop3A_715 : vector<16xf32> to vector<1x1x16xf32>
        tpu.vector_store %arg7[%parallel_loop3A_717, %parallel_loop3A_718, %parallel_loop3A_719], %parallel_loop3A_722 {add = true, strides = array<i32>} : memref<2x32x768xf32, #tpu.memory_space<vmem>>, vector<1x1x16xf32>,
        %parallel_loop3A_723 = arith.constant 0 : i32
        %parallel_loop3A_724 = arith.addi %parallel_loop3A_723, %parallel_loop3A_254 : i32
        %parallel_loop3A_725 = arith.index_cast %parallel_loop3A_724 : i32 to index
        %parallel_loop3A_726 = arith.constant 576 : index
        %parallel_loop3A_727 = tpu.vector_load %arg8[%parallel_loop3A_725, %parallel_loop3A_726] {strides = array<i32>} : memref<64x768xf32, #tpu.memory_space<vmem>>, vector<1x16xf32>,
        %parallel_loop3A_728 = vector.shape_cast %parallel_loop3A_727 : vector<1x16xf32> to vector<16xf32>
        %parallel_loop3A_729 = arith.constant 0 : i32
        %parallel_loop3A_730 = arith.index_cast %parallel_loop3A_729 : i32 to index
        %parallel_loop3A_731 = arith.index_cast %parallel_loop3A_254 : i32 to index
        %parallel_loop3A_732 = arith.constant 576 : index
        %parallel_loop3A_733 = tpu.vector_load %arg7[%parallel_loop3A_730, %parallel_loop3A_731, %parallel_loop3A_732] {strides = array<i32>} : memref<2x32x768xf32, #tpu.memory_space<vmem>>, vector<1x1x16xf32>,
        %parallel_loop3A_734 = vector.shape_cast %parallel_loop3A_733 : vector<1x1x16xf32> to vector<16xf32>
        %parallel_loop3A_735 = vector.shape_cast %parallel_loop3A_728 : vector<16xf32> to vector<1x1x16xf32>
        tpu.vector_store %arg7[%parallel_loop3A_730, %parallel_loop3A_731, %parallel_loop3A_732], %parallel_loop3A_735 {add = true, strides = array<i32>} : memref<2x32x768xf32, #tpu.memory_space<vmem>>, vector<1x1x16xf32>,
        %parallel_loop3A_736 = arith.constant 0 : i32
        %parallel_loop3A_737 = arith.addi %parallel_loop3A_736, %parallel_loop3A_254 : i32
        %parallel_loop3A_738 = arith.index_cast %parallel_loop3A_737 : i32 to index
        %parallel_loop3A_739 = arith.constant 592 : index
        %parallel_loop3A_740 = tpu.vector_load %arg8[%parallel_loop3A_738, %parallel_loop3A_739] {strides = array<i32>} : memref<64x768xf32, #tpu.memory_space<vmem>>, vector<1x16xf32>,
        %parallel_loop3A_741 = vector.shape_cast %parallel_loop3A_740 : vector<1x16xf32> to vector<16xf32>
        %parallel_loop3A_742 = arith.constant 0 : i32
        %parallel_loop3A_743 = arith.index_cast %parallel_loop3A_742 : i32 to index
        %parallel_loop3A_744 = arith.index_cast %parallel_loop3A_254 : i32 to index
        %parallel_loop3A_745 = arith.constant 592 : index
        %parallel_loop3A_746 = tpu.vector_load %arg7[%parallel_loop3A_743, %parallel_loop3A_744, %parallel_loop3A_745] {strides = array<i32>} : memref<2x32x768xf32, #tpu.memory_space<vmem>>, vector<1x1x16xf32>,
        %parallel_loop3A_747 = vector.shape_cast %parallel_loop3A_746 : vector<1x1x16xf32> to vector<16xf32>
        %parallel_loop3A_748 = vector.shape_cast %parallel_loop3A_741 : vector<16xf32> to vector<1x1x16xf32>
        tpu.vector_store %arg7[%parallel_loop3A_743, %parallel_loop3A_744, %parallel_loop3A_745], %parallel_loop3A_748 {add = true, strides = array<i32>} : memref<2x32x768xf32, #tpu.memory_space<vmem>>, vector<1x1x16xf32>,
        %parallel_loop3A_749 = arith.constant 0 : i32
        %parallel_loop3A_750 = arith.addi %parallel_loop3A_749, %parallel_loop3A_254 : i32
        %parallel_loop3A_751 = arith.index_cast %parallel_loop3A_750 : i32 to index
        %parallel_loop3A_752 = arith.constant 608 : index
        %parallel_loop3A_753 = tpu.vector_load %arg8[%parallel_loop3A_751, %parallel_loop3A_752] {strides = array<i32>} : memref<64x768xf32, #tpu.memory_space<vmem>>, vector<1x16xf32>,
        %parallel_loop3A_754 = vector.shape_cast %parallel_loop3A_753 : vector<1x16xf32> to vector<16xf32>
        %parallel_loop3A_755 = arith.constant 0 : i32
        %parallel_loop3A_756 = arith.index_cast %parallel_loop3A_755 : i32 to index
        %parallel_loop3A_757 = arith.index_cast %parallel_loop3A_254 : i32 to index
        %parallel_loop3A_758 = arith.constant 608 : index
        %parallel_loop3A_759 = tpu.vector_load %arg7[%parallel_loop3A_756, %parallel_loop3A_757, %parallel_loop3A_758] {strides = array<i32>} : memref<2x32x768xf32, #tpu.memory_space<vmem>>, vector<1x1x16xf32>,
        %parallel_loop3A_760 = vector.shape_cast %parallel_loop3A_759 : vector<1x1x16xf32> to vector<16xf32>
        %parallel_loop3A_761 = vector.shape_cast %parallel_loop3A_754 : vector<16xf32> to vector<1x1x16xf32>
        tpu.vector_store %arg7[%parallel_loop3A_756, %parallel_loop3A_757, %parallel_loop3A_758], %parallel_loop3A_761 {add = true, strides = array<i32>} : memref<2x32x768xf32, #tpu.memory_space<vmem>>, vector<1x1x16xf32>,
        %parallel_loop3A_762 = arith.constant 0 : i32
        %parallel_loop3A_763 = arith.addi %parallel_loop3A_762, %parallel_loop3A_254 : i32
        %parallel_loop3A_764 = arith.index_cast %parallel_loop3A_763 : i32 to index
        %parallel_loop3A_765 = arith.constant 624 : index
        %parallel_loop3A_766 = tpu.vector_load %arg8[%parallel_loop3A_764, %parallel_loop3A_765] {strides = array<i32>} : memref<64x768xf32, #tpu.memory_space<vmem>>, vector<1x16xf32>,
        %parallel_loop3A_767 = vector.shape_cast %parallel_loop3A_766 : vector<1x16xf32> to vector<16xf32>
        %parallel_loop3A_768 = arith.constant 0 : i32
        %parallel_loop3A_769 = arith.index_cast %parallel_loop3A_768 : i32 to index
        %parallel_loop3A_770 = arith.index_cast %parallel_loop3A_254 : i32 to index
        %parallel_loop3A_771 = arith.constant 624 : index
        %parallel_loop3A_772 = tpu.vector_load %arg7[%parallel_loop3A_769, %parallel_loop3A_770, %parallel_loop3A_771] {strides = array<i32>} : memref<2x32x768xf32, #tpu.memory_space<vmem>>, vector<1x1x16xf32>,
        %parallel_loop3A_773 = vector.shape_cast %parallel_loop3A_772 : vector<1x1x16xf32> to vector<16xf32>
        %parallel_loop3A_774 = vector.shape_cast %parallel_loop3A_767 : vector<16xf32> to vector<1x1x16xf32>
        tpu.vector_store %arg7[%parallel_loop3A_769, %parallel_loop3A_770, %parallel_loop3A_771], %parallel_loop3A_774 {add = true, strides = array<i32>} : memref<2x32x768xf32, #tpu.memory_space<vmem>>, vector<1x1x16xf32>,
        %parallel_loop3A_775 = arith.constant 0 : i32
        %parallel_loop3A_776 = arith.addi %parallel_loop3A_775, %parallel_loop3A_254 : i32
        %parallel_loop3A_777 = arith.index_cast %parallel_loop3A_776 : i32 to index
        %parallel_loop3A_778 = arith.constant 640 : index
        %parallel_loop3A_779 = tpu.vector_load %arg8[%parallel_loop3A_777, %parallel_loop3A_778] {strides = array<i32>} : memref<64x768xf32, #tpu.memory_space<vmem>>, vector<1x16xf32>,
        %parallel_loop3A_780 = vector.shape_cast %parallel_loop3A_779 : vector<1x16xf32> to vector<16xf32>
        %parallel_loop3A_781 = arith.constant 0 : i32
        %parallel_loop3A_782 = arith.index_cast %parallel_loop3A_781 : i32 to index
        %parallel_loop3A_783 = arith.index_cast %parallel_loop3A_254 : i32 to index
        %parallel_loop3A_784 = arith.constant 640 : index
        %parallel_loop3A_785 = tpu.vector_load %arg7[%parallel_loop3A_782, %parallel_loop3A_783, %parallel_loop3A_784] {strides = array<i32>} : memref<2x32x768xf32, #tpu.memory_space<vmem>>, vector<1x1x16xf32>,
        %parallel_loop3A_786 = vector.shape_cast %parallel_loop3A_785 : vector<1x1x16xf32> to vector<16xf32>
        %parallel_loop3A_787 = vector.shape_cast %parallel_loop3A_780 : vector<16xf32> to vector<1x1x16xf32>
        tpu.vector_store %arg7[%parallel_loop3A_782, %parallel_loop3A_783, %parallel_loop3A_784], %parallel_loop3A_787 {add = true, strides = array<i32>} : memref<2x32x768xf32, #tpu.memory_space<vmem>>, vector<1x1x16xf32>,
        %parallel_loop3A_788 = arith.constant 0 : i32
        %parallel_loop3A_789 = arith.addi %parallel_loop3A_788, %parallel_loop3A_254 : i32
        %parallel_loop3A_790 = arith.index_cast %parallel_loop3A_789 : i32 to index
        %parallel_loop3A_791 = arith.constant 656 : index
        %parallel_loop3A_792 = tpu.vector_load %arg8[%parallel_loop3A_790, %parallel_loop3A_791] {strides = array<i32>} : memref<64x768xf32, #tpu.memory_space<vmem>>, vector<1x16xf32>,
        %parallel_loop3A_793 = vector.shape_cast %parallel_loop3A_792 : vector<1x16xf32> to vector<16xf32>
        %parallel_loop3A_794 = arith.constant 0 : i32
        %parallel_loop3A_795 = arith.index_cast %parallel_loop3A_794 : i32 to index
        %parallel_loop3A_796 = arith.index_cast %parallel_loop3A_254 : i32 to index
        %parallel_loop3A_797 = arith.constant 656 : index
        %parallel_loop3A_798 = tpu.vector_load %arg7[%parallel_loop3A_795, %parallel_loop3A_796, %parallel_loop3A_797] {strides = array<i32>} : memref<2x32x768xf32, #tpu.memory_space<vmem>>, vector<1x1x16xf32>,
        %parallel_loop3A_799 = vector.shape_cast %parallel_loop3A_798 : vector<1x1x16xf32> to vector<16xf32>
        %parallel_loop3A_800 = vector.shape_cast %parallel_loop3A_793 : vector<16xf32> to vector<1x1x16xf32>
        tpu.vector_store %arg7[%parallel_loop3A_795, %parallel_loop3A_796, %parallel_loop3A_797], %parallel_loop3A_800 {add = true, strides = array<i32>} : memref<2x32x768xf32, #tpu.memory_space<vmem>>, vector<1x1x16xf32>,
        %parallel_loop3A_801 = arith.constant 0 : i32
        %parallel_loop3A_802 = arith.addi %parallel_loop3A_801, %parallel_loop3A_254 : i32
        %parallel_loop3A_803 = arith.index_cast %parallel_loop3A_802 : i32 to index
        %parallel_loop3A_804 = arith.constant 672 : index
        %parallel_loop3A_805 = tpu.vector_load %arg8[%parallel_loop3A_803, %parallel_loop3A_804] {strides = array<i32>} : memref<64x768xf32, #tpu.memory_space<vmem>>, vector<1x16xf32>,
        %parallel_loop3A_806 = vector.shape_cast %parallel_loop3A_805 : vector<1x16xf32> to vector<16xf32>
        %parallel_loop3A_807 = arith.constant 0 : i32
        %parallel_loop3A_808 = arith.index_cast %parallel_loop3A_807 : i32 to index
        %parallel_loop3A_809 = arith.index_cast %parallel_loop3A_254 : i32 to index
        %parallel_loop3A_810 = arith.constant 672 : index
        %parallel_loop3A_811 = tpu.vector_load %arg7[%parallel_loop3A_808, %parallel_loop3A_809, %parallel_loop3A_810] {strides = array<i32>} : memref<2x32x768xf32, #tpu.memory_space<vmem>>, vector<1x1x16xf32>,
        %parallel_loop3A_812 = vector.shape_cast %parallel_loop3A_811 : vector<1x1x16xf32> to vector<16xf32>
        %parallel_loop3A_813 = vector.shape_cast %parallel_loop3A_806 : vector<16xf32> to vector<1x1x16xf32>
        tpu.vector_store %arg7[%parallel_loop3A_808, %parallel_loop3A_809, %parallel_loop3A_810], %parallel_loop3A_813 {add = true, strides = array<i32>} : memref<2x32x768xf32, #tpu.memory_space<vmem>>, vector<1x1x16xf32>,
        %parallel_loop3A_814 = arith.constant 0 : i32
        %parallel_loop3A_815 = arith.addi %parallel_loop3A_814, %parallel_loop3A_254 : i32
        %parallel_loop3A_816 = arith.index_cast %parallel_loop3A_815 : i32 to index
        %parallel_loop3A_817 = arith.constant 688 : index
        %parallel_loop3A_818 = tpu.vector_load %arg8[%parallel_loop3A_816, %parallel_loop3A_817] {strides = array<i32>} : memref<64x768xf32, #tpu.memory_space<vmem>>, vector<1x16xf32>,
        %parallel_loop3A_819 = vector.shape_cast %parallel_loop3A_818 : vector<1x16xf32> to vector<16xf32>
        %parallel_loop3A_820 = arith.constant 0 : i32
        %parallel_loop3A_821 = arith.index_cast %parallel_loop3A_820 : i32 to index
        %parallel_loop3A_822 = arith.index_cast %parallel_loop3A_254 : i32 to index
        %parallel_loop3A_823 = arith.constant 688 : index
        %parallel_loop3A_824 = tpu.vector_load %arg7[%parallel_loop3A_821, %parallel_loop3A_822, %parallel_loop3A_823] {strides = array<i32>} : memref<2x32x768xf32, #tpu.memory_space<vmem>>, vector<1x1x16xf32>,
        %parallel_loop3A_825 = vector.shape_cast %parallel_loop3A_824 : vector<1x1x16xf32> to vector<16xf32>
        %parallel_loop3A_826 = vector.shape_cast %parallel_loop3A_819 : vector<16xf32> to vector<1x1x16xf32>
        tpu.vector_store %arg7[%parallel_loop3A_821, %parallel_loop3A_822, %parallel_loop3A_823], %parallel_loop3A_826 {add = true, strides = array<i32>} : memref<2x32x768xf32, #tpu.memory_space<vmem>>, vector<1x1x16xf32>,
        %parallel_loop3A_827 = arith.constant 0 : i32
        %parallel_loop3A_828 = arith.addi %parallel_loop3A_827, %parallel_loop3A_254 : i32
        %parallel_loop3A_829 = arith.index_cast %parallel_loop3A_828 : i32 to index
        %parallel_loop3A_830 = arith.constant 704 : index
        %parallel_loop3A_831 = tpu.vector_load %arg8[%parallel_loop3A_829, %parallel_loop3A_830] {strides = array<i32>} : memref<64x768xf32, #tpu.memory_space<vmem>>, vector<1x16xf32>,
        %parallel_loop3A_832 = vector.shape_cast %parallel_loop3A_831 : vector<1x16xf32> to vector<16xf32>
        %parallel_loop3A_833 = arith.constant 0 : i32
        %parallel_loop3A_834 = arith.index_cast %parallel_loop3A_833 : i32 to index
        %parallel_loop3A_835 = arith.index_cast %parallel_loop3A_254 : i32 to index
        %parallel_loop3A_836 = arith.constant 704 : index
        %parallel_loop3A_837 = tpu.vector_load %arg7[%parallel_loop3A_834, %parallel_loop3A_835, %parallel_loop3A_836] {strides = array<i32>} : memref<2x32x768xf32, #tpu.memory_space<vmem>>, vector<1x1x16xf32>,
        %parallel_loop3A_838 = vector.shape_cast %parallel_loop3A_837 : vector<1x1x16xf32> to vector<16xf32>
        %parallel_loop3A_839 = vector.shape_cast %parallel_loop3A_832 : vector<16xf32> to vector<1x1x16xf32>
        tpu.vector_store %arg7[%parallel_loop3A_834, %parallel_loop3A_835, %parallel_loop3A_836], %parallel_loop3A_839 {add = true, strides = array<i32>} : memref<2x32x768xf32, #tpu.memory_space<vmem>>, vector<1x1x16xf32>,
        %parallel_loop3A_840 = arith.constant 0 : i32
        %parallel_loop3A_841 = arith.addi %parallel_loop3A_840, %parallel_loop3A_254 : i32
        %parallel_loop3A_842 = arith.index_cast %parallel_loop3A_841 : i32 to index
        %parallel_loop3A_843 = arith.constant 720 : index
        %parallel_loop3A_844 = tpu.vector_load %arg8[%parallel_loop3A_842, %parallel_loop3A_843] {strides = array<i32>} : memref<64x768xf32, #tpu.memory_space<vmem>>, vector<1x16xf32>,
        %parallel_loop3A_845 = vector.shape_cast %parallel_loop3A_844 : vector<1x16xf32> to vector<16xf32>
        %parallel_loop3A_846 = arith.constant 0 : i32
        %parallel_loop3A_847 = arith.index_cast %parallel_loop3A_846 : i32 to index
        %parallel_loop3A_848 = arith.index_cast %parallel_loop3A_254 : i32 to index
        %parallel_loop3A_849 = arith.constant 720 : index
        %parallel_loop3A_850 = tpu.vector_load %arg7[%parallel_loop3A_847, %parallel_loop3A_848, %parallel_loop3A_849] {strides = array<i32>} : memref<2x32x768xf32, #tpu.memory_space<vmem>>, vector<1x1x16xf32>,
        %parallel_loop3A_851 = vector.shape_cast %parallel_loop3A_850 : vector<1x1x16xf32> to vector<16xf32>
        %parallel_loop3A_852 = vector.shape_cast %parallel_loop3A_845 : vector<16xf32> to vector<1x1x16xf32>
        tpu.vector_store %arg7[%parallel_loop3A_847, %parallel_loop3A_848, %parallel_loop3A_849], %parallel_loop3A_852 {add = true, strides = array<i32>} : memref<2x32x768xf32, #tpu.memory_space<vmem>>, vector<1x1x16xf32>,
        %parallel_loop3A_853 = arith.constant 0 : i32
        %parallel_loop3A_854 = arith.addi %parallel_loop3A_853, %parallel_loop3A_254 : i32
        %parallel_loop3A_855 = arith.index_cast %parallel_loop3A_854 : i32 to index
        %parallel_loop3A_856 = arith.constant 736 : index
        %parallel_loop3A_857 = tpu.vector_load %arg8[%parallel_loop3A_855, %parallel_loop3A_856] {strides = array<i32>} : memref<64x768xf32, #tpu.memory_space<vmem>>, vector<1x16xf32>,
        %parallel_loop3A_858 = vector.shape_cast %parallel_loop3A_857 : vector<1x16xf32> to vector<16xf32>
        %parallel_loop3A_859 = arith.constant 0 : i32
        %parallel_loop3A_860 = arith.index_cast %parallel_loop3A_859 : i32 to index
        %parallel_loop3A_861 = arith.index_cast %parallel_loop3A_254 : i32 to index
        %parallel_loop3A_862 = arith.constant 736 : index
        %parallel_loop3A_863 = tpu.vector_load %arg7[%parallel_loop3A_860, %parallel_loop3A_861, %parallel_loop3A_862] {strides = array<i32>} : memref<2x32x768xf32, #tpu.memory_space<vmem>>, vector<1x1x16xf32>,
        %parallel_loop3A_864 = vector.shape_cast %parallel_loop3A_863 : vector<1x1x16xf32> to vector<16xf32>
        %parallel_loop3A_865 = vector.shape_cast %parallel_loop3A_858 : vector<16xf32> to vector<1x1x16xf32>
        tpu.vector_store %arg7[%parallel_loop3A_860, %parallel_loop3A_861, %parallel_loop3A_862], %parallel_loop3A_865 {add = true, strides = array<i32>} : memref<2x32x768xf32, #tpu.memory_space<vmem>>, vector<1x1x16xf32>,
        %parallel_loop3A_866 = arith.constant 0 : i32
        %parallel_loop3A_867 = arith.addi %parallel_loop3A_866, %parallel_loop3A_254 : i32
        %parallel_loop3A_868 = arith.index_cast %parallel_loop3A_867 : i32 to index
        %parallel_loop3A_869 = arith.constant 752 : index
        %parallel_loop3A_870 = tpu.vector_load %arg8[%parallel_loop3A_868, %parallel_loop3A_869] {strides = array<i32>} : memref<64x768xf32, #tpu.memory_space<vmem>>, vector<1x16xf32>,
        %parallel_loop3A_871 = vector.shape_cast %parallel_loop3A_870 : vector<1x16xf32> to vector<16xf32>
        %parallel_loop3A_872 = arith.constant 0 : i32
        %parallel_loop3A_873 = arith.index_cast %parallel_loop3A_872 : i32 to index
        %parallel_loop3A_874 = arith.index_cast %parallel_loop3A_254 : i32 to index
        %parallel_loop3A_875 = arith.constant 752 : index
        %parallel_loop3A_876 = tpu.vector_load %arg7[%parallel_loop3A_873, %parallel_loop3A_874, %parallel_loop3A_875] {strides = array<i32>} : memref<2x32x768xf32, #tpu.memory_space<vmem>>, vector<1x1x16xf32>,
        %parallel_loop3A_877 = vector.shape_cast %parallel_loop3A_876 : vector<1x1x16xf32> to vector<16xf32>
        %parallel_loop3A_878 = vector.shape_cast %parallel_loop3A_871 : vector<16xf32> to vector<1x1x16xf32>
        tpu.vector_store %arg7[%parallel_loop3A_873, %parallel_loop3A_874, %parallel_loop3A_875], %parallel_loop3A_878 {add = true, strides = array<i32>} : memref<2x32x768xf32, #tpu.memory_space<vmem>>, vector<1x1x16xf32>,
      } {sc.loop_unroll_factor = 2 : i64, sc.parallel_access}
      %mul3A_188 = arith.constant 1 : i32
      %mul3A_189 = arith.muli %scan3A_155, %mul3A_188 : i32
      %add3A_190 = arith.constant 0 : i32
      %add3A_191 = arith.addi %mul3A_189, %add3A_190 : i32
      %add3A_192 = arith.constant 0 : i32
      %add3A_193 = arith.addi %mul3A_2, %add3A_192 : i32
      %dma_start3A_194 = arith.constant 0 : i32
      %dma_start3A_195 = arith.constant 0 : i32
      %dma_start3A_196 = arith.constant 0 : i32
      %dma_start3A_197 = tpu.memref_slice %arg7[%dma_start3A_194, %dma_start3A_195, %dma_start3A_196] : memref<2x32x768xf32, #tpu.memory_space<vmem>> -> memref<1x32x768xf32, #tpu.memory_space<vmem>>
      %dma_start3A_198 = tpu.memref_squeeze %dma_start3A_197 : memref<1x32x768xf32, #tpu.memory_space<vmem>> -> memref<32x768xf32, #tpu.memory_space<vmem>>
      %dma_start3A_199 = arith.constant 0 : i32
      %dma_start3A_200 = tpu.memref_slice %arg5[%add3A_191, %add3A_193, %dma_start3A_199] : memref<4x2048x768xf32, #tpu.memory_space<hbm>> -> memref<1x32x768xf32, #tpu.memory_space<hbm>>
      %dma_start3A_201 = tpu.memref_squeeze %dma_start3A_200 : memref<1x32x768xf32, #tpu.memory_space<hbm>> -> memref<32x768xf32, #tpu.memory_space<hbm>>
      %dma_start3A_202 = arith.constant 0 : i32
      %dma_start3A_203 = tpu.memref_slice %arg5[%add3A_191, %add3A_193, %dma_start3A_202] : memref<4x2048x768xf32, #tpu.memory_space<hbm>> -> memref<1x32x768xf32, #tpu.memory_space<hbm>>
      %dma_start3A_204 = tpu.memref_squeeze %dma_start3A_203 : memref<1x32x768xf32, #tpu.memory_space<hbm>> -> memref<32x768xf32, #tpu.memory_space<hbm>>
      %dma_start3A_205 = arith.constant 0 : i32
      %dma_start3A_206 = arith.constant 0 : i32
      %dma_start3A_207 = tpu.memref_slice %arg7[%dma_start3A_194, %dma_start3A_205, %dma_start3A_206] : memref<2x32x768xf32, #tpu.memory_space<vmem>> -> memref<1x32x768xf32, #tpu.memory_space<vmem>>
      %dma_start3A_208 = tpu.memref_squeeze %dma_start3A_207 : memref<1x32x768xf32, #tpu.memory_space<vmem>> -> memref<32x768xf32, #tpu.memory_space<vmem>>
      tpu.enqueue_dma source(%dma_start3A_208 : memref<32x768xf32, #tpu.memory_space<vmem>>) target(%dma_start3A_204 : memref<32x768xf32, #tpu.memory_space<hbm>>) target_semaphore(%arg11 : memref<!tpu.dma_semaphore, #tpu.memory_space<semaphore_mem>>)
      %mul3A_209 = arith.constant 1 : i32
      %mul3A_210 = arith.muli %scan3A_155, %mul3A_209 : i32
      %add3A_211 = arith.constant 1 : i32
      %add3A_212 = arith.addi %mul3A_210, %add3A_211 : i32
      %lt3A = arith.constant 3 : i32
      %lt3A_213 = arith.cmpi slt, %scan3A_155, %lt3A : i32
      %convert_element_type3A_214 = arith.extui %lt3A_213 : i1 to i32
      %cond3A_215 = arith.constant 0 : i32
      %cond3A_216 = arith.cmpi ne, %convert_element_type3A_214, %cond3A_215 : i32
      scf.if %cond3A_216 {
        %dma_wait3A_254 = arith.constant 0 : i32
        %dma_wait3A_255 = arith.constant 0 : i32
        %dma_wait3A_256 = arith.constant 0 : i32
        %dma_wait3A_257 = arith.constant 0 : i32
        %dma_wait3A_258 = tpu.memref_slice %arg7[%dma_wait3A_254, %dma_wait3A_256, %dma_wait3A_257] : memref<2x32x768xf32, #tpu.memory_space<vmem>> -> memref<1x32x768xf32, #tpu.memory_space<vmem>>
        %dma_wait3A_259 = tpu.memref_squeeze %dma_wait3A_258 : memref<1x32x768xf32, #tpu.memory_space<vmem>> -> memref<32x768xf32, #tpu.memory_space<vmem>>
        %dma_wait3A_260 = arith.constant 0 : i32
        %dma_wait3A_261 = tpu.memref_slice %arg5[%dma_wait3A_255, %mul3A_2, %dma_wait3A_260] : memref<4x2048x768xf32, #tpu.memory_space<hbm>> -> memref<1x32x768xf32, #tpu.memory_space<hbm>>
        %dma_wait3A_262 = tpu.memref_squeeze %dma_wait3A_261 : memref<1x32x768xf32, #tpu.memory_space<hbm>> -> memref<32x768xf32, #tpu.memory_space<hbm>>
        %dma_wait3A_263 = arith.constant 0 : i32
        %dma_wait3A_264 = tpu.memref_slice %arg5[%dma_wait3A_255, %mul3A_2, %dma_wait3A_263] : memref<4x2048x768xf32, #tpu.memory_space<hbm>> -> memref<1x32x768xf32, #tpu.memory_space<hbm>>
        %dma_wait3A_265 = tpu.memref_squeeze %dma_wait3A_264 : memref<1x32x768xf32, #tpu.memory_space<hbm>> -> memref<32x768xf32, #tpu.memory_space<hbm>>
        %dma_wait3A_266 = arith.constant 0 : i32
        %dma_wait3A_267 = arith.constant 0 : i32
        %dma_wait3A_268 = tpu.memref_slice %arg7[%dma_wait3A_254, %dma_wait3A_266, %dma_wait3A_267] : memref<2x32x768xf32, #tpu.memory_space<vmem>> -> memref<1x32x768xf32, #tpu.memory_space<vmem>>
        %dma_wait3A_269 = tpu.memref_squeeze %dma_wait3A_268 : memref<1x32x768xf32, #tpu.memory_space<vmem>> -> memref<32x768xf32, #tpu.memory_space<vmem>>
        tpu.wait_dma2 semaphore(%arg11 : memref<!tpu.dma_semaphore, #tpu.memory_space<semaphore_mem>>) src(%dma_wait3A_269 : memref<32x768xf32, #tpu.memory_space<vmem>>) dst(%dma_wait3A_265 : memref<32x768xf32, #tpu.memory_space<hbm>>)
        %dma_start3A_270 = arith.constant 0 : i32
        %dma_start3A_271 = arith.constant 0 : i32
        %dma_start3A_272 = arith.constant 0 : i32
        %dma_start3A_273 = tpu.memref_slice %arg7[%dma_start3A_270, %dma_start3A_271, %dma_start3A_272] : memref<2x32x768xf32, #tpu.memory_space<vmem>> -> memref<1x32x768xf32, #tpu.memory_space<vmem>>
        %dma_start3A_274 = tpu.memref_squeeze %dma_start3A_273 : memref<1x32x768xf32, #tpu.memory_space<vmem>> -> memref<32x768xf32, #tpu.memory_space<vmem>>
        %dma_start3A_275 = arith.constant 0 : i32
        %dma_start3A_276 = tpu.memref_slice %arg6[%add3A_212, %dma_start3A_275] : memref<4x64xi32, #tpu.memory_space<vmem>> -> memref<1x32xi32, #tpu.memory_space<vmem>>
        %dma_start3A_277 = tpu.memref_squeeze %dma_start3A_276 : memref<1x32xi32, #tpu.memory_space<vmem>> -> memref<32xi32, #tpu.memory_space<vmem>>
        %dma_start3A_278 = arith.constant 0 : i32
        %dma_start3A_279 = arith.constant 0 : i32
        %dma_start3A_280 = tpu.memref_slice %arg3[%dma_start3A_278, %dma_start3A_279] : memref<100000x768xf32, #tpu.memory_space<hbm>> -> memref<100000x768xf32, #tpu.memory_space<hbm>>
        tpu.enqueue_indirect_dma source(%dma_start3A_280 : memref<100000x768xf32, #tpu.memory_space<hbm>>) target(%dma_start3A_274 : memref<32x768xf32, #tpu.memory_space<vmem>>) offsets(%dma_start3A_277 : memref<32xi32, #tpu.memory_space<vmem>>) semaphore(%arg9 : memref<!tpu.dma_semaphore, #tpu.memory_space<semaphore_mem>>)
      } else {
      }
      %dma_wait3A_217 = arith.constant 0 : i32
      %dma_wait3A_218 = arith.constant 1 : i32
      %dma_wait3A_219 = arith.constant 0 : i32
      %dma_wait3A_220 = arith.constant 0 : i32
      %dma_wait3A_221 = tpu.memref_slice %arg7[%dma_wait3A_218, %dma_wait3A_219, %dma_wait3A_220] : memref<2x32x768xf32, #tpu.memory_space<vmem>> -> memref<1x32x768xf32, #tpu.memory_space<vmem>>
      %dma_wait3A_222 = tpu.memref_squeeze %dma_wait3A_221 : memref<1x32x768xf32, #tpu.memory_space<vmem>> -> memref<32x768xf32, #tpu.memory_space<vmem>>
      %dma_wait3A_223 = arith.constant 0 : i32
      %dma_wait3A_224 = tpu.memref_slice %arg6[%dma_wait3A_217, %dma_wait3A_223] : memref<4x64xi32, #tpu.memory_space<vmem>> -> memref<1x32xi32, #tpu.memory_space<vmem>>
      %dma_wait3A_225 = tpu.memref_squeeze %dma_wait3A_224 : memref<1x32xi32, #tpu.memory_space<vmem>> -> memref<32xi32, #tpu.memory_space<vmem>>
      %dma_wait3A_226 = arith.constant 0 : i32
      %dma_wait3A_227 = arith.constant 0 : i32
      %dma_wait3A_228 = tpu.memref_slice %arg3[%dma_wait3A_226, %dma_wait3A_227] : memref<100000x768xf32, #tpu.memory_space<hbm>> -> memref<100000x768xf32, #tpu.memory_space<hbm>>
      tpu.wait_indirect_dma semaphore(%arg10 : memref<!tpu.dma_semaphore, #tpu.memory_space<semaphore_mem>>) src(%dma_wait3A_228 : memref<100000x768xf32, #tpu.memory_space<hbm>>) dst(%dma_wait3A_222 : memref<32x768xf32, #tpu.memory_space<vmem>>)
      %parallel_loop3A_229 = arith.constant 0 : i32
      %parallel_loop3A_230 = arith.constant 32 : i32
      %parallel_loop3A_231 = arith.constant 1 : i32
      scf.for %parallel_loop3A_254 = %parallel_loop3A_229 to %parallel_loop3A_230 step %parallel_loop3A_231  : i32 {
        %parallel_loop3A_255 = arith.constant 32 : i32
        %parallel_loop3A_256 = arith.addi %parallel_loop3A_255, %parallel_loop3A_254 : i32
        %parallel_loop3A_257 = arith.index_cast %parallel_loop3A_256 : i32 to index
        %parallel_loop3A_258 = arith.constant 0 : index
        %parallel_loop3A_259 = tpu.vector_load %arg8[%parallel_loop3A_257, %parallel_loop3A_258] {strides = array<i32>} : memref<64x768xf32, #tpu.memory_space<vmem>>, vector<1x16xf32>,
        %parallel_loop3A_260 = vector.shape_cast %parallel_loop3A_259 : vector<1x16xf32> to vector<16xf32>
        %parallel_loop3A_261 = arith.constant 1 : i32
        %parallel_loop3A_262 = arith.index_cast %parallel_loop3A_261 : i32 to index
        %parallel_loop3A_263 = arith.index_cast %parallel_loop3A_254 : i32 to index
        %parallel_loop3A_264 = arith.constant 0 : index
        %parallel_loop3A_265 = tpu.vector_load %arg7[%parallel_loop3A_262, %parallel_loop3A_263, %parallel_loop3A_264] {strides = array<i32>} : memref<2x32x768xf32, #tpu.memory_space<vmem>>, vector<1x1x16xf32>,
        %parallel_loop3A_266 = vector.shape_cast %parallel_loop3A_265 : vector<1x1x16xf32> to vector<16xf32>
        %parallel_loop3A_267 = vector.shape_cast %parallel_loop3A_260 : vector<16xf32> to vector<1x1x16xf32>
        tpu.vector_store %arg7[%parallel_loop3A_262, %parallel_loop3A_263, %parallel_loop3A_264], %parallel_loop3A_267 {add = true, strides = array<i32>} : memref<2x32x768xf32, #tpu.memory_space<vmem>>, vector<1x1x16xf32>,
        %parallel_loop3A_268 = arith.constant 32 : i32
        %parallel_loop3A_269 = arith.addi %parallel_loop3A_268, %parallel_loop3A_254 : i32
        %parallel_loop3A_270 = arith.index_cast %parallel_loop3A_269 : i32 to index
        %parallel_loop3A_271 = arith.constant 16 : index
        %parallel_loop3A_272 = tpu.vector_load %arg8[%parallel_loop3A_270, %parallel_loop3A_271] {strides = array<i32>} : memref<64x768xf32, #tpu.memory_space<vmem>>, vector<1x16xf32>,
        %parallel_loop3A_273 = vector.shape_cast %parallel_loop3A_272 : vector<1x16xf32> to vector<16xf32>
        %parallel_loop3A_274 = arith.constant 1 : i32
        %parallel_loop3A_275 = arith.index_cast %parallel_loop3A_274 : i32 to index
        %parallel_loop3A_276 = arith.index_cast %parallel_loop3A_254 : i32 to index
        %parallel_loop3A_277 = arith.constant 16 : index
        %parallel_loop3A_278 = tpu.vector_load %arg7[%parallel_loop3A_275, %parallel_loop3A_276, %parallel_loop3A_277] {strides = array<i32>} : memref<2x32x768xf32, #tpu.memory_space<vmem>>, vector<1x1x16xf32>,
        %parallel_loop3A_279 = vector.shape_cast %parallel_loop3A_278 : vector<1x1x16xf32> to vector<16xf32>
        %parallel_loop3A_280 = vector.shape_cast %parallel_loop3A_273 : vector<16xf32> to vector<1x1x16xf32>
        tpu.vector_store %arg7[%parallel_loop3A_275, %parallel_loop3A_276, %parallel_loop3A_277], %parallel_loop3A_280 {add = true, strides = array<i32>} : memref<2x32x768xf32, #tpu.memory_space<vmem>>, vector<1x1x16xf32>,
        %parallel_loop3A_281 = arith.constant 32 : i32
        %parallel_loop3A_282 = arith.addi %parallel_loop3A_281, %parallel_loop3A_254 : i32
        %parallel_loop3A_283 = arith.index_cast %parallel_loop3A_282 : i32 to index
        %parallel_loop3A_284 = arith.constant 32 : index
        %parallel_loop3A_285 = tpu.vector_load %arg8[%parallel_loop3A_283, %parallel_loop3A_284] {strides = array<i32>} : memref<64x768xf32, #tpu.memory_space<vmem>>, vector<1x16xf32>,
        %parallel_loop3A_286 = vector.shape_cast %parallel_loop3A_285 : vector<1x16xf32> to vector<16xf32>
        %parallel_loop3A_287 = arith.constant 1 : i32
        %parallel_loop3A_288 = arith.index_cast %parallel_loop3A_287 : i32 to index
        %parallel_loop3A_289 = arith.index_cast %parallel_loop3A_254 : i32 to index
        %parallel_loop3A_290 = arith.constant 32 : index
        %parallel_loop3A_291 = tpu.vector_load %arg7[%parallel_loop3A_288, %parallel_loop3A_289, %parallel_loop3A_290] {strides = array<i32>} : memref<2x32x768xf32, #tpu.memory_space<vmem>>, vector<1x1x16xf32>,
        %parallel_loop3A_292 = vector.shape_cast %parallel_loop3A_291 : vector<1x1x16xf32> to vector<16xf32>
        %parallel_loop3A_293 = vector.shape_cast %parallel_loop3A_286 : vector<16xf32> to vector<1x1x16xf32>
        tpu.vector_store %arg7[%parallel_loop3A_288, %parallel_loop3A_289, %parallel_loop3A_290], %parallel_loop3A_293 {add = true, strides = array<i32>} : memref<2x32x768xf32, #tpu.memory_space<vmem>>, vector<1x1x16xf32>,
        %parallel_loop3A_294 = arith.constant 32 : i32
        %parallel_loop3A_295 = arith.addi %parallel_loop3A_294, %parallel_loop3A_254 : i32
        %parallel_loop3A_296 = arith.index_cast %parallel_loop3A_295 : i32 to index
        %parallel_loop3A_297 = arith.constant 48 : index
        %parallel_loop3A_298 = tpu.vector_load %arg8[%parallel_loop3A_296, %parallel_loop3A_297] {strides = array<i32>} : memref<64x768xf32, #tpu.memory_space<vmem>>, vector<1x16xf32>,
        %parallel_loop3A_299 = vector.shape_cast %parallel_loop3A_298 : vector<1x16xf32> to vector<16xf32>
        %parallel_loop3A_300 = arith.constant 1 : i32
        %parallel_loop3A_301 = arith.index_cast %parallel_loop3A_300 : i32 to index
        %parallel_loop3A_302 = arith.index_cast %parallel_loop3A_254 : i32 to index
        %parallel_loop3A_303 = arith.constant 48 : index
        %parallel_loop3A_304 = tpu.vector_load %arg7[%parallel_loop3A_301, %parallel_loop3A_302, %parallel_loop3A_303] {strides = array<i32>} : memref<2x32x768xf32, #tpu.memory_space<vmem>>, vector<1x1x16xf32>,
        %parallel_loop3A_305 = vector.shape_cast %parallel_loop3A_304 : vector<1x1x16xf32> to vector<16xf32>
        %parallel_loop3A_306 = vector.shape_cast %parallel_loop3A_299 : vector<16xf32> to vector<1x1x16xf32>
        tpu.vector_store %arg7[%parallel_loop3A_301, %parallel_loop3A_302, %parallel_loop3A_303], %parallel_loop3A_306 {add = true, strides = array<i32>} : memref<2x32x768xf32, #tpu.memory_space<vmem>>, vector<1x1x16xf32>,
        %parallel_loop3A_307 = arith.constant 32 : i32
        %parallel_loop3A_308 = arith.addi %parallel_loop3A_307, %parallel_loop3A_254 : i32
        %parallel_loop3A_309 = arith.index_cast %parallel_loop3A_308 : i32 to index
        %parallel_loop3A_310 = arith.constant 64 : index
        %parallel_loop3A_311 = tpu.vector_load %arg8[%parallel_loop3A_309, %parallel_loop3A_310] {strides = array<i32>} : memref<64x768xf32, #tpu.memory_space<vmem>>, vector<1x16xf32>,
        %parallel_loop3A_312 = vector.shape_cast %parallel_loop3A_311 : vector<1x16xf32> to vector<16xf32>
        %parallel_loop3A_313 = arith.constant 1 : i32
        %parallel_loop3A_314 = arith.index_cast %parallel_loop3A_313 : i32 to index
        %parallel_loop3A_315 = arith.index_cast %parallel_loop3A_254 : i32 to index
        %parallel_loop3A_316 = arith.constant 64 : index
        %parallel_loop3A_317 = tpu.vector_load %arg7[%parallel_loop3A_314, %parallel_loop3A_315, %parallel_loop3A_316] {strides = array<i32>} : memref<2x32x768xf32, #tpu.memory_space<vmem>>, vector<1x1x16xf32>,
        %parallel_loop3A_318 = vector.shape_cast %parallel_loop3A_317 : vector<1x1x16xf32> to vector<16xf32>
        %parallel_loop3A_319 = vector.shape_cast %parallel_loop3A_312 : vector<16xf32> to vector<1x1x16xf32>
        tpu.vector_store %arg7[%parallel_loop3A_314, %parallel_loop3A_315, %parallel_loop3A_316], %parallel_loop3A_319 {add = true, strides = array<i32>} : memref<2x32x768xf32, #tpu.memory_space<vmem>>, vector<1x1x16xf32>,
        %parallel_loop3A_320 = arith.constant 32 : i32
        %parallel_loop3A_321 = arith.addi %parallel_loop3A_320, %parallel_loop3A_254 : i32
        %parallel_loop3A_322 = arith.index_cast %parallel_loop3A_321 : i32 to index
        %parallel_loop3A_323 = arith.constant 80 : index
        %parallel_loop3A_324 = tpu.vector_load %arg8[%parallel_loop3A_322, %parallel_loop3A_323] {strides = array<i32>} : memref<64x768xf32, #tpu.memory_space<vmem>>, vector<1x16xf32>,
        %parallel_loop3A_325 = vector.shape_cast %parallel_loop3A_324 : vector<1x16xf32> to vector<16xf32>
        %parallel_loop3A_326 = arith.constant 1 : i32
        %parallel_loop3A_327 = arith.index_cast %parallel_loop3A_326 : i32 to index
        %parallel_loop3A_328 = arith.index_cast %parallel_loop3A_254 : i32 to index
        %parallel_loop3A_329 = arith.constant 80 : index
        %parallel_loop3A_330 = tpu.vector_load %arg7[%parallel_loop3A_327, %parallel_loop3A_328, %parallel_loop3A_329] {strides = array<i32>} : memref<2x32x768xf32, #tpu.memory_space<vmem>>, vector<1x1x16xf32>,
        %parallel_loop3A_331 = vector.shape_cast %parallel_loop3A_330 : vector<1x1x16xf32> to vector<16xf32>
        %parallel_loop3A_332 = vector.shape_cast %parallel_loop3A_325 : vector<16xf32> to vector<1x1x16xf32>
        tpu.vector_store %arg7[%parallel_loop3A_327, %parallel_loop3A_328, %parallel_loop3A_329], %parallel_loop3A_332 {add = true, strides = array<i32>} : memref<2x32x768xf32, #tpu.memory_space<vmem>>, vector<1x1x16xf32>,
        %parallel_loop3A_333 = arith.constant 32 : i32
        %parallel_loop3A_334 = arith.addi %parallel_loop3A_333, %parallel_loop3A_254 : i32
        %parallel_loop3A_335 = arith.index_cast %parallel_loop3A_334 : i32 to index
        %parallel_loop3A_336 = arith.constant 96 : index
        %parallel_loop3A_337 = tpu.vector_load %arg8[%parallel_loop3A_335, %parallel_loop3A_336] {strides = array<i32>} : memref<64x768xf32, #tpu.memory_space<vmem>>, vector<1x16xf32>,
        %parallel_loop3A_338 = vector.shape_cast %parallel_loop3A_337 : vector<1x16xf32> to vector<16xf32>
        %parallel_loop3A_339 = arith.constant 1 : i32
        %parallel_loop3A_340 = arith.index_cast %parallel_loop3A_339 : i32 to index
        %parallel_loop3A_341 = arith.index_cast %parallel_loop3A_254 : i32 to index
        %parallel_loop3A_342 = arith.constant 96 : index
        %parallel_loop3A_343 = tpu.vector_load %arg7[%parallel_loop3A_340, %parallel_loop3A_341, %parallel_loop3A_342] {strides = array<i32>} : memref<2x32x768xf32, #tpu.memory_space<vmem>>, vector<1x1x16xf32>,
        %parallel_loop3A_344 = vector.shape_cast %parallel_loop3A_343 : vector<1x1x16xf32> to vector<16xf32>
        %parallel_loop3A_345 = vector.shape_cast %parallel_loop3A_338 : vector<16xf32> to vector<1x1x16xf32>
        tpu.vector_store %arg7[%parallel_loop3A_340, %parallel_loop3A_341, %parallel_loop3A_342], %parallel_loop3A_345 {add = true, strides = array<i32>} : memref<2x32x768xf32, #tpu.memory_space<vmem>>, vector<1x1x16xf32>,
        %parallel_loop3A_346 = arith.constant 32 : i32
        %parallel_loop3A_347 = arith.addi %parallel_loop3A_346, %parallel_loop3A_254 : i32
        %parallel_loop3A_348 = arith.index_cast %parallel_loop3A_347 : i32 to index
        %parallel_loop3A_349 = arith.constant 112 : index
        %parallel_loop3A_350 = tpu.vector_load %arg8[%parallel_loop3A_348, %parallel_loop3A_349] {strides = array<i32>} : memref<64x768xf32, #tpu.memory_space<vmem>>, vector<1x16xf32>,
        %parallel_loop3A_351 = vector.shape_cast %parallel_loop3A_350 : vector<1x16xf32> to vector<16xf32>
        %parallel_loop3A_352 = arith.constant 1 : i32
        %parallel_loop3A_353 = arith.index_cast %parallel_loop3A_352 : i32 to index
        %parallel_loop3A_354 = arith.index_cast %parallel_loop3A_254 : i32 to index
        %parallel_loop3A_355 = arith.constant 112 : index
        %parallel_loop3A_356 = tpu.vector_load %arg7[%parallel_loop3A_353, %parallel_loop3A_354, %parallel_loop3A_355] {strides = array<i32>} : memref<2x32x768xf32, #tpu.memory_space<vmem>>, vector<1x1x16xf32>,
        %parallel_loop3A_357 = vector.shape_cast %parallel_loop3A_356 : vector<1x1x16xf32> to vector<16xf32>
        %parallel_loop3A_358 = vector.shape_cast %parallel_loop3A_351 : vector<16xf32> to vector<1x1x16xf32>
        tpu.vector_store %arg7[%parallel_loop3A_353, %parallel_loop3A_354, %parallel_loop3A_355], %parallel_loop3A_358 {add = true, strides = array<i32>} : memref<2x32x768xf32, #tpu.memory_space<vmem>>, vector<1x1x16xf32>,
        %parallel_loop3A_359 = arith.constant 32 : i32
        %parallel_loop3A_360 = arith.addi %parallel_loop3A_359, %parallel_loop3A_254 : i32
        %parallel_loop3A_361 = arith.index_cast %parallel_loop3A_360 : i32 to index
        %parallel_loop3A_362 = arith.constant 128 : index
        %parallel_loop3A_363 = tpu.vector_load %arg8[%parallel_loop3A_361, %parallel_loop3A_362] {strides = array<i32>} : memref<64x768xf32, #tpu.memory_space<vmem>>, vector<1x16xf32>,
        %parallel_loop3A_364 = vector.shape_cast %parallel_loop3A_363 : vector<1x16xf32> to vector<16xf32>
        %parallel_loop3A_365 = arith.constant 1 : i32
        %parallel_loop3A_366 = arith.index_cast %parallel_loop3A_365 : i32 to index
        %parallel_loop3A_367 = arith.index_cast %parallel_loop3A_254 : i32 to index
        %parallel_loop3A_368 = arith.constant 128 : index
        %parallel_loop3A_369 = tpu.vector_load %arg7[%parallel_loop3A_366, %parallel_loop3A_367, %parallel_loop3A_368] {strides = array<i32>} : memref<2x32x768xf32, #tpu.memory_space<vmem>>, vector<1x1x16xf32>,
        %parallel_loop3A_370 = vector.shape_cast %parallel_loop3A_369 : vector<1x1x16xf32> to vector<16xf32>
        %parallel_loop3A_371 = vector.shape_cast %parallel_loop3A_364 : vector<16xf32> to vector<1x1x16xf32>
        tpu.vector_store %arg7[%parallel_loop3A_366, %parallel_loop3A_367, %parallel_loop3A_368], %parallel_loop3A_371 {add = true, strides = array<i32>} : memref<2x32x768xf32, #tpu.memory_space<vmem>>, vector<1x1x16xf32>,
        %parallel_loop3A_372 = arith.constant 32 : i32
        %parallel_loop3A_373 = arith.addi %parallel_loop3A_372, %parallel_loop3A_254 : i32
        %parallel_loop3A_374 = arith.index_cast %parallel_loop3A_373 : i32 to index
        %parallel_loop3A_375 = arith.constant 144 : index
        %parallel_loop3A_376 = tpu.vector_load %arg8[%parallel_loop3A_374, %parallel_loop3A_375] {strides = array<i32>} : memref<64x768xf32, #tpu.memory_space<vmem>>, vector<1x16xf32>,
        %parallel_loop3A_377 = vector.shape_cast %parallel_loop3A_376 : vector<1x16xf32> to vector<16xf32>
        %parallel_loop3A_378 = arith.constant 1 : i32
        %parallel_loop3A_379 = arith.index_cast %parallel_loop3A_378 : i32 to index
        %parallel_loop3A_380 = arith.index_cast %parallel_loop3A_254 : i32 to index
        %parallel_loop3A_381 = arith.constant 144 : index
        %parallel_loop3A_382 = tpu.vector_load %arg7[%parallel_loop3A_379, %parallel_loop3A_380, %parallel_loop3A_381] {strides = array<i32>} : memref<2x32x768xf32, #tpu.memory_space<vmem>>, vector<1x1x16xf32>,
        %parallel_loop3A_383 = vector.shape_cast %parallel_loop3A_382 : vector<1x1x16xf32> to vector<16xf32>
        %parallel_loop3A_384 = vector.shape_cast %parallel_loop3A_377 : vector<16xf32> to vector<1x1x16xf32>
        tpu.vector_store %arg7[%parallel_loop3A_379, %parallel_loop3A_380, %parallel_loop3A_381], %parallel_loop3A_384 {add = true, strides = array<i32>} : memref<2x32x768xf32, #tpu.memory_space<vmem>>, vector<1x1x16xf32>,
        %parallel_loop3A_385 = arith.constant 32 : i32
        %parallel_loop3A_386 = arith.addi %parallel_loop3A_385, %parallel_loop3A_254 : i32
        %parallel_loop3A_387 = arith.index_cast %parallel_loop3A_386 : i32 to index
        %parallel_loop3A_388 = arith.constant 160 : index
        %parallel_loop3A_389 = tpu.vector_load %arg8[%parallel_loop3A_387, %parallel_loop3A_388] {strides = array<i32>} : memref<64x768xf32, #tpu.memory_space<vmem>>, vector<1x16xf32>,
        %parallel_loop3A_390 = vector.shape_cast %parallel_loop3A_389 : vector<1x16xf32> to vector<16xf32>
        %parallel_loop3A_391 = arith.constant 1 : i32
        %parallel_loop3A_392 = arith.index_cast %parallel_loop3A_391 : i32 to index
        %parallel_loop3A_393 = arith.index_cast %parallel_loop3A_254 : i32 to index
        %parallel_loop3A_394 = arith.constant 160 : index
        %parallel_loop3A_395 = tpu.vector_load %arg7[%parallel_loop3A_392, %parallel_loop3A_393, %parallel_loop3A_394] {strides = array<i32>} : memref<2x32x768xf32, #tpu.memory_space<vmem>>, vector<1x1x16xf32>,
        %parallel_loop3A_396 = vector.shape_cast %parallel_loop3A_395 : vector<1x1x16xf32> to vector<16xf32>
        %parallel_loop3A_397 = vector.shape_cast %parallel_loop3A_390 : vector<16xf32> to vector<1x1x16xf32>
        tpu.vector_store %arg7[%parallel_loop3A_392, %parallel_loop3A_393, %parallel_loop3A_394], %parallel_loop3A_397 {add = true, strides = array<i32>} : memref<2x32x768xf32, #tpu.memory_space<vmem>>, vector<1x1x16xf32>,
        %parallel_loop3A_398 = arith.constant 32 : i32
        %parallel_loop3A_399 = arith.addi %parallel_loop3A_398, %parallel_loop3A_254 : i32
        %parallel_loop3A_400 = arith.index_cast %parallel_loop3A_399 : i32 to index
        %parallel_loop3A_401 = arith.constant 176 : index
        %parallel_loop3A_402 = tpu.vector_load %arg8[%parallel_loop3A_400, %parallel_loop3A_401] {strides = array<i32>} : memref<64x768xf32, #tpu.memory_space<vmem>>, vector<1x16xf32>,
        %parallel_loop3A_403 = vector.shape_cast %parallel_loop3A_402 : vector<1x16xf32> to vector<16xf32>
        %parallel_loop3A_404 = arith.constant 1 : i32
        %parallel_loop3A_405 = arith.index_cast %parallel_loop3A_404 : i32 to index
        %parallel_loop3A_406 = arith.index_cast %parallel_loop3A_254 : i32 to index
        %parallel_loop3A_407 = arith.constant 176 : index
        %parallel_loop3A_408 = tpu.vector_load %arg7[%parallel_loop3A_405, %parallel_loop3A_406, %parallel_loop3A_407] {strides = array<i32>} : memref<2x32x768xf32, #tpu.memory_space<vmem>>, vector<1x1x16xf32>,
        %parallel_loop3A_409 = vector.shape_cast %parallel_loop3A_408 : vector<1x1x16xf32> to vector<16xf32>
        %parallel_loop3A_410 = vector.shape_cast %parallel_loop3A_403 : vector<16xf32> to vector<1x1x16xf32>
        tpu.vector_store %arg7[%parallel_loop3A_405, %parallel_loop3A_406, %parallel_loop3A_407], %parallel_loop3A_410 {add = true, strides = array<i32>} : memref<2x32x768xf32, #tpu.memory_space<vmem>>, vector<1x1x16xf32>,
        %parallel_loop3A_411 = arith.constant 32 : i32
        %parallel_loop3A_412 = arith.addi %parallel_loop3A_411, %parallel_loop3A_254 : i32
        %parallel_loop3A_413 = arith.index_cast %parallel_loop3A_412 : i32 to index
        %parallel_loop3A_414 = arith.constant 192 : index
        %parallel_loop3A_415 = tpu.vector_load %arg8[%parallel_loop3A_413, %parallel_loop3A_414] {strides = array<i32>} : memref<64x768xf32, #tpu.memory_space<vmem>>, vector<1x16xf32>,
        %parallel_loop3A_416 = vector.shape_cast %parallel_loop3A_415 : vector<1x16xf32> to vector<16xf32>
        %parallel_loop3A_417 = arith.constant 1 : i32
        %parallel_loop3A_418 = arith.index_cast %parallel_loop3A_417 : i32 to index
        %parallel_loop3A_419 = arith.index_cast %parallel_loop3A_254 : i32 to index
        %parallel_loop3A_420 = arith.constant 192 : index
        %parallel_loop3A_421 = tpu.vector_load %arg7[%parallel_loop3A_418, %parallel_loop3A_419, %parallel_loop3A_420] {strides = array<i32>} : memref<2x32x768xf32, #tpu.memory_space<vmem>>, vector<1x1x16xf32>,
        %parallel_loop3A_422 = vector.shape_cast %parallel_loop3A_421 : vector<1x1x16xf32> to vector<16xf32>
        %parallel_loop3A_423 = vector.shape_cast %parallel_loop3A_416 : vector<16xf32> to vector<1x1x16xf32>
        tpu.vector_store %arg7[%parallel_loop3A_418, %parallel_loop3A_419, %parallel_loop3A_420], %parallel_loop3A_423 {add = true, strides = array<i32>} : memref<2x32x768xf32, #tpu.memory_space<vmem>>, vector<1x1x16xf32>,
        %parallel_loop3A_424 = arith.constant 32 : i32
        %parallel_loop3A_425 = arith.addi %parallel_loop3A_424, %parallel_loop3A_254 : i32
        %parallel_loop3A_426 = arith.index_cast %parallel_loop3A_425 : i32 to index
        %parallel_loop3A_427 = arith.constant 208 : index
        %parallel_loop3A_428 = tpu.vector_load %arg8[%parallel_loop3A_426, %parallel_loop3A_427] {strides = array<i32>} : memref<64x768xf32, #tpu.memory_space<vmem>>, vector<1x16xf32>,
        %parallel_loop3A_429 = vector.shape_cast %parallel_loop3A_428 : vector<1x16xf32> to vector<16xf32>
        %parallel_loop3A_430 = arith.constant 1 : i32
        %parallel_loop3A_431 = arith.index_cast %parallel_loop3A_430 : i32 to index
        %parallel_loop3A_432 = arith.index_cast %parallel_loop3A_254 : i32 to index
        %parallel_loop3A_433 = arith.constant 208 : index
        %parallel_loop3A_434 = tpu.vector_load %arg7[%parallel_loop3A_431, %parallel_loop3A_432, %parallel_loop3A_433] {strides = array<i32>} : memref<2x32x768xf32, #tpu.memory_space<vmem>>, vector<1x1x16xf32>,
        %parallel_loop3A_435 = vector.shape_cast %parallel_loop3A_434 : vector<1x1x16xf32> to vector<16xf32>
        %parallel_loop3A_436 = vector.shape_cast %parallel_loop3A_429 : vector<16xf32> to vector<1x1x16xf32>
        tpu.vector_store %arg7[%parallel_loop3A_431, %parallel_loop3A_432, %parallel_loop3A_433], %parallel_loop3A_436 {add = true, strides = array<i32>} : memref<2x32x768xf32, #tpu.memory_space<vmem>>, vector<1x1x16xf32>,
        %parallel_loop3A_437 = arith.constant 32 : i32
        %parallel_loop3A_438 = arith.addi %parallel_loop3A_437, %parallel_loop3A_254 : i32
        %parallel_loop3A_439 = arith.index_cast %parallel_loop3A_438 : i32 to index
        %parallel_loop3A_440 = arith.constant 224 : index
        %parallel_loop3A_441 = tpu.vector_load %arg8[%parallel_loop3A_439, %parallel_loop3A_440] {strides = array<i32>} : memref<64x768xf32, #tpu.memory_space<vmem>>, vector<1x16xf32>,
        %parallel_loop3A_442 = vector.shape_cast %parallel_loop3A_441 : vector<1x16xf32> to vector<16xf32>
        %parallel_loop3A_443 = arith.constant 1 : i32
        %parallel_loop3A_444 = arith.index_cast %parallel_loop3A_443 : i32 to index
        %parallel_loop3A_445 = arith.index_cast %parallel_loop3A_254 : i32 to index
        %parallel_loop3A_446 = arith.constant 224 : index
        %parallel_loop3A_447 = tpu.vector_load %arg7[%parallel_loop3A_444, %parallel_loop3A_445, %parallel_loop3A_446] {strides = array<i32>} : memref<2x32x768xf32, #tpu.memory_space<vmem>>, vector<1x1x16xf32>,
        %parallel_loop3A_448 = vector.shape_cast %parallel_loop3A_447 : vector<1x1x16xf32> to vector<16xf32>
        %parallel_loop3A_449 = vector.shape_cast %parallel_loop3A_442 : vector<16xf32> to vector<1x1x16xf32>
        tpu.vector_store %arg7[%parallel_loop3A_444, %parallel_loop3A_445, %parallel_loop3A_446], %parallel_loop3A_449 {add = true, strides = array<i32>} : memref<2x32x768xf32, #tpu.memory_space<vmem>>, vector<1x1x16xf32>,
        %parallel_loop3A_450 = arith.constant 32 : i32
        %parallel_loop3A_451 = arith.addi %parallel_loop3A_450, %parallel_loop3A_254 : i32
        %parallel_loop3A_452 = arith.index_cast %parallel_loop3A_451 : i32 to index
        %parallel_loop3A_453 = arith.constant 240 : index
        %parallel_loop3A_454 = tpu.vector_load %arg8[%parallel_loop3A_452, %parallel_loop3A_453] {strides = array<i32>} : memref<64x768xf32, #tpu.memory_space<vmem>>, vector<1x16xf32>,
        %parallel_loop3A_455 = vector.shape_cast %parallel_loop3A_454 : vector<1x16xf32> to vector<16xf32>
        %parallel_loop3A_456 = arith.constant 1 : i32
        %parallel_loop3A_457 = arith.index_cast %parallel_loop3A_456 : i32 to index
        %parallel_loop3A_458 = arith.index_cast %parallel_loop3A_254 : i32 to index
        %parallel_loop3A_459 = arith.constant 240 : index
        %parallel_loop3A_460 = tpu.vector_load %arg7[%parallel_loop3A_457, %parallel_loop3A_458, %parallel_loop3A_459] {strides = array<i32>} : memref<2x32x768xf32, #tpu.memory_space<vmem>>, vector<1x1x16xf32>,
        %parallel_loop3A_461 = vector.shape_cast %parallel_loop3A_460 : vector<1x1x16xf32> to vector<16xf32>
        %parallel_loop3A_462 = vector.shape_cast %parallel_loop3A_455 : vector<16xf32> to vector<1x1x16xf32>
        tpu.vector_store %arg7[%parallel_loop3A_457, %parallel_loop3A_458, %parallel_loop3A_459], %parallel_loop3A_462 {add = true, strides = array<i32>} : memref<2x32x768xf32, #tpu.memory_space<vmem>>, vector<1x1x16xf32>,
        %parallel_loop3A_463 = arith.constant 32 : i32
        %parallel_loop3A_464 = arith.addi %parallel_loop3A_463, %parallel_loop3A_254 : i32
        %parallel_loop3A_465 = arith.index_cast %parallel_loop3A_464 : i32 to index
        %parallel_loop3A_466 = arith.constant 256 : index
        %parallel_loop3A_467 = tpu.vector_load %arg8[%parallel_loop3A_465, %parallel_loop3A_466] {strides = array<i32>} : memref<64x768xf32, #tpu.memory_space<vmem>>, vector<1x16xf32>,
        %parallel_loop3A_468 = vector.shape_cast %parallel_loop3A_467 : vector<1x16xf32> to vector<16xf32>
        %parallel_loop3A_469 = arith.constant 1 : i32
        %parallel_loop3A_470 = arith.index_cast %parallel_loop3A_469 : i32 to index
        %parallel_loop3A_471 = arith.index_cast %parallel_loop3A_254 : i32 to index
        %parallel_loop3A_472 = arith.constant 256 : index
        %parallel_loop3A_473 = tpu.vector_load %arg7[%parallel_loop3A_470, %parallel_loop3A_471, %parallel_loop3A_472] {strides = array<i32>} : memref<2x32x768xf32, #tpu.memory_space<vmem>>, vector<1x1x16xf32>,
        %parallel_loop3A_474 = vector.shape_cast %parallel_loop3A_473 : vector<1x1x16xf32> to vector<16xf32>
        %parallel_loop3A_475 = vector.shape_cast %parallel_loop3A_468 : vector<16xf32> to vector<1x1x16xf32>
        tpu.vector_store %arg7[%parallel_loop3A_470, %parallel_loop3A_471, %parallel_loop3A_472], %parallel_loop3A_475 {add = true, strides = array<i32>} : memref<2x32x768xf32, #tpu.memory_space<vmem>>, vector<1x1x16xf32>,
        %parallel_loop3A_476 = arith.constant 32 : i32
        %parallel_loop3A_477 = arith.addi %parallel_loop3A_476, %parallel_loop3A_254 : i32
        %parallel_loop3A_478 = arith.index_cast %parallel_loop3A_477 : i32 to index
        %parallel_loop3A_479 = arith.constant 272 : index
        %parallel_loop3A_480 = tpu.vector_load %arg8[%parallel_loop3A_478, %parallel_loop3A_479] {strides = array<i32>} : memref<64x768xf32, #tpu.memory_space<vmem>>, vector<1x16xf32>,
        %parallel_loop3A_481 = vector.shape_cast %parallel_loop3A_480 : vector<1x16xf32> to vector<16xf32>
        %parallel_loop3A_482 = arith.constant 1 : i32
        %parallel_loop3A_483 = arith.index_cast %parallel_loop3A_482 : i32 to index
        %parallel_loop3A_484 = arith.index_cast %parallel_loop3A_254 : i32 to index
        %parallel_loop3A_485 = arith.constant 272 : index
        %parallel_loop3A_486 = tpu.vector_load %arg7[%parallel_loop3A_483, %parallel_loop3A_484, %parallel_loop3A_485] {strides = array<i32>} : memref<2x32x768xf32, #tpu.memory_space<vmem>>, vector<1x1x16xf32>,
        %parallel_loop3A_487 = vector.shape_cast %parallel_loop3A_486 : vector<1x1x16xf32> to vector<16xf32>
        %parallel_loop3A_488 = vector.shape_cast %parallel_loop3A_481 : vector<16xf32> to vector<1x1x16xf32>
        tpu.vector_store %arg7[%parallel_loop3A_483, %parallel_loop3A_484, %parallel_loop3A_485], %parallel_loop3A_488 {add = true, strides = array<i32>} : memref<2x32x768xf32, #tpu.memory_space<vmem>>, vector<1x1x16xf32>,
        %parallel_loop3A_489 = arith.constant 32 : i32
        %parallel_loop3A_490 = arith.addi %parallel_loop3A_489, %parallel_loop3A_254 : i32
        %parallel_loop3A_491 = arith.index_cast %parallel_loop3A_490 : i32 to index
        %parallel_loop3A_492 = arith.constant 288 : index
        %parallel_loop3A_493 = tpu.vector_load %arg8[%parallel_loop3A_491, %parallel_loop3A_492] {strides = array<i32>} : memref<64x768xf32, #tpu.memory_space<vmem>>, vector<1x16xf32>,
        %parallel_loop3A_494 = vector.shape_cast %parallel_loop3A_493 : vector<1x16xf32> to vector<16xf32>
        %parallel_loop3A_495 = arith.constant 1 : i32
        %parallel_loop3A_496 = arith.index_cast %parallel_loop3A_495 : i32 to index
        %parallel_loop3A_497 = arith.index_cast %parallel_loop3A_254 : i32 to index
        %parallel_loop3A_498 = arith.constant 288 : index
        %parallel_loop3A_499 = tpu.vector_load %arg7[%parallel_loop3A_496, %parallel_loop3A_497, %parallel_loop3A_498] {strides = array<i32>} : memref<2x32x768xf32, #tpu.memory_space<vmem>>, vector<1x1x16xf32>,
        %parallel_loop3A_500 = vector.shape_cast %parallel_loop3A_499 : vector<1x1x16xf32> to vector<16xf32>
        %parallel_loop3A_501 = vector.shape_cast %parallel_loop3A_494 : vector<16xf32> to vector<1x1x16xf32>
        tpu.vector_store %arg7[%parallel_loop3A_496, %parallel_loop3A_497, %parallel_loop3A_498], %parallel_loop3A_501 {add = true, strides = array<i32>} : memref<2x32x768xf32, #tpu.memory_space<vmem>>, vector<1x1x16xf32>,
        %parallel_loop3A_502 = arith.constant 32 : i32
        %parallel_loop3A_503 = arith.addi %parallel_loop3A_502, %parallel_loop3A_254 : i32
        %parallel_loop3A_504 = arith.index_cast %parallel_loop3A_503 : i32 to index
        %parallel_loop3A_505 = arith.constant 304 : index
        %parallel_loop3A_506 = tpu.vector_load %arg8[%parallel_loop3A_504, %parallel_loop3A_505] {strides = array<i32>} : memref<64x768xf32, #tpu.memory_space<vmem>>, vector<1x16xf32>,
        %parallel_loop3A_507 = vector.shape_cast %parallel_loop3A_506 : vector<1x16xf32> to vector<16xf32>
        %parallel_loop3A_508 = arith.constant 1 : i32
        %parallel_loop3A_509 = arith.index_cast %parallel_loop3A_508 : i32 to index
        %parallel_loop3A_510 = arith.index_cast %parallel_loop3A_254 : i32 to index
        %parallel_loop3A_511 = arith.constant 304 : index
        %parallel_loop3A_512 = tpu.vector_load %arg7[%parallel_loop3A_509, %parallel_loop3A_510, %parallel_loop3A_511] {strides = array<i32>} : memref<2x32x768xf32, #tpu.memory_space<vmem>>, vector<1x1x16xf32>,
        %parallel_loop3A_513 = vector.shape_cast %parallel_loop3A_512 : vector<1x1x16xf32> to vector<16xf32>
        %parallel_loop3A_514 = vector.shape_cast %parallel_loop3A_507 : vector<16xf32> to vector<1x1x16xf32>
        tpu.vector_store %arg7[%parallel_loop3A_509, %parallel_loop3A_510, %parallel_loop3A_511], %parallel_loop3A_514 {add = true, strides = array<i32>} : memref<2x32x768xf32, #tpu.memory_space<vmem>>, vector<1x1x16xf32>,
        %parallel_loop3A_515 = arith.constant 32 : i32
        %parallel_loop3A_516 = arith.addi %parallel_loop3A_515, %parallel_loop3A_254 : i32
        %parallel_loop3A_517 = arith.index_cast %parallel_loop3A_516 : i32 to index
        %parallel_loop3A_518 = arith.constant 320 : index
        %parallel_loop3A_519 = tpu.vector_load %arg8[%parallel_loop3A_517, %parallel_loop3A_518] {strides = array<i32>} : memref<64x768xf32, #tpu.memory_space<vmem>>, vector<1x16xf32>,
        %parallel_loop3A_520 = vector.shape_cast %parallel_loop3A_519 : vector<1x16xf32> to vector<16xf32>
        %parallel_loop3A_521 = arith.constant 1 : i32
        %parallel_loop3A_522 = arith.index_cast %parallel_loop3A_521 : i32 to index
        %parallel_loop3A_523 = arith.index_cast %parallel_loop3A_254 : i32 to index
        %parallel_loop3A_524 = arith.constant 320 : index
        %parallel_loop3A_525 = tpu.vector_load %arg7[%parallel_loop3A_522, %parallel_loop3A_523, %parallel_loop3A_524] {strides = array<i32>} : memref<2x32x768xf32, #tpu.memory_space<vmem>>, vector<1x1x16xf32>,
        %parallel_loop3A_526 = vector.shape_cast %parallel_loop3A_525 : vector<1x1x16xf32> to vector<16xf32>
        %parallel_loop3A_527 = vector.shape_cast %parallel_loop3A_520 : vector<16xf32> to vector<1x1x16xf32>
        tpu.vector_store %arg7[%parallel_loop3A_522, %parallel_loop3A_523, %parallel_loop3A_524], %parallel_loop3A_527 {add = true, strides = array<i32>} : memref<2x32x768xf32, #tpu.memory_space<vmem>>, vector<1x1x16xf32>,
        %parallel_loop3A_528 = arith.constant 32 : i32
        %parallel_loop3A_529 = arith.addi %parallel_loop3A_528, %parallel_loop3A_254 : i32
        %parallel_loop3A_530 = arith.index_cast %parallel_loop3A_529 : i32 to index
        %parallel_loop3A_531 = arith.constant 336 : index
        %parallel_loop3A_532 = tpu.vector_load %arg8[%parallel_loop3A_530, %parallel_loop3A_531] {strides = array<i32>} : memref<64x768xf32, #tpu.memory_space<vmem>>, vector<1x16xf32>,
        %parallel_loop3A_533 = vector.shape_cast %parallel_loop3A_532 : vector<1x16xf32> to vector<16xf32>
        %parallel_loop3A_534 = arith.constant 1 : i32
        %parallel_loop3A_535 = arith.index_cast %parallel_loop3A_534 : i32 to index
        %parallel_loop3A_536 = arith.index_cast %parallel_loop3A_254 : i32 to index
        %parallel_loop3A_537 = arith.constant 336 : index
        %parallel_loop3A_538 = tpu.vector_load %arg7[%parallel_loop3A_535, %parallel_loop3A_536, %parallel_loop3A_537] {strides = array<i32>} : memref<2x32x768xf32, #tpu.memory_space<vmem>>, vector<1x1x16xf32>,
        %parallel_loop3A_539 = vector.shape_cast %parallel_loop3A_538 : vector<1x1x16xf32> to vector<16xf32>
        %parallel_loop3A_540 = vector.shape_cast %parallel_loop3A_533 : vector<16xf32> to vector<1x1x16xf32>
        tpu.vector_store %arg7[%parallel_loop3A_535, %parallel_loop3A_536, %parallel_loop3A_537], %parallel_loop3A_540 {add = true, strides = array<i32>} : memref<2x32x768xf32, #tpu.memory_space<vmem>>, vector<1x1x16xf32>,
        %parallel_loop3A_541 = arith.constant 32 : i32
        %parallel_loop3A_542 = arith.addi %parallel_loop3A_541, %parallel_loop3A_254 : i32
        %parallel_loop3A_543 = arith.index_cast %parallel_loop3A_542 : i32 to index
        %parallel_loop3A_544 = arith.constant 352 : index
        %parallel_loop3A_545 = tpu.vector_load %arg8[%parallel_loop3A_543, %parallel_loop3A_544] {strides = array<i32>} : memref<64x768xf32, #tpu.memory_space<vmem>>, vector<1x16xf32>,
        %parallel_loop3A_546 = vector.shape_cast %parallel_loop3A_545 : vector<1x16xf32> to vector<16xf32>
        %parallel_loop3A_547 = arith.constant 1 : i32
        %parallel_loop3A_548 = arith.index_cast %parallel_loop3A_547 : i32 to index
        %parallel_loop3A_549 = arith.index_cast %parallel_loop3A_254 : i32 to index
        %parallel_loop3A_550 = arith.constant 352 : index
        %parallel_loop3A_551 = tpu.vector_load %arg7[%parallel_loop3A_548, %parallel_loop3A_549, %parallel_loop3A_550] {strides = array<i32>} : memref<2x32x768xf32, #tpu.memory_space<vmem>>, vector<1x1x16xf32>,
        %parallel_loop3A_552 = vector.shape_cast %parallel_loop3A_551 : vector<1x1x16xf32> to vector<16xf32>
        %parallel_loop3A_553 = vector.shape_cast %parallel_loop3A_546 : vector<16xf32> to vector<1x1x16xf32>
        tpu.vector_store %arg7[%parallel_loop3A_548, %parallel_loop3A_549, %parallel_loop3A_550], %parallel_loop3A_553 {add = true, strides = array<i32>} : memref<2x32x768xf32, #tpu.memory_space<vmem>>, vector<1x1x16xf32>,
        %parallel_loop3A_554 = arith.constant 32 : i32
        %parallel_loop3A_555 = arith.addi %parallel_loop3A_554, %parallel_loop3A_254 : i32
        %parallel_loop3A_556 = arith.index_cast %parallel_loop3A_555 : i32 to index
        %parallel_loop3A_557 = arith.constant 368 : index
        %parallel_loop3A_558 = tpu.vector_load %arg8[%parallel_loop3A_556, %parallel_loop3A_557] {strides = array<i32>} : memref<64x768xf32, #tpu.memory_space<vmem>>, vector<1x16xf32>,
        %parallel_loop3A_559 = vector.shape_cast %parallel_loop3A_558 : vector<1x16xf32> to vector<16xf32>
        %parallel_loop3A_560 = arith.constant 1 : i32
        %parallel_loop3A_561 = arith.index_cast %parallel_loop3A_560 : i32 to index
        %parallel_loop3A_562 = arith.index_cast %parallel_loop3A_254 : i32 to index
        %parallel_loop3A_563 = arith.constant 368 : index
        %parallel_loop3A_564 = tpu.vector_load %arg7[%parallel_loop3A_561, %parallel_loop3A_562, %parallel_loop3A_563] {strides = array<i32>} : memref<2x32x768xf32, #tpu.memory_space<vmem>>, vector<1x1x16xf32>,
        %parallel_loop3A_565 = vector.shape_cast %parallel_loop3A_564 : vector<1x1x16xf32> to vector<16xf32>
        %parallel_loop3A_566 = vector.shape_cast %parallel_loop3A_559 : vector<16xf32> to vector<1x1x16xf32>
        tpu.vector_store %arg7[%parallel_loop3A_561, %parallel_loop3A_562, %parallel_loop3A_563], %parallel_loop3A_566 {add = true, strides = array<i32>} : memref<2x32x768xf32, #tpu.memory_space<vmem>>, vector<1x1x16xf32>,
        %parallel_loop3A_567 = arith.constant 32 : i32
        %parallel_loop3A_568 = arith.addi %parallel_loop3A_567, %parallel_loop3A_254 : i32
        %parallel_loop3A_569 = arith.index_cast %parallel_loop3A_568 : i32 to index
        %parallel_loop3A_570 = arith.constant 384 : index
        %parallel_loop3A_571 = tpu.vector_load %arg8[%parallel_loop3A_569, %parallel_loop3A_570] {strides = array<i32>} : memref<64x768xf32, #tpu.memory_space<vmem>>, vector<1x16xf32>,
        %parallel_loop3A_572 = vector.shape_cast %parallel_loop3A_571 : vector<1x16xf32> to vector<16xf32>
        %parallel_loop3A_573 = arith.constant 1 : i32
        %parallel_loop3A_574 = arith.index_cast %parallel_loop3A_573 : i32 to index
        %parallel_loop3A_575 = arith.index_cast %parallel_loop3A_254 : i32 to index
        %parallel_loop3A_576 = arith.constant 384 : index
        %parallel_loop3A_577 = tpu.vector_load %arg7[%parallel_loop3A_574, %parallel_loop3A_575, %parallel_loop3A_576] {strides = array<i32>} : memref<2x32x768xf32, #tpu.memory_space<vmem>>, vector<1x1x16xf32>,
        %parallel_loop3A_578 = vector.shape_cast %parallel_loop3A_577 : vector<1x1x16xf32> to vector<16xf32>
        %parallel_loop3A_579 = vector.shape_cast %parallel_loop3A_572 : vector<16xf32> to vector<1x1x16xf32>
        tpu.vector_store %arg7[%parallel_loop3A_574, %parallel_loop3A_575, %parallel_loop3A_576], %parallel_loop3A_579 {add = true, strides = array<i32>} : memref<2x32x768xf32, #tpu.memory_space<vmem>>, vector<1x1x16xf32>,
        %parallel_loop3A_580 = arith.constant 32 : i32
        %parallel_loop3A_581 = arith.addi %parallel_loop3A_580, %parallel_loop3A_254 : i32
        %parallel_loop3A_582 = arith.index_cast %parallel_loop3A_581 : i32 to index
        %parallel_loop3A_583 = arith.constant 400 : index
        %parallel_loop3A_584 = tpu.vector_load %arg8[%parallel_loop3A_582, %parallel_loop3A_583] {strides = array<i32>} : memref<64x768xf32, #tpu.memory_space<vmem>>, vector<1x16xf32>,
        %parallel_loop3A_585 = vector.shape_cast %parallel_loop3A_584 : vector<1x16xf32> to vector<16xf32>
        %parallel_loop3A_586 = arith.constant 1 : i32
        %parallel_loop3A_587 = arith.index_cast %parallel_loop3A_586 : i32 to index
        %parallel_loop3A_588 = arith.index_cast %parallel_loop3A_254 : i32 to index
        %parallel_loop3A_589 = arith.constant 400 : index
        %parallel_loop3A_590 = tpu.vector_load %arg7[%parallel_loop3A_587, %parallel_loop3A_588, %parallel_loop3A_589] {strides = array<i32>} : memref<2x32x768xf32, #tpu.memory_space<vmem>>, vector<1x1x16xf32>,
        %parallel_loop3A_591 = vector.shape_cast %parallel_loop3A_590 : vector<1x1x16xf32> to vector<16xf32>
        %parallel_loop3A_592 = vector.shape_cast %parallel_loop3A_585 : vector<16xf32> to vector<1x1x16xf32>
        tpu.vector_store %arg7[%parallel_loop3A_587, %parallel_loop3A_588, %parallel_loop3A_589], %parallel_loop3A_592 {add = true, strides = array<i32>} : memref<2x32x768xf32, #tpu.memory_space<vmem>>, vector<1x1x16xf32>,
        %parallel_loop3A_593 = arith.constant 32 : i32
        %parallel_loop3A_594 = arith.addi %parallel_loop3A_593, %parallel_loop3A_254 : i32
        %parallel_loop3A_595 = arith.index_cast %parallel_loop3A_594 : i32 to index
        %parallel_loop3A_596 = arith.constant 416 : index
        %parallel_loop3A_597 = tpu.vector_load %arg8[%parallel_loop3A_595, %parallel_loop3A_596] {strides = array<i32>} : memref<64x768xf32, #tpu.memory_space<vmem>>, vector<1x16xf32>,
        %parallel_loop3A_598 = vector.shape_cast %parallel_loop3A_597 : vector<1x16xf32> to vector<16xf32>
        %parallel_loop3A_599 = arith.constant 1 : i32
        %parallel_loop3A_600 = arith.index_cast %parallel_loop3A_599 : i32 to index
        %parallel_loop3A_601 = arith.index_cast %parallel_loop3A_254 : i32 to index
        %parallel_loop3A_602 = arith.constant 416 : index
        %parallel_loop3A_603 = tpu.vector_load %arg7[%parallel_loop3A_600, %parallel_loop3A_601, %parallel_loop3A_602] {strides = array<i32>} : memref<2x32x768xf32, #tpu.memory_space<vmem>>, vector<1x1x16xf32>,
        %parallel_loop3A_604 = vector.shape_cast %parallel_loop3A_603 : vector<1x1x16xf32> to vector<16xf32>
        %parallel_loop3A_605 = vector.shape_cast %parallel_loop3A_598 : vector<16xf32> to vector<1x1x16xf32>
        tpu.vector_store %arg7[%parallel_loop3A_600, %parallel_loop3A_601, %parallel_loop3A_602], %parallel_loop3A_605 {add = true, strides = array<i32>} : memref<2x32x768xf32, #tpu.memory_space<vmem>>, vector<1x1x16xf32>,
        %parallel_loop3A_606 = arith.constant 32 : i32
        %parallel_loop3A_607 = arith.addi %parallel_loop3A_606, %parallel_loop3A_254 : i32
        %parallel_loop3A_608 = arith.index_cast %parallel_loop3A_607 : i32 to index
        %parallel_loop3A_609 = arith.constant 432 : index
        %parallel_loop3A_610 = tpu.vector_load %arg8[%parallel_loop3A_608, %parallel_loop3A_609] {strides = array<i32>} : memref<64x768xf32, #tpu.memory_space<vmem>>, vector<1x16xf32>,
        %parallel_loop3A_611 = vector.shape_cast %parallel_loop3A_610 : vector<1x16xf32> to vector<16xf32>
        %parallel_loop3A_612 = arith.constant 1 : i32
        %parallel_loop3A_613 = arith.index_cast %parallel_loop3A_612 : i32 to index
        %parallel_loop3A_614 = arith.index_cast %parallel_loop3A_254 : i32 to index
        %parallel_loop3A_615 = arith.constant 432 : index
        %parallel_loop3A_616 = tpu.vector_load %arg7[%parallel_loop3A_613, %parallel_loop3A_614, %parallel_loop3A_615] {strides = array<i32>} : memref<2x32x768xf32, #tpu.memory_space<vmem>>, vector<1x1x16xf32>,
        %parallel_loop3A_617 = vector.shape_cast %parallel_loop3A_616 : vector<1x1x16xf32> to vector<16xf32>
        %parallel_loop3A_618 = vector.shape_cast %parallel_loop3A_611 : vector<16xf32> to vector<1x1x16xf32>
        tpu.vector_store %arg7[%parallel_loop3A_613, %parallel_loop3A_614, %parallel_loop3A_615], %parallel_loop3A_618 {add = true, strides = array<i32>} : memref<2x32x768xf32, #tpu.memory_space<vmem>>, vector<1x1x16xf32>,
        %parallel_loop3A_619 = arith.constant 32 : i32
        %parallel_loop3A_620 = arith.addi %parallel_loop3A_619, %parallel_loop3A_254 : i32
        %parallel_loop3A_621 = arith.index_cast %parallel_loop3A_620 : i32 to index
        %parallel_loop3A_622 = arith.constant 448 : index
        %parallel_loop3A_623 = tpu.vector_load %arg8[%parallel_loop3A_621, %parallel_loop3A_622] {strides = array<i32>} : memref<64x768xf32, #tpu.memory_space<vmem>>, vector<1x16xf32>,
        %parallel_loop3A_624 = vector.shape_cast %parallel_loop3A_623 : vector<1x16xf32> to vector<16xf32>
        %parallel_loop3A_625 = arith.constant 1 : i32
        %parallel_loop3A_626 = arith.index_cast %parallel_loop3A_625 : i32 to index
        %parallel_loop3A_627 = arith.index_cast %parallel_loop3A_254 : i32 to index
        %parallel_loop3A_628 = arith.constant 448 : index
        %parallel_loop3A_629 = tpu.vector_load %arg7[%parallel_loop3A_626, %parallel_loop3A_627, %parallel_loop3A_628] {strides = array<i32>} : memref<2x32x768xf32, #tpu.memory_space<vmem>>, vector<1x1x16xf32>,
        %parallel_loop3A_630 = vector.shape_cast %parallel_loop3A_629 : vector<1x1x16xf32> to vector<16xf32>
        %parallel_loop3A_631 = vector.shape_cast %parallel_loop3A_624 : vector<16xf32> to vector<1x1x16xf32>
        tpu.vector_store %arg7[%parallel_loop3A_626, %parallel_loop3A_627, %parallel_loop3A_628], %parallel_loop3A_631 {add = true, strides = array<i32>} : memref<2x32x768xf32, #tpu.memory_space<vmem>>, vector<1x1x16xf32>,
        %parallel_loop3A_632 = arith.constant 32 : i32
        %parallel_loop3A_633 = arith.addi %parallel_loop3A_632, %parallel_loop3A_254 : i32
        %parallel_loop3A_634 = arith.index_cast %parallel_loop3A_633 : i32 to index
        %parallel_loop3A_635 = arith.constant 464 : index
        %parallel_loop3A_636 = tpu.vector_load %arg8[%parallel_loop3A_634, %parallel_loop3A_635] {strides = array<i32>} : memref<64x768xf32, #tpu.memory_space<vmem>>, vector<1x16xf32>,
        %parallel_loop3A_637 = vector.shape_cast %parallel_loop3A_636 : vector<1x16xf32> to vector<16xf32>
        %parallel_loop3A_638 = arith.constant 1 : i32
        %parallel_loop3A_639 = arith.index_cast %parallel_loop3A_638 : i32 to index
        %parallel_loop3A_640 = arith.index_cast %parallel_loop3A_254 : i32 to index
        %parallel_loop3A_641 = arith.constant 464 : index
        %parallel_loop3A_642 = tpu.vector_load %arg7[%parallel_loop3A_639, %parallel_loop3A_640, %parallel_loop3A_641] {strides = array<i32>} : memref<2x32x768xf32, #tpu.memory_space<vmem>>, vector<1x1x16xf32>,
        %parallel_loop3A_643 = vector.shape_cast %parallel_loop3A_642 : vector<1x1x16xf32> to vector<16xf32>
        %parallel_loop3A_644 = vector.shape_cast %parallel_loop3A_637 : vector<16xf32> to vector<1x1x16xf32>
        tpu.vector_store %arg7[%parallel_loop3A_639, %parallel_loop3A_640, %parallel_loop3A_641], %parallel_loop3A_644 {add = true, strides = array<i32>} : memref<2x32x768xf32, #tpu.memory_space<vmem>>, vector<1x1x16xf32>,
        %parallel_loop3A_645 = arith.constant 32 : i32
        %parallel_loop3A_646 = arith.addi %parallel_loop3A_645, %parallel_loop3A_254 : i32
        %parallel_loop3A_647 = arith.index_cast %parallel_loop3A_646 : i32 to index
        %parallel_loop3A_648 = arith.constant 480 : index
        %parallel_loop3A_649 = tpu.vector_load %arg8[%parallel_loop3A_647, %parallel_loop3A_648] {strides = array<i32>} : memref<64x768xf32, #tpu.memory_space<vmem>>, vector<1x16xf32>,
        %parallel_loop3A_650 = vector.shape_cast %parallel_loop3A_649 : vector<1x16xf32> to vector<16xf32>
        %parallel_loop3A_651 = arith.constant 1 : i32
        %parallel_loop3A_652 = arith.index_cast %parallel_loop3A_651 : i32 to index
        %parallel_loop3A_653 = arith.index_cast %parallel_loop3A_254 : i32 to index
        %parallel_loop3A_654 = arith.constant 480 : index
        %parallel_loop3A_655 = tpu.vector_load %arg7[%parallel_loop3A_652, %parallel_loop3A_653, %parallel_loop3A_654] {strides = array<i32>} : memref<2x32x768xf32, #tpu.memory_space<vmem>>, vector<1x1x16xf32>,
        %parallel_loop3A_656 = vector.shape_cast %parallel_loop3A_655 : vector<1x1x16xf32> to vector<16xf32>
        %parallel_loop3A_657 = vector.shape_cast %parallel_loop3A_650 : vector<16xf32> to vector<1x1x16xf32>
        tpu.vector_store %arg7[%parallel_loop3A_652, %parallel_loop3A_653, %parallel_loop3A_654], %parallel_loop3A_657 {add = true, strides = array<i32>} : memref<2x32x768xf32, #tpu.memory_space<vmem>>, vector<1x1x16xf32>,
        %parallel_loop3A_658 = arith.constant 32 : i32
        %parallel_loop3A_659 = arith.addi %parallel_loop3A_658, %parallel_loop3A_254 : i32
        %parallel_loop3A_660 = arith.index_cast %parallel_loop3A_659 : i32 to index
        %parallel_loop3A_661 = arith.constant 496 : index
        %parallel_loop3A_662 = tpu.vector_load %arg8[%parallel_loop3A_660, %parallel_loop3A_661] {strides = array<i32>} : memref<64x768xf32, #tpu.memory_space<vmem>>, vector<1x16xf32>,
        %parallel_loop3A_663 = vector.shape_cast %parallel_loop3A_662 : vector<1x16xf32> to vector<16xf32>
        %parallel_loop3A_664 = arith.constant 1 : i32
        %parallel_loop3A_665 = arith.index_cast %parallel_loop3A_664 : i32 to index
        %parallel_loop3A_666 = arith.index_cast %parallel_loop3A_254 : i32 to index
        %parallel_loop3A_667 = arith.constant 496 : index
        %parallel_loop3A_668 = tpu.vector_load %arg7[%parallel_loop3A_665, %parallel_loop3A_666, %parallel_loop3A_667] {strides = array<i32>} : memref<2x32x768xf32, #tpu.memory_space<vmem>>, vector<1x1x16xf32>,
        %parallel_loop3A_669 = vector.shape_cast %parallel_loop3A_668 : vector<1x1x16xf32> to vector<16xf32>
        %parallel_loop3A_670 = vector.shape_cast %parallel_loop3A_663 : vector<16xf32> to vector<1x1x16xf32>
        tpu.vector_store %arg7[%parallel_loop3A_665, %parallel_loop3A_666, %parallel_loop3A_667], %parallel_loop3A_670 {add = true, strides = array<i32>} : memref<2x32x768xf32, #tpu.memory_space<vmem>>, vector<1x1x16xf32>,
        %parallel_loop3A_671 = arith.constant 32 : i32
        %parallel_loop3A_672 = arith.addi %parallel_loop3A_671, %parallel_loop3A_254 : i32
        %parallel_loop3A_673 = arith.index_cast %parallel_loop3A_672 : i32 to index
        %parallel_loop3A_674 = arith.constant 512 : index
        %parallel_loop3A_675 = tpu.vector_load %arg8[%parallel_loop3A_673, %parallel_loop3A_674] {strides = array<i32>} : memref<64x768xf32, #tpu.memory_space<vmem>>, vector<1x16xf32>,
        %parallel_loop3A_676 = vector.shape_cast %parallel_loop3A_675 : vector<1x16xf32> to vector<16xf32>
        %parallel_loop3A_677 = arith.constant 1 : i32
        %parallel_loop3A_678 = arith.index_cast %parallel_loop3A_677 : i32 to index
        %parallel_loop3A_679 = arith.index_cast %parallel_loop3A_254 : i32 to index
        %parallel_loop3A_680 = arith.constant 512 : index
        %parallel_loop3A_681 = tpu.vector_load %arg7[%parallel_loop3A_678, %parallel_loop3A_679, %parallel_loop3A_680] {strides = array<i32>} : memref<2x32x768xf32, #tpu.memory_space<vmem>>, vector<1x1x16xf32>,
        %parallel_loop3A_682 = vector.shape_cast %parallel_loop3A_681 : vector<1x1x16xf32> to vector<16xf32>
        %parallel_loop3A_683 = vector.shape_cast %parallel_loop3A_676 : vector<16xf32> to vector<1x1x16xf32>
        tpu.vector_store %arg7[%parallel_loop3A_678, %parallel_loop3A_679, %parallel_loop3A_680], %parallel_loop3A_683 {add = true, strides = array<i32>} : memref<2x32x768xf32, #tpu.memory_space<vmem>>, vector<1x1x16xf32>,
        %parallel_loop3A_684 = arith.constant 32 : i32
        %parallel_loop3A_685 = arith.addi %parallel_loop3A_684, %parallel_loop3A_254 : i32
        %parallel_loop3A_686 = arith.index_cast %parallel_loop3A_685 : i32 to index
        %parallel_loop3A_687 = arith.constant 528 : index
        %parallel_loop3A_688 = tpu.vector_load %arg8[%parallel_loop3A_686, %parallel_loop3A_687] {strides = array<i32>} : memref<64x768xf32, #tpu.memory_space<vmem>>, vector<1x16xf32>,
        %parallel_loop3A_689 = vector.shape_cast %parallel_loop3A_688 : vector<1x16xf32> to vector<16xf32>
        %parallel_loop3A_690 = arith.constant 1 : i32
        %parallel_loop3A_691 = arith.index_cast %parallel_loop3A_690 : i32 to index
        %parallel_loop3A_692 = arith.index_cast %parallel_loop3A_254 : i32 to index
        %parallel_loop3A_693 = arith.constant 528 : index
        %parallel_loop3A_694 = tpu.vector_load %arg7[%parallel_loop3A_691, %parallel_loop3A_692, %parallel_loop3A_693] {strides = array<i32>} : memref<2x32x768xf32, #tpu.memory_space<vmem>>, vector<1x1x16xf32>,
        %parallel_loop3A_695 = vector.shape_cast %parallel_loop3A_694 : vector<1x1x16xf32> to vector<16xf32>
        %parallel_loop3A_696 = vector.shape_cast %parallel_loop3A_689 : vector<16xf32> to vector<1x1x16xf32>
        tpu.vector_store %arg7[%parallel_loop3A_691, %parallel_loop3A_692, %parallel_loop3A_693], %parallel_loop3A_696 {add = true, strides = array<i32>} : memref<2x32x768xf32, #tpu.memory_space<vmem>>, vector<1x1x16xf32>,
        %parallel_loop3A_697 = arith.constant 32 : i32
        %parallel_loop3A_698 = arith.addi %parallel_loop3A_697, %parallel_loop3A_254 : i32
        %parallel_loop3A_699 = arith.index_cast %parallel_loop3A_698 : i32 to index
        %parallel_loop3A_700 = arith.constant 544 : index
        %parallel_loop3A_701 = tpu.vector_load %arg8[%parallel_loop3A_699, %parallel_loop3A_700] {strides = array<i32>} : memref<64x768xf32, #tpu.memory_space<vmem>>, vector<1x16xf32>,
        %parallel_loop3A_702 = vector.shape_cast %parallel_loop3A_701 : vector<1x16xf32> to vector<16xf32>
        %parallel_loop3A_703 = arith.constant 1 : i32
        %parallel_loop3A_704 = arith.index_cast %parallel_loop3A_703 : i32 to index
        %parallel_loop3A_705 = arith.index_cast %parallel_loop3A_254 : i32 to index
        %parallel_loop3A_706 = arith.constant 544 : index
        %parallel_loop3A_707 = tpu.vector_load %arg7[%parallel_loop3A_704, %parallel_loop3A_705, %parallel_loop3A_706] {strides = array<i32>} : memref<2x32x768xf32, #tpu.memory_space<vmem>>, vector<1x1x16xf32>,
        %parallel_loop3A_708 = vector.shape_cast %parallel_loop3A_707 : vector<1x1x16xf32> to vector<16xf32>
        %parallel_loop3A_709 = vector.shape_cast %parallel_loop3A_702 : vector<16xf32> to vector<1x1x16xf32>
        tpu.vector_store %arg7[%parallel_loop3A_704, %parallel_loop3A_705, %parallel_loop3A_706], %parallel_loop3A_709 {add = true, strides = array<i32>} : memref<2x32x768xf32, #tpu.memory_space<vmem>>, vector<1x1x16xf32>,
        %parallel_loop3A_710 = arith.constant 32 : i32
        %parallel_loop3A_711 = arith.addi %parallel_loop3A_710, %parallel_loop3A_254 : i32
        %parallel_loop3A_712 = arith.index_cast %parallel_loop3A_711 : i32 to index
        %parallel_loop3A_713 = arith.constant 560 : index
        %parallel_loop3A_714 = tpu.vector_load %arg8[%parallel_loop3A_712, %parallel_loop3A_713] {strides = array<i32>} : memref<64x768xf32, #tpu.memory_space<vmem>>, vector<1x16xf32>,
        %parallel_loop3A_715 = vector.shape_cast %parallel_loop3A_714 : vector<1x16xf32> to vector<16xf32>
        %parallel_loop3A_716 = arith.constant 1 : i32
        %parallel_loop3A_717 = arith.index_cast %parallel_loop3A_716 : i32 to index
        %parallel_loop3A_718 = arith.index_cast %parallel_loop3A_254 : i32 to index
        %parallel_loop3A_719 = arith.constant 560 : index
        %parallel_loop3A_720 = tpu.vector_load %arg7[%parallel_loop3A_717, %parallel_loop3A_718, %parallel_loop3A_719] {strides = array<i32>} : memref<2x32x768xf32, #tpu.memory_space<vmem>>, vector<1x1x16xf32>,
        %parallel_loop3A_721 = vector.shape_cast %parallel_loop3A_720 : vector<1x1x16xf32> to vector<16xf32>
        %parallel_loop3A_722 = vector.shape_cast %parallel_loop3A_715 : vector<16xf32> to vector<1x1x16xf32>
        tpu.vector_store %arg7[%parallel_loop3A_717, %parallel_loop3A_718, %parallel_loop3A_719], %parallel_loop3A_722 {add = true, strides = array<i32>} : memref<2x32x768xf32, #tpu.memory_space<vmem>>, vector<1x1x16xf32>,
        %parallel_loop3A_723 = arith.constant 32 : i32
        %parallel_loop3A_724 = arith.addi %parallel_loop3A_723, %parallel_loop3A_254 : i32
        %parallel_loop3A_725 = arith.index_cast %parallel_loop3A_724 : i32 to index
        %parallel_loop3A_726 = arith.constant 576 : index
        %parallel_loop3A_727 = tpu.vector_load %arg8[%parallel_loop3A_725, %parallel_loop3A_726] {strides = array<i32>} : memref<64x768xf32, #tpu.memory_space<vmem>>, vector<1x16xf32>,
        %parallel_loop3A_728 = vector.shape_cast %parallel_loop3A_727 : vector<1x16xf32> to vector<16xf32>
        %parallel_loop3A_729 = arith.constant 1 : i32
        %parallel_loop3A_730 = arith.index_cast %parallel_loop3A_729 : i32 to index
        %parallel_loop3A_731 = arith.index_cast %parallel_loop3A_254 : i32 to index
        %parallel_loop3A_732 = arith.constant 576 : index
        %parallel_loop3A_733 = tpu.vector_load %arg7[%parallel_loop3A_730, %parallel_loop3A_731, %parallel_loop3A_732] {strides = array<i32>} : memref<2x32x768xf32, #tpu.memory_space<vmem>>, vector<1x1x16xf32>,
        %parallel_loop3A_734 = vector.shape_cast %parallel_loop3A_733 : vector<1x1x16xf32> to vector<16xf32>
        %parallel_loop3A_735 = vector.shape_cast %parallel_loop3A_728 : vector<16xf32> to vector<1x1x16xf32>
        tpu.vector_store %arg7[%parallel_loop3A_730, %parallel_loop3A_731, %parallel_loop3A_732], %parallel_loop3A_735 {add = true, strides = array<i32>} : memref<2x32x768xf32, #tpu.memory_space<vmem>>, vector<1x1x16xf32>,
        %parallel_loop3A_736 = arith.constant 32 : i32
        %parallel_loop3A_737 = arith.addi %parallel_loop3A_736, %parallel_loop3A_254 : i32
        %parallel_loop3A_738 = arith.index_cast %parallel_loop3A_737 : i32 to index
        %parallel_loop3A_739 = arith.constant 592 : index
        %parallel_loop3A_740 = tpu.vector_load %arg8[%parallel_loop3A_738, %parallel_loop3A_739] {strides = array<i32>} : memref<64x768xf32, #tpu.memory_space<vmem>>, vector<1x16xf32>,
        %parallel_loop3A_741 = vector.shape_cast %parallel_loop3A_740 : vector<1x16xf32> to vector<16xf32>
        %parallel_loop3A_742 = arith.constant 1 : i32
        %parallel_loop3A_743 = arith.index_cast %parallel_loop3A_742 : i32 to index
        %parallel_loop3A_744 = arith.index_cast %parallel_loop3A_254 : i32 to index
        %parallel_loop3A_745 = arith.constant 592 : index
        %parallel_loop3A_746 = tpu.vector_load %arg7[%parallel_loop3A_743, %parallel_loop3A_744, %parallel_loop3A_745] {strides = array<i32>} : memref<2x32x768xf32, #tpu.memory_space<vmem>>, vector<1x1x16xf32>,
        %parallel_loop3A_747 = vector.shape_cast %parallel_loop3A_746 : vector<1x1x16xf32> to vector<16xf32>
        %parallel_loop3A_748 = vector.shape_cast %parallel_loop3A_741 : vector<16xf32> to vector<1x1x16xf32>
        tpu.vector_store %arg7[%parallel_loop3A_743, %parallel_loop3A_744, %parallel_loop3A_745], %parallel_loop3A_748 {add = true, strides = array<i32>} : memref<2x32x768xf32, #tpu.memory_space<vmem>>, vector<1x1x16xf32>,
        %parallel_loop3A_749 = arith.constant 32 : i32
        %parallel_loop3A_750 = arith.addi %parallel_loop3A_749, %parallel_loop3A_254 : i32
        %parallel_loop3A_751 = arith.index_cast %parallel_loop3A_750 : i32 to index
        %parallel_loop3A_752 = arith.constant 608 : index
        %parallel_loop3A_753 = tpu.vector_load %arg8[%parallel_loop3A_751, %parallel_loop3A_752] {strides = array<i32>} : memref<64x768xf32, #tpu.memory_space<vmem>>, vector<1x16xf32>,
        %parallel_loop3A_754 = vector.shape_cast %parallel_loop3A_753 : vector<1x16xf32> to vector<16xf32>
        %parallel_loop3A_755 = arith.constant 1 : i32
        %parallel_loop3A_756 = arith.index_cast %parallel_loop3A_755 : i32 to index
        %parallel_loop3A_757 = arith.index_cast %parallel_loop3A_254 : i32 to index
        %parallel_loop3A_758 = arith.constant 608 : index
        %parallel_loop3A_759 = tpu.vector_load %arg7[%parallel_loop3A_756, %parallel_loop3A_757, %parallel_loop3A_758] {strides = array<i32>} : memref<2x32x768xf32, #tpu.memory_space<vmem>>, vector<1x1x16xf32>,
        %parallel_loop3A_760 = vector.shape_cast %parallel_loop3A_759 : vector<1x1x16xf32> to vector<16xf32>
        %parallel_loop3A_761 = vector.shape_cast %parallel_loop3A_754 : vector<16xf32> to vector<1x1x16xf32>
        tpu.vector_store %arg7[%parallel_loop3A_756, %parallel_loop3A_757, %parallel_loop3A_758], %parallel_loop3A_761 {add = true, strides = array<i32>} : memref<2x32x768xf32, #tpu.memory_space<vmem>>, vector<1x1x16xf32>,
        %parallel_loop3A_762 = arith.constant 32 : i32
        %parallel_loop3A_763 = arith.addi %parallel_loop3A_762, %parallel_loop3A_254 : i32
        %parallel_loop3A_764 = arith.index_cast %parallel_loop3A_763 : i32 to index
        %parallel_loop3A_765 = arith.constant 624 : index
        %parallel_loop3A_766 = tpu.vector_load %arg8[%parallel_loop3A_764, %parallel_loop3A_765] {strides = array<i32>} : memref<64x768xf32, #tpu.memory_space<vmem>>, vector<1x16xf32>,
        %parallel_loop3A_767 = vector.shape_cast %parallel_loop3A_766 : vector<1x16xf32> to vector<16xf32>
        %parallel_loop3A_768 = arith.constant 1 : i32
        %parallel_loop3A_769 = arith.index_cast %parallel_loop3A_768 : i32 to index
        %parallel_loop3A_770 = arith.index_cast %parallel_loop3A_254 : i32 to index
        %parallel_loop3A_771 = arith.constant 624 : index
        %parallel_loop3A_772 = tpu.vector_load %arg7[%parallel_loop3A_769, %parallel_loop3A_770, %parallel_loop3A_771] {strides = array<i32>} : memref<2x32x768xf32, #tpu.memory_space<vmem>>, vector<1x1x16xf32>,
        %parallel_loop3A_773 = vector.shape_cast %parallel_loop3A_772 : vector<1x1x16xf32> to vector<16xf32>
        %parallel_loop3A_774 = vector.shape_cast %parallel_loop3A_767 : vector<16xf32> to vector<1x1x16xf32>
        tpu.vector_store %arg7[%parallel_loop3A_769, %parallel_loop3A_770, %parallel_loop3A_771], %parallel_loop3A_774 {add = true, strides = array<i32>} : memref<2x32x768xf32, #tpu.memory_space<vmem>>, vector<1x1x16xf32>,
        %parallel_loop3A_775 = arith.constant 32 : i32
        %parallel_loop3A_776 = arith.addi %parallel_loop3A_775, %parallel_loop3A_254 : i32
        %parallel_loop3A_777 = arith.index_cast %parallel_loop3A_776 : i32 to index
        %parallel_loop3A_778 = arith.constant 640 : index
        %parallel_loop3A_779 = tpu.vector_load %arg8[%parallel_loop3A_777, %parallel_loop3A_778] {strides = array<i32>} : memref<64x768xf32, #tpu.memory_space<vmem>>, vector<1x16xf32>,
        %parallel_loop3A_780 = vector.shape_cast %parallel_loop3A_779 : vector<1x16xf32> to vector<16xf32>
        %parallel_loop3A_781 = arith.constant 1 : i32
        %parallel_loop3A_782 = arith.index_cast %parallel_loop3A_781 : i32 to index
        %parallel_loop3A_783 = arith.index_cast %parallel_loop3A_254 : i32 to index
        %parallel_loop3A_784 = arith.constant 640 : index
        %parallel_loop3A_785 = tpu.vector_load %arg7[%parallel_loop3A_782, %parallel_loop3A_783, %parallel_loop3A_784] {strides = array<i32>} : memref<2x32x768xf32, #tpu.memory_space<vmem>>, vector<1x1x16xf32>,
        %parallel_loop3A_786 = vector.shape_cast %parallel_loop3A_785 : vector<1x1x16xf32> to vector<16xf32>
        %parallel_loop3A_787 = vector.shape_cast %parallel_loop3A_780 : vector<16xf32> to vector<1x1x16xf32>
        tpu.vector_store %arg7[%parallel_loop3A_782, %parallel_loop3A_783, %parallel_loop3A_784], %parallel_loop3A_787 {add = true, strides = array<i32>} : memref<2x32x768xf32, #tpu.memory_space<vmem>>, vector<1x1x16xf32>,
        %parallel_loop3A_788 = arith.constant 32 : i32
        %parallel_loop3A_789 = arith.addi %parallel_loop3A_788, %parallel_loop3A_254 : i32
        %parallel_loop3A_790 = arith.index_cast %parallel_loop3A_789 : i32 to index
        %parallel_loop3A_791 = arith.constant 656 : index
        %parallel_loop3A_792 = tpu.vector_load %arg8[%parallel_loop3A_790, %parallel_loop3A_791] {strides = array<i32>} : memref<64x768xf32, #tpu.memory_space<vmem>>, vector<1x16xf32>,
        %parallel_loop3A_793 = vector.shape_cast %parallel_loop3A_792 : vector<1x16xf32> to vector<16xf32>
        %parallel_loop3A_794 = arith.constant 1 : i32
        %parallel_loop3A_795 = arith.index_cast %parallel_loop3A_794 : i32 to index
        %parallel_loop3A_796 = arith.index_cast %parallel_loop3A_254 : i32 to index
        %parallel_loop3A_797 = arith.constant 656 : index
        %parallel_loop3A_798 = tpu.vector_load %arg7[%parallel_loop3A_795, %parallel_loop3A_796, %parallel_loop3A_797] {strides = array<i32>} : memref<2x32x768xf32, #tpu.memory_space<vmem>>, vector<1x1x16xf32>,
        %parallel_loop3A_799 = vector.shape_cast %parallel_loop3A_798 : vector<1x1x16xf32> to vector<16xf32>
        %parallel_loop3A_800 = vector.shape_cast %parallel_loop3A_793 : vector<16xf32> to vector<1x1x16xf32>
        tpu.vector_store %arg7[%parallel_loop3A_795, %parallel_loop3A_796, %parallel_loop3A_797], %parallel_loop3A_800 {add = true, strides = array<i32>} : memref<2x32x768xf32, #tpu.memory_space<vmem>>, vector<1x1x16xf32>,
        %parallel_loop3A_801 = arith.constant 32 : i32
        %parallel_loop3A_802 = arith.addi %parallel_loop3A_801, %parallel_loop3A_254 : i32
        %parallel_loop3A_803 = arith.index_cast %parallel_loop3A_802 : i32 to index
        %parallel_loop3A_804 = arith.constant 672 : index
        %parallel_loop3A_805 = tpu.vector_load %arg8[%parallel_loop3A_803, %parallel_loop3A_804] {strides = array<i32>} : memref<64x768xf32, #tpu.memory_space<vmem>>, vector<1x16xf32>,
        %parallel_loop3A_806 = vector.shape_cast %parallel_loop3A_805 : vector<1x16xf32> to vector<16xf32>
        %parallel_loop3A_807 = arith.constant 1 : i32
        %parallel_loop3A_808 = arith.index_cast %parallel_loop3A_807 : i32 to index
        %parallel_loop3A_809 = arith.index_cast %parallel_loop3A_254 : i32 to index
        %parallel_loop3A_810 = arith.constant 672 : index
        %parallel_loop3A_811 = tpu.vector_load %arg7[%parallel_loop3A_808, %parallel_loop3A_809, %parallel_loop3A_810] {strides = array<i32>} : memref<2x32x768xf32, #tpu.memory_space<vmem>>, vector<1x1x16xf32>,
        %parallel_loop3A_812 = vector.shape_cast %parallel_loop3A_811 : vector<1x1x16xf32> to vector<16xf32>
        %parallel_loop3A_813 = vector.shape_cast %parallel_loop3A_806 : vector<16xf32> to vector<1x1x16xf32>
        tpu.vector_store %arg7[%parallel_loop3A_808, %parallel_loop3A_809, %parallel_loop3A_810], %parallel_loop3A_813 {add = true, strides = array<i32>} : memref<2x32x768xf32, #tpu.memory_space<vmem>>, vector<1x1x16xf32>,
        %parallel_loop3A_814 = arith.constant 32 : i32
        %parallel_loop3A_815 = arith.addi %parallel_loop3A_814, %parallel_loop3A_254 : i32
        %parallel_loop3A_816 = arith.index_cast %parallel_loop3A_815 : i32 to index
        %parallel_loop3A_817 = arith.constant 688 : index
        %parallel_loop3A_818 = tpu.vector_load %arg8[%parallel_loop3A_816, %parallel_loop3A_817] {strides = array<i32>} : memref<64x768xf32, #tpu.memory_space<vmem>>, vector<1x16xf32>,
        %parallel_loop3A_819 = vector.shape_cast %parallel_loop3A_818 : vector<1x16xf32> to vector<16xf32>
        %parallel_loop3A_820 = arith.constant 1 : i32
        %parallel_loop3A_821 = arith.index_cast %parallel_loop3A_820 : i32 to index
        %parallel_loop3A_822 = arith.index_cast %parallel_loop3A_254 : i32 to index
        %parallel_loop3A_823 = arith.constant 688 : index
        %parallel_loop3A_824 = tpu.vector_load %arg7[%parallel_loop3A_821, %parallel_loop3A_822, %parallel_loop3A_823] {strides = array<i32>} : memref<2x32x768xf32, #tpu.memory_space<vmem>>, vector<1x1x16xf32>,
        %parallel_loop3A_825 = vector.shape_cast %parallel_loop3A_824 : vector<1x1x16xf32> to vector<16xf32>
        %parallel_loop3A_826 = vector.shape_cast %parallel_loop3A_819 : vector<16xf32> to vector<1x1x16xf32>
        tpu.vector_store %arg7[%parallel_loop3A_821, %parallel_loop3A_822, %parallel_loop3A_823], %parallel_loop3A_826 {add = true, strides = array<i32>} : memref<2x32x768xf32, #tpu.memory_space<vmem>>, vector<1x1x16xf32>,
        %parallel_loop3A_827 = arith.constant 32 : i32
        %parallel_loop3A_828 = arith.addi %parallel_loop3A_827, %parallel_loop3A_254 : i32
        %parallel_loop3A_829 = arith.index_cast %parallel_loop3A_828 : i32 to index
        %parallel_loop3A_830 = arith.constant 704 : index
        %parallel_loop3A_831 = tpu.vector_load %arg8[%parallel_loop3A_829, %parallel_loop3A_830] {strides = array<i32>} : memref<64x768xf32, #tpu.memory_space<vmem>>, vector<1x16xf32>,
        %parallel_loop3A_832 = vector.shape_cast %parallel_loop3A_831 : vector<1x16xf32> to vector<16xf32>
        %parallel_loop3A_833 = arith.constant 1 : i32
        %parallel_loop3A_834 = arith.index_cast %parallel_loop3A_833 : i32 to index
        %parallel_loop3A_835 = arith.index_cast %parallel_loop3A_254 : i32 to index
        %parallel_loop3A_836 = arith.constant 704 : index
        %parallel_loop3A_837 = tpu.vector_load %arg7[%parallel_loop3A_834, %parallel_loop3A_835, %parallel_loop3A_836] {strides = array<i32>} : memref<2x32x768xf32, #tpu.memory_space<vmem>>, vector<1x1x16xf32>,
        %parallel_loop3A_838 = vector.shape_cast %parallel_loop3A_837 : vector<1x1x16xf32> to vector<16xf32>
        %parallel_loop3A_839 = vector.shape_cast %parallel_loop3A_832 : vector<16xf32> to vector<1x1x16xf32>
        tpu.vector_store %arg7[%parallel_loop3A_834, %parallel_loop3A_835, %parallel_loop3A_836], %parallel_loop3A_839 {add = true, strides = array<i32>} : memref<2x32x768xf32, #tpu.memory_space<vmem>>, vector<1x1x16xf32>,
        %parallel_loop3A_840 = arith.constant 32 : i32
        %parallel_loop3A_841 = arith.addi %parallel_loop3A_840, %parallel_loop3A_254 : i32
        %parallel_loop3A_842 = arith.index_cast %parallel_loop3A_841 : i32 to index
        %parallel_loop3A_843 = arith.constant 720 : index
        %parallel_loop3A_844 = tpu.vector_load %arg8[%parallel_loop3A_842, %parallel_loop3A_843] {strides = array<i32>} : memref<64x768xf32, #tpu.memory_space<vmem>>, vector<1x16xf32>,
        %parallel_loop3A_845 = vector.shape_cast %parallel_loop3A_844 : vector<1x16xf32> to vector<16xf32>
        %parallel_loop3A_846 = arith.constant 1 : i32
        %parallel_loop3A_847 = arith.index_cast %parallel_loop3A_846 : i32 to index
        %parallel_loop3A_848 = arith.index_cast %parallel_loop3A_254 : i32 to index
        %parallel_loop3A_849 = arith.constant 720 : index
        %parallel_loop3A_850 = tpu.vector_load %arg7[%parallel_loop3A_847, %parallel_loop3A_848, %parallel_loop3A_849] {strides = array<i32>} : memref<2x32x768xf32, #tpu.memory_space<vmem>>, vector<1x1x16xf32>,
        %parallel_loop3A_851 = vector.shape_cast %parallel_loop3A_850 : vector<1x1x16xf32> to vector<16xf32>
        %parallel_loop3A_852 = vector.shape_cast %parallel_loop3A_845 : vector<16xf32> to vector<1x1x16xf32>
        tpu.vector_store %arg7[%parallel_loop3A_847, %parallel_loop3A_848, %parallel_loop3A_849], %parallel_loop3A_852 {add = true, strides = array<i32>} : memref<2x32x768xf32, #tpu.memory_space<vmem>>, vector<1x1x16xf32>,
        %parallel_loop3A_853 = arith.constant 32 : i32
        %parallel_loop3A_854 = arith.addi %parallel_loop3A_853, %parallel_loop3A_254 : i32
        %parallel_loop3A_855 = arith.index_cast %parallel_loop3A_854 : i32 to index
        %parallel_loop3A_856 = arith.constant 736 : index
        %parallel_loop3A_857 = tpu.vector_load %arg8[%parallel_loop3A_855, %parallel_loop3A_856] {strides = array<i32>} : memref<64x768xf32, #tpu.memory_space<vmem>>, vector<1x16xf32>,
        %parallel_loop3A_858 = vector.shape_cast %parallel_loop3A_857 : vector<1x16xf32> to vector<16xf32>
        %parallel_loop3A_859 = arith.constant 1 : i32
        %parallel_loop3A_860 = arith.index_cast %parallel_loop3A_859 : i32 to index
        %parallel_loop3A_861 = arith.index_cast %parallel_loop3A_254 : i32 to index
        %parallel_loop3A_862 = arith.constant 736 : index
        %parallel_loop3A_863 = tpu.vector_load %arg7[%parallel_loop3A_860, %parallel_loop3A_861, %parallel_loop3A_862] {strides = array<i32>} : memref<2x32x768xf32, #tpu.memory_space<vmem>>, vector<1x1x16xf32>,
        %parallel_loop3A_864 = vector.shape_cast %parallel_loop3A_863 : vector<1x1x16xf32> to vector<16xf32>
        %parallel_loop3A_865 = vector.shape_cast %parallel_loop3A_858 : vector<16xf32> to vector<1x1x16xf32>
        tpu.vector_store %arg7[%parallel_loop3A_860, %parallel_loop3A_861, %parallel_loop3A_862], %parallel_loop3A_865 {add = true, strides = array<i32>} : memref<2x32x768xf32, #tpu.memory_space<vmem>>, vector<1x1x16xf32>,
        %parallel_loop3A_866 = arith.constant 32 : i32
        %parallel_loop3A_867 = arith.addi %parallel_loop3A_866, %parallel_loop3A_254 : i32
        %parallel_loop3A_868 = arith.index_cast %parallel_loop3A_867 : i32 to index
        %parallel_loop3A_869 = arith.constant 752 : index
        %parallel_loop3A_870 = tpu.vector_load %arg8[%parallel_loop3A_868, %parallel_loop3A_869] {strides = array<i32>} : memref<64x768xf32, #tpu.memory_space<vmem>>, vector<1x16xf32>,
        %parallel_loop3A_871 = vector.shape_cast %parallel_loop3A_870 : vector<1x16xf32> to vector<16xf32>
        %parallel_loop3A_872 = arith.constant 1 : i32
        %parallel_loop3A_873 = arith.index_cast %parallel_loop3A_872 : i32 to index
        %parallel_loop3A_874 = arith.index_cast %parallel_loop3A_254 : i32 to index
        %parallel_loop3A_875 = arith.constant 752 : index
        %parallel_loop3A_876 = tpu.vector_load %arg7[%parallel_loop3A_873, %parallel_loop3A_874, %parallel_loop3A_875] {strides = array<i32>} : memref<2x32x768xf32, #tpu.memory_space<vmem>>, vector<1x1x16xf32>,
        %parallel_loop3A_877 = vector.shape_cast %parallel_loop3A_876 : vector<1x1x16xf32> to vector<16xf32>
        %parallel_loop3A_878 = vector.shape_cast %parallel_loop3A_871 : vector<16xf32> to vector<1x1x16xf32>
        tpu.vector_store %arg7[%parallel_loop3A_873, %parallel_loop3A_874, %parallel_loop3A_875], %parallel_loop3A_878 {add = true, strides = array<i32>} : memref<2x32x768xf32, #tpu.memory_space<vmem>>, vector<1x1x16xf32>,
      } {sc.loop_unroll_factor = 2 : i64, sc.parallel_access}
      %mul3A_232 = arith.constant 1 : i32
      %mul3A_233 = arith.muli %scan3A_155, %mul3A_232 : i32
      %add3A_234 = arith.constant 0 : i32
      %add3A_235 = arith.addi %mul3A_233, %add3A_234 : i32
      %add3A_236 = arith.constant 32 : i32
      %add3A_237 = arith.addi %mul3A_2, %add3A_236 : i32
      %dma_start3A_238 = arith.constant 1 : i32
      %dma_start3A_239 = arith.constant 0 : i32
      %dma_start3A_240 = arith.constant 0 : i32
      %dma_start3A_241 = tpu.memref_slice %arg7[%dma_start3A_238, %dma_start3A_239, %dma_start3A_240] : memref<2x32x768xf32, #tpu.memory_space<vmem>> -> memref<1x32x768xf32, #tpu.memory_space<vmem>>
      %dma_start3A_242 = tpu.memref_squeeze %dma_start3A_241 : memref<1x32x768xf32, #tpu.memory_space<vmem>> -> memref<32x768xf32, #tpu.memory_space<vmem>>
      %dma_start3A_243 = arith.constant 0 : i32
      %dma_start3A_244 = tpu.memref_slice %arg5[%add3A_235, %add3A_237, %dma_start3A_243] : memref<4x2048x768xf32, #tpu.memory_space<hbm>> -> memref<1x32x768xf32, #tpu.memory_space<hbm>>
      %dma_start3A_245 = tpu.memref_squeeze %dma_start3A_244 : memref<1x32x768xf32, #tpu.memory_space<hbm>> -> memref<32x768xf32, #tpu.memory_space<hbm>>
      %dma_start3A_246 = arith.constant 0 : i32
      %dma_start3A_247 = tpu.memref_slice %arg5[%add3A_235, %add3A_237, %dma_start3A_246] : memref<4x2048x768xf32, #tpu.memory_space<hbm>> -> memref<1x32x768xf32, #tpu.memory_space<hbm>>
      %dma_start3A_248 = tpu.memref_squeeze %dma_start3A_247 : memref<1x32x768xf32, #tpu.memory_space<hbm>> -> memref<32x768xf32, #tpu.memory_space<hbm>>
      %dma_start3A_249 = arith.constant 0 : i32
      %dma_start3A_250 = arith.constant 0 : i32
      %dma_start3A_251 = tpu.memref_slice %arg7[%dma_start3A_238, %dma_start3A_249, %dma_start3A_250] : memref<2x32x768xf32, #tpu.memory_space<vmem>> -> memref<1x32x768xf32, #tpu.memory_space<vmem>>
      %dma_start3A_252 = tpu.memref_squeeze %dma_start3A_251 : memref<1x32x768xf32, #tpu.memory_space<vmem>> -> memref<32x768xf32, #tpu.memory_space<vmem>>
      tpu.enqueue_dma source(%dma_start3A_252 : memref<32x768xf32, #tpu.memory_space<vmem>>) target(%dma_start3A_248 : memref<32x768xf32, #tpu.memory_space<hbm>>) target_semaphore(%arg12 : memref<!tpu.dma_semaphore, #tpu.memory_space<semaphore_mem>>)
      %scan3A_253 = arith.constant 0 : i32
      scf.yield %scan3A_253 : i32
    }
    %scan3A_122 = arith.constant 4 : i32
    %dma_wait3A_123 = arith.constant 0 : i32
    %dma_wait3A_124 = arith.constant 0 : i32
    %dma_wait3A_125 = arith.constant 0 : i32
    %dma_wait3A_126 = arith.constant 0 : i32
    %dma_wait3A_127 = tpu.memref_slice %arg7[%dma_wait3A_123, %dma_wait3A_125, %dma_wait3A_126] : memref<2x32x768xf32, #tpu.memory_space<vmem>> -> memref<1x32x768xf32, #tpu.memory_space<vmem>>
    %dma_wait3A_128 = tpu.memref_squeeze %dma_wait3A_127 : memref<1x32x768xf32, #tpu.memory_space<vmem>> -> memref<32x768xf32, #tpu.memory_space<vmem>>
    %dma_wait3A_129 = arith.constant 0 : i32
    %dma_wait3A_130 = tpu.memref_slice %arg5[%dma_wait3A_124, %mul3A_2, %dma_wait3A_129] : memref<4x2048x768xf32, #tpu.memory_space<hbm>> -> memref<1x32x768xf32, #tpu.memory_space<hbm>>
    %dma_wait3A_131 = tpu.memref_squeeze %dma_wait3A_130 : memref<1x32x768xf32, #tpu.memory_space<hbm>> -> memref<32x768xf32, #tpu.memory_space<hbm>>
    %dma_wait3A_132 = arith.constant 0 : i32
    %dma_wait3A_133 = tpu.memref_slice %arg5[%dma_wait3A_124, %mul3A_2, %dma_wait3A_132] : memref<4x2048x768xf32, #tpu.memory_space<hbm>> -> memref<1x32x768xf32, #tpu.memory_space<hbm>>
    %dma_wait3A_134 = tpu.memref_squeeze %dma_wait3A_133 : memref<1x32x768xf32, #tpu.memory_space<hbm>> -> memref<32x768xf32, #tpu.memory_space<hbm>>
    %dma_wait3A_135 = arith.constant 0 : i32
    %dma_wait3A_136 = arith.constant 0 : i32
    %dma_wait3A_137 = tpu.memref_slice %arg7[%dma_wait3A_123, %dma_wait3A_135, %dma_wait3A_136] : memref<2x32x768xf32, #tpu.memory_space<vmem>> -> memref<1x32x768xf32, #tpu.memory_space<vmem>>
    %dma_wait3A_138 = tpu.memref_squeeze %dma_wait3A_137 : memref<1x32x768xf32, #tpu.memory_space<vmem>> -> memref<32x768xf32, #tpu.memory_space<vmem>>
    tpu.wait_dma2 semaphore(%arg11 : memref<!tpu.dma_semaphore, #tpu.memory_space<semaphore_mem>>) src(%dma_wait3A_138 : memref<32x768xf32, #tpu.memory_space<vmem>>) dst(%dma_wait3A_134 : memref<32x768xf32, #tpu.memory_space<hbm>>)
    %dma_wait3A_139 = arith.constant 1 : i32
    %dma_wait3A_140 = arith.constant 0 : i32
    %dma_wait3A_141 = arith.constant 0 : i32
    %dma_wait3A_142 = arith.constant 0 : i32
    %dma_wait3A_143 = tpu.memref_slice %arg7[%dma_wait3A_139, %dma_wait3A_141, %dma_wait3A_142] : memref<2x32x768xf32, #tpu.memory_space<vmem>> -> memref<1x32x768xf32, #tpu.memory_space<vmem>>
    %dma_wait3A_144 = tpu.memref_squeeze %dma_wait3A_143 : memref<1x32x768xf32, #tpu.memory_space<vmem>> -> memref<32x768xf32, #tpu.memory_space<vmem>>
    %dma_wait3A_145 = arith.constant 0 : i32
    %dma_wait3A_146 = tpu.memref_slice %arg5[%dma_wait3A_140, %mul3A_2, %dma_wait3A_145] : memref<4x2048x768xf32, #tpu.memory_space<hbm>> -> memref<1x32x768xf32, #tpu.memory_space<hbm>>
    %dma_wait3A_147 = tpu.memref_squeeze %dma_wait3A_146 : memref<1x32x768xf32, #tpu.memory_space<hbm>> -> memref<32x768xf32, #tpu.memory_space<hbm>>
    %dma_wait3A_148 = arith.constant 0 : i32
    %dma_wait3A_149 = tpu.memref_slice %arg5[%dma_wait3A_140, %mul3A_2, %dma_wait3A_148] : memref<4x2048x768xf32, #tpu.memory_space<hbm>> -> memref<1x32x768xf32, #tpu.memory_space<hbm>>
    %dma_wait3A_150 = tpu.memref_squeeze %dma_wait3A_149 : memref<1x32x768xf32, #tpu.memory_space<hbm>> -> memref<32x768xf32, #tpu.memory_space<hbm>>
    %dma_wait3A_151 = arith.constant 0 : i32
    %dma_wait3A_152 = arith.constant 0 : i32
    %dma_wait3A_153 = tpu.memref_slice %arg7[%dma_wait3A_139, %dma_wait3A_151, %dma_wait3A_152] : memref<2x32x768xf32, #tpu.memory_space<vmem>> -> memref<1x32x768xf32, #tpu.memory_space<vmem>>
    %dma_wait3A_154 = tpu.memref_squeeze %dma_wait3A_153 : memref<1x32x768xf32, #tpu.memory_space<vmem>> -> memref<32x768xf32, #tpu.memory_space<vmem>>
    tpu.wait_dma2 semaphore(%arg12 : memref<!tpu.dma_semaphore, #tpu.memory_space<semaphore_mem>>) src(%dma_wait3A_154 : memref<32x768xf32, #tpu.memory_space<vmem>>) dst(%dma_wait3A_150 : memref<32x768xf32, #tpu.memory_space<hbm>>)
    return
  }
}

</mosaic_0001>

<sc_bundles>
// kernel: kernel.3.cloned.1.call-start
scs
__scs_entry_jumppad:
0x0: {  	(pc) =	sbr.rel $0x88, $3  }
0x1: {  	(tag) =	ssettag $0x0;
	lr =	simm.s32 $0x1  }
0x2: {  	[smem:$0x3F9F] =	sst lr;
	_ =	strace $0xD0000000  }
0x3: {  	_ = 	snop  }
0x4: {  	_ = 	snop  }
0x5: {  	_ = 	snop  }
0x6: {  	_ = 	snop  }
0x7: {  	_ = 	snop  }
__scs_overlays_trampoline_lowered:
0x8: {  	[smem:$0x3FAE] =	sst s0  }
0x9: {  	[smem:$0x3FAF] =	sst s1  }
0xa: {  	[smem:$0x3FB0] =	sst s2  }
0xb: {  	[smem:$0x3FB1] =	sst s3  }
0xc: {  	[smem:$0x3FB2] =	sst s4  }
0xd: {  	[smem:$0x3FB3] =	sst s5  }
0xe: {  	[smem:$0x3FB4] =	sst s6  }
0xf: {  	[smem:$0x3FB5] =	sst s7  }
0x10: {  	[smem:$0x3FB6] =	sst s8  }
0x11: {  	[smem:$0x3FB7] =	sst s9;
	s0 =	simm.s32 @!p0 $0x0  }
0x12: {  	s1 =	sld [smem:$0x3F9D];
	s0 =	simm.s32 @p0 $0x1  }
0x13: {  	[smem:$0x3FB8] =	sst s0;
	s0 =	simm.s32 @!p1 $0x0  }
0x14: {  	s2 =	sld [smem:$0x3F9C];
	s0 =	simm.s32 @p1 $0x1  }
0x15: {  	[smem:$0x3FB9] =	sst s0;
	s0 =	simm.s32 @!p2 $0x0  }
0x16: {  	s3 =	sld [smem:$0x3FDB];
	s0 =	simm.s32 @p2 $0x1  }
0x17: {  	s4 =	simm.s32 $0x1BF5;
	[smem:$0x3FBB] =	sst s0  }
0x18: {  	s0 =	sld [smem:$0x3F9E];
	_ =	swait.ge [sflag:s4], $0x0  }
0x19: {  	s7 =	sld [smem:$0x3F9F]  }
0x1a: {  	s8 =	sadd.s32 $0xFFFFE003, lr  }
0x1b: {  	s9 =	sadd.s32 $0xFFFFFEF7, lr;
	s5 =	simm.s32 $0xFFFFFFFF;
	p2 =	slt.u32 s8, $0xFFFFF086  }
0x1c: {  	p1 =	slt.u32 s9, $0xF7A;
	s5 =	simm.s32 @!p2 $0x0  }
0x1d: {  	s5 =	simm.s32 @p1 $0x1;
	p0 =	seq.s32 s7, s2  }
0x1e: {  	s7 =	smul.u32 @!p0 $0xF7A, s2;
	p2 =	seq.s32 @!p0 s5, $0x0  }
0x1f: {  	s9 =	smul.u32 $0xF7A, s1;
	s8 =	simm.s32 @!p0 $0x1BF5;
	p2 =	por !p2, p0  }
0x20: {  	[sflag:s8] =	ssyncset.s32 @!p0 $0xFFFFF086;
	s6 =	sadd.s32 @!p0 s3, s7;
	s7 =	simm.s32 @!p0 $0x108  }
0x21: {  	s3 =	sadd.s32 s3, s9;
	s6 =	sadd.s32 @!p0 $0x88, s6;
	s7 =	simm.s32 @p2 $0x1082  }
0x22: {  	[simem:s7], [sflag:s8] =	dma.local @!p0 [hbm:s6], $0xF7A  }
0x23: {  	s9 =	sor.u32 $0xD0000000, s2;
	s6 =	simm.s32 $0x108;
	_ =	swait.ge @!p0 [sflag:s8], $0x0  }
0x24: {  	s3 =	sadd.s32 $0x88, s3;
	s6 =	simm.s32 @!p1 $0x1082;
	[sflag:s4] =	ssyncset.s32 $0xFFFFF086  }
0x25: {  	[simem:s6], [sflag:s4] =	dma.local [hbm:s3], $0xF7A  }
0x26: {  	[smem:$0x3F9F] =	sst s1;
	(tag) =	ssettag s2;
	_ =	strace s9  }
0x27: {  	s1 =	sld [smem:$0x3FAF]  }
0x28: {  	s2 =	sld [smem:$0x3FB0]  }
0x29: {  	s4 =	sld [smem:$0x3FB2]  }
0x2a: {  	p0 =	seq.s32 s5, $0x0;
	s5 =	sld [smem:$0x3FB3]  }
0x2b: {  	s6 =	sld [smem:$0x3FB4]  }
0x2c: {  	s7 =	sld [smem:$0x3FB5]  }
0x2d: {  	s3 =	simm.s32 $0x108;
	s8 =	sld [smem:$0x3FB6]  }
0x2e: {  	s3 =	simm.s32 @!p0 $0x1082;
	s9 =	sld [smem:$0x3FB7]  }
0x2f: {  	lr =	sadd.s32 s0, s3;
	s0 =	sld [smem:$0x3FAE]  }
0x30: {  	s3 =	sld [smem:$0x3FB1]  }
0x31: {  	[smem:$0x3FBA] =	sst s10  }
0x32: {  	s10 =	sld [smem:$0x3FB8];
	_ =	sdelay $0x3  }
0x33: {  	p0 =	seq.s32 s10, $0x1;
	s10 =	sld [smem:$0x3FBA];
	_ =	sdelay $0x3  }
0x34: {  	[smem:$0x3FBA] =	sst s10  }
0x35: {  	s10 =	sld [smem:$0x3FB9];
	_ =	sdelay $0x3  }
0x36: {  	p1 =	seq.s32 s10, $0x1;
	s10 =	sld [smem:$0x3FBA];
	_ =	sdelay $0x3  }
0x37: {  	[smem:$0x3FBA] =	sst s10  }
0x38: {  	s10 =	sld [smem:$0x3FBB]  }
0x39: {  	_ = 	snop;
	(pc) =	sbr.ind lr, $3  }
0x3a: {  	_ = 	snop  }
0x3b: {  	_ = 	snop  }
0x3c: {  	p2 =	seq.s32 s10, $0x1;
	s10 =	sld [smem:$0x3FBA]  }
0x3d: {  	_ =	shalt  }
0x3e: {  	_ =	shalt  }
0x3f: {  	_ =	shalt  }
0x40: {  	_ =	shalt  }
0x41: {  	_ =	shalt  }
0x42: {  	_ =	shalt  }
0x43: {  	_ =	shalt  }
0x44: {  	_ =	shalt  }
0x45: {  	_ =	shalt  }
0x46: {  	_ =	shalt  }
0x47: {  	_ =	shalt  }
0x48: {  	_ =	shalt  }
0x49: {  	_ =	shalt  }
0x4a: {  	_ =	shalt  }
0x4b: {  	_ =	shalt  }
0x4c: {  	_ =	shalt  }
0x4d: {  	_ =	shalt  }
0x4e: {  	_ =	shalt  }
0x4f: {  	_ =	shalt  }
0x50: {  	_ =	shalt  }
0x51: {  	_ =	shalt  }
0x52: {  	_ =	shalt  }
0x53: {  	_ =	shalt  }
0x54: {  	_ =	shalt  }
0x55: {  	_ =	shalt  }
0x56: {  	_ =	shalt  }
0x57: {  	_ =	shalt  }
0x58: {  	_ =	shalt  }
0x59: {  	_ =	shalt  }
0x5a: {  	_ =	shalt  }
0x5b: {  	_ =	shalt  }
0x5c: {  	_ =	shalt  }
0x5d: {  	_ =	shalt  }
0x5e: {  	_ =	shalt  }
0x5f: {  	_ =	shalt  }
0x60: {  	_ =	shalt  }
0x61: {  	_ =	shalt  }
0x62: {  	_ =	shalt  }
0x63: {  	_ =	shalt  }
0x64: {  	_ =	shalt  }
0x65: {  	_ =	shalt  }
0x66: {  	_ =	shalt  }
0x67: {  	_ =	shalt  }
0x68: {  	_ =	shalt  }
0x69: {  	_ =	shalt  }
0x6a: {  	_ =	shalt  }
0x6b: {  	_ =	shalt  }
0x6c: {  	_ =	shalt  }
0x6d: {  	_ =	shalt  }
0x6e: {  	_ =	shalt  }
0x6f: {  	_ =	shalt  }
0x70: {  	_ =	shalt  }
0x71: {  	_ =	shalt  }
0x72: {  	_ =	shalt  }
0x73: {  	_ =	shalt  }
0x74: {  	_ =	shalt  }
0x75: {  	_ =	shalt  }
0x76: {  	_ =	shalt  }
0x77: {  	_ =	shalt  }
0x78: {  	_ =	shalt  }
0x79: {  	_ =	shalt  }
0x7a: {  	_ =	shalt  }
0x7b: {  	_ =	shalt  }
0x7c: {  	_ =	shalt  }
0x7d: {  	_ =	shalt  }
0x7e: {  	_ =	shalt  }
0x7f: {  	_ =	shalt  }
0x80: {  	_ =	shalt  }
0x81: {  	_ =	shalt  }
0x82: {  	_ =	shalt  }
0x83: {  	_ =	shalt  }
0x84: {  	_ =	shalt  }
0x85: {  	_ =	shalt  }
0x86: {  	_ =	shalt  }
0x87: {  	_ =	shalt  }
.Lfunc_end0:
.L_simem_size_0:
called_computation_lowered:
.L_overlay_start_0:
0x88: {  	s2 =	sld [smem:$0x3FD9]  }
0x89: {  	s3 =	sld [smem:$0x3FFE];
	_ =	sdelay $0x1  }
0x8a: {  	s1 =	srdreg.scid  }
0x8b: {  	s0 =	sand.u32 $0x1, s1  }
0x8c: {  	s17 =	sshll.u32 s0, $0xA;
	s2 =	sadd.s32 s3, s2  }
0x8d: {  	s2 =	sadd.s32 s2, s17  }
0x8e: {  	[smem:$0x3FC6] =	sst s2  }
0x8f: {  	_ = 	snop  }
0x90: {  	s2 =	sld [smem:$0x3FC9]  }
0x91: {  	s18 =	sld [smem:$0x3FC8]  }
0x92: {  	s4 =	sld [smem:$0x3FD0];
	(tm) =	ssettm $0x1  }
0x93: {  	s5 =	sld [smem:$0x3FFB];
	_ =	sdelay $0x3  }
0x94: {  	_ =	strace s5  }
0x95: {  	s5 =	sld [smem:$0x3FFC];
	_ =	sdelay $0x3  }
0x96: {  	_ =	strace s5  }
0x97: {  	s5 =	sld [smem:$0x3FFD];
	_ =	sdelay $0x3  }
0x98: {  	_ =	strace s5  }
0x99: {  	_ =	strace $0x8FFFFFFF  }
0x9a: {  	s19 =	sld [smem:$0x3FDB];
	_ =	sdelay $0x1  }
0x9b: {  	s6 =	simm.s32 $_scs_section_size  }
0x9c: {  	s7 =	simm.s32 $_size__tile_overlayer_lowered;
	s8 =	simm.s32 $_tile_overlayer_lowered  }
0x9d: {  	s22 =	simm.s32 $0x1BFF;
	s21 =	sshll.u32 s8, $0x1;
	s5 =	sadd.s32 s6, s19  }
0x9e: {  	s9 =	simm.s32 $0x0;
	s20 =	sshll.u32 s7, $0x1;
	s7 =	sadd.s32 s21, s5  }
0x9f: {  	[timem:s9], [sflag:s22] =	dma.local [hbm:s7], s20  }
0xa0: {  	_ =	swait.ge [sflag:s22], s20  }
0xa1: {  	s6 =	ssub.s32 $0x0, s20;
	[sflag:s22] =	ssyncset.done $0x0  }
0xa2: {  	[sflag:s22] =	ssyncadd.s32 s6;
	_ =	sdelay $0x1  }
0xa3: {  	s23 =	simm.s32 $0x1B8B  }
0xa4: {  	_ =	swait.ge [sflag:s23], $0x1  }
0xa5: {  	[sflag:s23] =	ssyncset.done $0x0  }
0xa6: {  	s25 =	simm.s32 $0x1B8E;
	s24 =	sld [smem:$0x3FFE];
	[sflag:s23] =	ssyncadd.s32 $0xFFFFFFFF  }
0xa7: {  	s26 =	simm.s32 $execute0_lowered;
	[smem:$0x3FD2] =	sst s25  }
0xa8: {  	s7 =	sshll.u32 s26, $0x1;
	_ =	strace $0x80000046;
	[dreg:$0x1] =	wrdreg $0xFFFFFFFF  }
0xa9: {  	s28 =	simm.s32 $_size_execute0_lowered;
	s5 =	sadd.s32 s5, s7;
	[dreg:$0x0] =	wrdreg $0x0  }
0xaa: {  	s7 =	sshll.u32 s28, $0x1;
	[dreg:$0x2] =	wrdreg s5  }
0xab: {  	[dreg:$0x3] =	wrdreg s7  }
0xac: {  	[dreg:$0x4] =	wrdreg $0xC0  }
0xad: {  	_ =	task [dreg:s9], $0x5FFFF  }
0xae: {  	[dreg:$0x1] =	wrdreg $0xFFFFFFFF  }
0xaf: {  	[dreg:$0x0] =	wrdreg $0x60  }
0xb0: {  	[dreg:$0x2] =	wrdreg s2  }
0xb1: {  	[dreg:$0x3] =	wrdreg s18  }
0xb2: {  	[dreg:$0x4] =	wrdreg s24  }
0xb3: {  	[dreg:$0x5] =	wrdreg s4  }
0xb4: {  	[dreg:$0x6] =	wrdreg $0x9  }
0xb5: {  	_ =	task.clear_ibuf [dreg:s9], $0x7FFFF;
	_ =	strace $0x90000046  }
0xb6: {  	s29 =	simm.s32 $0x9;
	_ =	strace $0x80000048  }
0xb7: {  	_ =	swait.ge [sflag:s29], $0x1  }
0xb8: {  	[sflag:s29] =	ssyncadd.s32 $0xFFFFFFFF  }
0xb9: {  	_ =	strace $0x90000048  }
0xba: {  	_ =	sfence  }
0xbb: {  	s30 =	sld [smem:$0x0];
	_ =	sdelay $0x2  }
0xbc: {  	s31 =	sshll.u32 s1, $0xD;
	s1 =	sshrl.u32 s1, $0x2  }
0xbd: {  	s3 =	sand.u32 $0x4000, s31;
	s1 =	sadd.s32 s1, s30  }
0xbe: {  	s0 =	sor.u32 s3, s0;
	s1 =	sshll.u32 s1, $0x11  }
0xbf: {  	s0 =	sor.u32 s1, s0  }
0xc0: {  	s0 =	sadd.s32 $0x8F2B, s0  }
0xc1: {  	[sflag:s0] =	ssyncadd.remote.s32 $0x1  }
0xc2: {  	_ =	sfence.sel $0xFFFF  }
0xc3: {  	[dreg:$0x0] =	wrdreg $0xFFFFFFFF;
	(pc) =	sbr.abs _section_cstart, $3  }
0xc4: {  	[dreg:$0x1] =	wrdreg $0xFFFFFFFF  }
0xc5: {  	_ =	task.clear_ibuf [dreg:s9], $0x2FFFF;
	_ =	strace $0x9FFFFFFF  }
0xc6: {  	(tm) =	ssettm $0x7FFFFFFF  }
0xc7: {  	_ =	shalt  }
tec
execute0_lowered:
.L_overlay_start_1:
0x0: {  	(tag) =	ssettag $0x1  }
0x1: {  	s0 =	rddreg [dreg:$0x0]  }
0x2: {  	s2 =	srdreg.scid;
	s1 =	rddreg [dreg:$0x1]  }
0x3: {  	s4 =	stileid.u32;
	s3 =	rddreg [dreg:$0x2]  }
0x4: {  	s13 =	rddreg [dreg:$0x3];
	s2 =	sand.u32 $0x1, s2;
	s4 =	sshll.u32 s4, $0x7  }
0x5: {  	s11 =	sadd.s32 $0x100, s1;
	s5 =	sshll.u32 s2, $0x6;
	s2 =	ssub.s32 $0x2, s2  }
0x6: {  	s6 =	sor.u32 s5, s4;
	s4 =	simm.s32 $0x0;
	s24 =	sshrl.u32 s2, $0x1  }
0x7: {  	s7 =	sshrl.u32 s6, $0x3;
	[smem:$0x7FF] =	sst s4;
	s6 =	sshll.u32 s6, $0x2  }
0x8: {  	s2 =	ssub.s32 s2, s24;
	s9 =	smul.u32 $0x1800, s7;
	s8 =	sand.u32 $0x1E00, s6  }
0x9: {  	_ =	strace $0x80000047;
	s31 =	smax.u32 s2, $0x1;
	s25 =	sor.u32 s5, s8  }
0xa: {  	s5 =	sor.u32 s5, s6;
	[dreg:$0xc] =	wrdreg s31;
	s7 =	sshrl.u32 s9, $0x3  }
0xb: {  	s26 =	sshrl.u32 s25, $0x3;
	[dreg:$0x5] =	wrdreg s9;
	s30 =	sadd.s32 $0x6000, s9  }
0xc: {  	s3 =	sadd.s32 s7, s3;
	s28 =	sadd.s32 s0, s26;
	[dreg:$0xb] =	wrdreg s30  }
0xd: {  	s5 =	sshrl.u32 s5, $0x3;
	s3 =	sadd.s32 $0x400, s3;
	[dreg:$0x7] =	wrdreg s28  }
0xe: {  	s29 =	sor.u32 $0x20, s5;
	s6 =	sadd.s32 $0x10, s28;
	[dreg:$0x6] =	wrdreg s3  }
0xf: {  	v2 =	vlaneseq.u32;
	s5 =	sor.u32 $0x30, s5;
	[dreg:$0x8] =	wrdreg s6;
	s3 =	sadd.s32 s0, s29  }
0x10: {  	vm0 =	vmmov $0xffff;
	s12 =	sadd.s32 $0x200, s1;
	v1 =	vshrl.u32 v2, $0x3;
	s0 =	sadd.s32 s0, s5;
	[dreg:$0x9] =	wrdreg s3  }
0x11: {  	v0 =	vand.u32 $0x7, v2;
	v2 =	vor.u32 $0x8, v2;
	v1 =	vmul.u32 $0x8, v1;
	s5 =	simm.s32 $0x0;
	[dreg:$0xa] =	wrdreg s0;
	s3 =	simm.s32 $0x6200  }
.LBB2_1:
0x12: {  	[dreg:$0xd] =	wrdreg s5  }
0x13: {  	s0 =	rddreg [dreg:$0x6];
	s2 =	simm.s32 $0xC200  }
0x14: {  	[tilespmem:s2], [sflag:$0x5] =	stream.linear.gather [hbm4b:s0+s4], $0xC000, $0x38;
	[tilespmem:$0x18200] =	vst v63  }
0x15: {  	s7 =	rddreg [dreg:$0x7]  }
0x16: {  	[tilespmem:s4], [sflag:$0x6] =	stream.linear.gather [hbm4b:s7+s4], $0x40, $0x38;
	[tilespmem:$0x18200] =	vst v63  }
0x17: {  	s8 =	rddreg [dreg:$0x8];
	s9 =	simm.s32 $0x80  }
0x18: {  	[tilespmem:s9], [sflag:$0x6] =	stream.linear.gather [hbm4b:s8+s4], $0x40, $0x38;
	[tilespmem:$0x18200] =	vst v63  }
0x19: {  	s10 =	rddreg [dreg:$0x9];
	s14 =	simm.s32 $0x100  }
0x1a: {  	[tilespmem:s14], [sflag:$0x6] =	stream.linear.gather [hbm4b:s10+s4], $0x40, $0x38;
	[tilespmem:$0x18200] =	vst v63  }
0x1b: {  	s15 =	rddreg [dreg:$0xa];
	s16 =	simm.s32 $0x180;
	s17 =	simm.s32 $0x6  }
0x1c: {  	[tilespmem:s16], [sflag:$0x6] =	stream.linear.gather [hbm4b:s15+s4], $0x40, $0x38;
	[tilespmem:$0x18200] =	vst v63  }
0x1d: {  	_ =	swait.ge [sflag:s17], $0x40  }
0x1e: {  	[sflag:s17] =	ssyncset.done $0x0  }
0x1f: {  	[sflag:s17] =	ssyncadd.s32 $0xFFFFFFC0  }
0x20: {  	_ =	swait.ge [sflag:s17], $0x40  }
0x21: {  	[sflag:s17] =	ssyncset.done $0x0  }
0x22: {  	[sflag:s17] =	ssyncadd.s32 $0xFFFFFFC0  }
0x23: {  	_ =	swait.ge [sflag:s17], $0x40  }
0x24: {  	[sflag:s17] =	ssyncset.done $0x0  }
0x25: {  	[sflag:s17] =	ssyncadd.s32 $0xFFFFFFC0  }
0x26: {  	_ =	swait.ge [sflag:s17], $0x40  }
0x27: {  	[sflag:s17] =	ssyncset.done $0x0  }
0x28: {  	[sflag:s17] =	ssyncadd.s32 $0xFFFFFFC0  }
0x29: {  	v3 =	vld [tilespmem:$0x0];
	_ =	sdelay $0x4  }
0x2a: {  	v4 =	vshrl.u32 v3, $0x3  }
0x2b: {  	v4 =	vmul.u32 $0x30, v4  }
0x2c: {  	v3 =	vand.u32 $0x7, v3  }
0x2d: {  	v3 =	vor.u32 v3, v4  }
0x2e: {  	v4 =	vperm.xlane v3, v0;
	_ =	sdelay $0x1  }
0x2f: {  	v4 =	vadd.s32 v1, v4;
	_ =	sdelay $0x3  }
0x30: {  	s18 =	simm.s32 $0x200;
	v3 =	vperm.xlane v3, v2  }
0x31: {  	[tilespmem:s18], [sflag:$0x1] =	stream.indirect_vreg.gather [hbm4b:s1+s4], $0x80, v4, vm0, $0xb8;
	[tilespmem:$0x18200] =	vst v63  }
0x32: {  	s19 =	simm.s32 $0xA00;
	v3 =	vadd.s32 v1, v3  }
0x33: {  	[tilespmem:s19], [sflag:$0x1] =	stream.indirect_vreg.gather [hbm4b:s11+s4], $0x80, v4, vm0, $0xb8;
	[tilespmem:$0x18200] =	vst v63  }
0x34: {  	s20 =	simm.s32 $0x1200  }
0x35: {  	[tilespmem:s20], [sflag:$0x1] =	stream.indirect_vreg.gather [hbm4b:s12+s4], $0x80, v4, vm0, $0xb8;
	[tilespmem:$0x18200] =	vst v63  }
0x36: {  	s21 =	simm.s32 $0x1A00  }
0x37: {  	[tilespmem:s21], [sflag:$0x1] =	stream.indirect_vreg.gather [hbm4b:s1+s4], $0x80, v3, vm0, $0xb8;
	[tilespmem:$0x18200] =	vst v63  }
0x38: {  	s22 =	simm.s32 $0x2200  }
0x39: {  	[tilespmem:s22], [sflag:$0x1] =	stream.indirect_vreg.gather [hbm4b:s11+s4], $0x80, v3, vm0, $0xb8;
	[tilespmem:$0x18200] =	vst v63  }
0x3a: {  	s23 =	simm.s32 $0x2A00  }
0x3b: {  	[tilespmem:s23], [sflag:$0x1] =	stream.indirect_vreg.gather [hbm4b:s12+s4], $0x80, v3, vm0, $0xb8;
	[tilespmem:$0x18200] =	vst v63  }
0x3c: {  	v3 =	vld [tilespmem:$0x10];
	_ =	sdelay $0x4  }
0x3d: {  	v63 =	vshrl.u32 v3, $0x3  }
0x3e: {  	v4 =	vmul.u32 $0x30, v63  }
0x3f: {  	v3 =	vand.u32 $0x7, v3  }
0x40: {  	v3 =	vor.u32 v3, v4  }
0x41: {  	v4 =	vperm.xlane v3, v0;
	_ =	sdelay $0x1  }
0x42: {  	v4 =	vadd.s32 v1, v4;
	_ =	sdelay $0x3  }
0x43: {  	s24 =	simm.s32 $0x3200;
	v3 =	vperm.xlane v3, v2  }
0x44: {  	[tilespmem:s24], [sflag:$0x1] =	stream.indirect_vreg.gather [hbm4b:s1+s4], $0x80, v4, vm0, $0xb8;
	[tilespmem:$0x18200] =	vst v63  }
0x45: {  	s25 =	simm.s32 $0x3A00;
	v3 =	vadd.s32 v1, v3  }
0x46: {  	[tilespmem:s25], [sflag:$0x1] =	stream.indirect_vreg.gather [hbm4b:s11+s4], $0x80, v4, vm0, $0xb8;
	[tilespmem:$0x18200] =	vst v63  }
0x47: {  	s26 =	simm.s32 $0x4200  }
0x48: {  	[tilespmem:s26], [sflag:$0x1] =	stream.indirect_vreg.gather [hbm4b:s12+s4], $0x80, v4, vm0, $0xb8;
	[tilespmem:$0x18200] =	vst v63  }
0x49: {  	s28 =	simm.s32 $0x4A00  }
0x4a: {  	[tilespmem:s28], [sflag:$0x1] =	stream.indirect_vreg.gather [hbm4b:s1+s4], $0x80, v3, vm0, $0xb8;
	[tilespmem:$0x18200] =	vst v63  }
0x4b: {  	s29 =	simm.s32 $0x5200  }
0x4c: {  	[tilespmem:s29], [sflag:$0x1] =	stream.indirect_vreg.gather [hbm4b:s11+s4], $0x80, v3, vm0, $0xb8;
	[tilespmem:$0x18200] =	vst v63  }
0x4d: {  	s30 =	simm.s32 $0x5A00;
	s31 =	simm.s32 $0x5  }
0x4e: {  	[tilespmem:s30], [sflag:$0x1] =	stream.indirect_vreg.gather [hbm4b:s12+s4], $0x80, v3, vm0, $0xb8;
	[tilespmem:$0x18200] =	vst v63  }
0x4f: {  	_ =	swait.ge [sflag:s31], $0xC000  }
0x50: {  	[sflag:s31] =	ssyncset.done $0x0  }
0x51: {  	s10 =	simm.s32 $0x0;
	[sflag:s31] =	ssyncadd.s32 $0xFFFF4000  }
.LBB2_2:
0x52: {  	p0 =	seq.s32 s10, $0x0  }
0x53: {  	s0 =	simm.s32 @!p0 $0x4  }
0x54: {  	_ =	swait.ge @!p0 [sflag:s0], $0x6000  }
0x55: {  	s2 =	sshll.u32 s10, $0x7;
	[sflag:s0] =	ssyncset.done @!p0 $0x0  }
0x56: {  	s2 =	sand.u32 $0x3FFFFF80, s2;
	[sflag:s0] =	ssyncadd.s32 @!p0 $0xFFFFA000  }
0x57: {  	v3 =	vld [tilespmem:s2+$0x20];
	_ =	sdelay $0x4  }
0x58: {  	v4 =	vshrl.u32 v3, $0x3  }
0x59: {  	v4 =	vmul.u32 $0x30, v4  }
0x5a: {  	v3 =	vand.u32 $0x7, v3  }
0x5b: {  	v3 =	vor.u32 v3, v4  }
0x5c: {  	v4 =	vperm.xlane v3, v0;
	_ =	sdelay $0x1  }
0x5d: {  	v4 =	vadd.s32 v1, v4;
	_ =	sdelay $0x3  }
0x5e: {  	s0 =	simm.s32 $0x0;
	v3 =	vperm.xlane v3, v2  }
0x5f: {  	[tilespmem:s3], [sflag:$0x2] =	stream.indirect_vreg.gather [hbm4b:s1+s0], $0x80, v4, vm0, $0xb8;
	[tilespmem:$0x18200] =	vst v63  }
0x60: {  	s5 =	simm.s32 $0x6A00;
	v3 =	vadd.s32 v1, v3  }
0x61: {  	[tilespmem:s5], [sflag:$0x2] =	stream.indirect_vreg.gather [hbm4b:s11+s0], $0x80, v4, vm0, $0xb8;
	[tilespmem:$0x18200] =	vst v63  }
0x62: {  	s6 =	simm.s32 $0x7200  }
0x63: {  	[tilespmem:s6], [sflag:$0x2] =	stream.indirect_vreg.gather [hbm4b:s12+s0], $0x80, v4, vm0, $0xb8;
	[tilespmem:$0x18200] =	vst v63  }
0x64: {  	s7 =	simm.s32 $0x7A00  }
0x65: {  	[tilespmem:s7], [sflag:$0x2] =	stream.indirect_vreg.gather [hbm4b:s1+s0], $0x80, v3, vm0, $0xb8;
	[tilespmem:$0x18200] =	vst v63  }
0x66: {  	s8 =	simm.s32 $0x8200  }
0x67: {  	[tilespmem:s8], [sflag:$0x2] =	stream.indirect_vreg.gather [hbm4b:s11+s0], $0x80, v3, vm0, $0xb8;
	[tilespmem:$0x18200] =	vst v63  }
0x68: {  	s9 =	simm.s32 $0x8A00  }
0x69: {  	[tilespmem:s9], [sflag:$0x2] =	stream.indirect_vreg.gather [hbm4b:s12+s0], $0x80, v3, vm0, $0xb8;
	[tilespmem:$0x18200] =	vst v63  }
0x6a: {  	v3 =	vld [tilespmem:s2+$0x30];
	_ =	sdelay $0x4  }
0x6b: {  	v4 =	vshrl.u32 v3, $0x3  }
0x6c: {  	v4 =	vmul.u32 $0x30, v4  }
0x6d: {  	v3 =	vand.u32 $0x7, v3  }
0x6e: {  	v3 =	vor.u32 v3, v4  }
0x6f: {  	v4 =	vperm.xlane v3, v0;
	_ =	sdelay $0x1  }
0x70: {  	v4 =	vadd.s32 v1, v4;
	_ =	sdelay $0x3  }
0x71: {  	s14 =	simm.s32 $0x9200;
	v3 =	vperm.xlane v3, v2  }
0x72: {  	[tilespmem:s14], [sflag:$0x2] =	stream.indirect_vreg.gather [hbm4b:s1+s0], $0x80, v4, vm0, $0xb8;
	[tilespmem:$0x18200] =	vst v63  }
0x73: {  	s15 =	simm.s32 $0x9A00;
	v3 =	vadd.s32 v1, v3  }
0x74: {  	[tilespmem:s15], [sflag:$0x2] =	stream.indirect_vreg.gather [hbm4b:s11+s0], $0x80, v4, vm0, $0xb8;
	[tilespmem:$0x18200] =	vst v63  }
0x75: {  	s16 =	simm.s32 $0xA200  }
0x76: {  	[tilespmem:s16], [sflag:$0x2] =	stream.indirect_vreg.gather [hbm4b:s12+s0], $0x80, v4, vm0, $0xb8;
	[tilespmem:$0x18200] =	vst v63  }
0x77: {  	s17 =	simm.s32 $0xAA00  }
0x78: {  	[tilespmem:s17], [sflag:$0x2] =	stream.indirect_vreg.gather [hbm4b:s1+s0], $0x80, v3, vm0, $0xb8;
	[tilespmem:$0x18200] =	vst v63  }
0x79: {  	s18 =	simm.s32 $0xB200  }
0x7a: {  	[tilespmem:s18], [sflag:$0x2] =	stream.indirect_vreg.gather [hbm4b:s11+s0], $0x80, v3, vm0, $0xb8;
	[tilespmem:$0x18200] =	vst v63  }
0x7b: {  	s19 =	simm.s32 $0xBA00;
	s20 =	simm.s32 $0x0;
	s21 =	simm.s32 $0x1  }
0x7c: {  	[tilespmem:s19], [sflag:$0x2] =	stream.indirect_vreg.gather [hbm4b:s12+s0], $0x80, v3, vm0, $0xb8;
	[tilespmem:$0x18200] =	vst v63  }
0x7d: {  	s22 =	sand.u32 $0x300, s0;
	s6 =	smul.u32 $0x1800, s20;
	_ =	swait.ge [sflag:s21], $0x6000  }
0x7e: {  	s7 =	sor.u32 $0x80, s22;
	[sflag:s21] =	ssyncset.done $0x0  }
0x7f: {  	s23 =	sor.u32 s6, s7;
	[sflag:s21] =	ssyncadd.s32 $0xFFFFA000  }
0x80: {  	v3 =	vld [tilespmem:s23+$0xC200]  }
0x81: {  	v4 =	vld [tilespmem:s23+$0xC210]  }
0x82: {  	v5 =	vld [tilespmem:s23+$0xC220]  }
0x83: {  	v6 =	vld [tilespmem:s23+$0xC230]  }
0x84: {  	v7 =	vld [tilespmem:s23+$0xC240]  }
0x85: {  	v8 =	vld [tilespmem:s23+$0xC250]  }
0x86: {  	v9 =	vld [tilespmem:s23+$0xC260]  }
0x87: {  	v10 =	vld [tilespmem:s23+$0xC270]  }
0x88: {  	v11 =	vld [tilespmem:s23+$0xC600]  }
0x89: {  	v12 =	vld [tilespmem:s23+$0xC610]  }
0x8a: {  	v13 =	vld [tilespmem:s23+$0xC620]  }
0x8b: {  	v14 =	vld [tilespmem:s23+$0xC630]  }
0x8c: {  	v15 =	vld [tilespmem:s23+$0xC640]  }
0x8d: {  	v16 =	vld [tilespmem:s23+$0xC650]  }
0x8e: {  	v17 =	vld [tilespmem:s23+$0xC660]  }
0x8f: {  	s28 =	sor.u32 s22, s6;
	v18 =	vld [tilespmem:s23+$0xC670]  }
0x90: {  	v52 =	vld [tilespmem:s28+$0xC260]  }
0x91: {  	v53 =	vld [tilespmem:s28+$0xC270]  }
0x92: {  	v54 =	vld [tilespmem:s28+$0xC600]  }
0x93: {  	v55 =	vld [tilespmem:s28+$0xC610]  }
0x94: {  	v56 =	vld [tilespmem:s28+$0xC620]  }
0x95: {  	v57 =	vld [tilespmem:s28+$0xC630]  }
0x96: {  	v58 =	vld [tilespmem:s28+$0xC640]  }
0x97: {  	v59 =	vld [tilespmem:s28+$0xC650]  }
0x98: {  	v60 =	vld [tilespmem:s28+$0xC660]  }
0x99: {  	v61 =	vld [tilespmem:s28+$0xC670]  }
0x9a: {  	[tilespmem:s23+$0x200] =	vst.add.f32.msk $0xffff, v3  }
0x9b: {  	[tilespmem:s23+$0x210] =	vst.add.f32.msk $0xffff, v4  }
0x9c: {  	[tilespmem:s23+$0x220] =	vst.add.f32.msk $0xffff, v5  }
0x9d: {  	[tilespmem:s23+$0x230] =	vst.add.f32.msk $0xffff, v6  }
0x9e: {  	[tilespmem:s23+$0x240] =	vst.add.f32.msk $0xffff, v7  }
0x9f: {  	[tilespmem:s23+$0x250] =	vst.add.f32.msk $0xffff, v8  }
0xa0: {  	[tilespmem:s23+$0x260] =	vst.add.f32.msk $0xffff, v9  }
0xa1: {  	[tilespmem:s23+$0x270] =	vst.add.f32.msk $0xffff, v10  }
0xa2: {  	[tilespmem:s23+$0x600] =	vst.add.f32.msk $0xffff, v11  }
0xa3: {  	[tilespmem:s23+$0x610] =	vst.add.f32.msk $0xffff, v12  }
0xa4: {  	[tilespmem:s23+$0x620] =	vst.add.f32.msk $0xffff, v13  }
0xa5: {  	[tilespmem:s23+$0x630] =	vst.add.f32.msk $0xffff, v14  }
0xa6: {  	[tilespmem:s23+$0x640] =	vst.add.f32.msk $0xffff, v15  }
0xa7: {  	[tilespmem:s23+$0x650] =	vst.add.f32.msk $0xffff, v16  }
0xa8: {  	[tilespmem:s23+$0x660] =	vst.add.f32.msk $0xffff, v17  }
0xa9: {  	[tilespmem:s23+$0x670] =	vst.add.f32.msk $0xffff, v18  }
0xaa: {  	[tilespmem:s28+$0x260] =	vst.add.f32.msk $0xffff, v52  }
0xab: {  	[tilespmem:s28+$0x270] =	vst.add.f32.msk $0xffff, v53  }
0xac: {  	[tilespmem:s28+$0x600] =	vst.add.f32.msk $0xffff, v54  }
0xad: {  	[tilespmem:s28+$0x610] =	vst.add.f32.msk $0xffff, v55  }
0xae: {  	[tilespmem:s28+$0x620] =	vst.add.f32.msk $0xffff, v56  }
0xaf: {  	[tilespmem:s28+$0x630] =	vst.add.f32.msk $0xffff, v57  }
0xb0: {  	[tilespmem:s28+$0x640] =	vst.add.f32.msk $0xffff, v58  }
0xb1: {  	[tilespmem:s28+$0x650] =	vst.add.f32.msk $0xffff, v59  }
0xb2: {  	s8 =	sadd.s32 $0x800, s6;
	[tilespmem:s28+$0x660] =	vst.add.f32.msk $0xffff, v60  }
0xb3: {  	s24 =	sor.u32 s7, s8;
	[tilespmem:s28+$0x670] =	vst.add.f32.msk $0xffff, v61  }
0xb4: {  	v3 =	vld [tilespmem:s24+$0xC200]  }
0xb5: {  	v4 =	vld [tilespmem:s24+$0xC210]  }
0xb6: {  	v5 =	vld [tilespmem:s24+$0xC220]  }
0xb7: {  	v6 =	vld [tilespmem:s24+$0xC230]  }
0xb8: {  	v7 =	vld [tilespmem:s24+$0xC240]  }
0xb9: {  	v8 =	vld [tilespmem:s24+$0xC250]  }
0xba: {  	v9 =	vld [tilespmem:s24+$0xC260]  }
0xbb: {  	v10 =	vld [tilespmem:s24+$0xC270]  }
0xbc: {  	[tilespmem:s24+$0x200] =	vst.add.f32.msk $0xffff, v3  }
0xbd: {  	[tilespmem:s24+$0x210] =	vst.add.f32.msk $0xffff, v4  }
0xbe: {  	[tilespmem:s24+$0x220] =	vst.add.f32.msk $0xffff, v5  }
0xbf: {  	[tilespmem:s24+$0x230] =	vst.add.f32.msk $0xffff, v6  }
0xc0: {  	[tilespmem:s24+$0x240] =	vst.add.f32.msk $0xffff, v7  }
0xc1: {  	[tilespmem:s24+$0x250] =	vst.add.f32.msk $0xffff, v8  }
0xc2: {  	s14 =	sadd.s32 $0xC00, s6;
	[tilespmem:s24+$0x260] =	vst.add.f32.msk $0xffff, v9  }
0xc3: {  	s25 =	sor.u32 s7, s14;
	[tilespmem:s24+$0x270] =	vst.add.f32.msk $0xffff, v10  }
0xc4: {  	v3 =	vld [tilespmem:s25+$0xC200]  }
0xc5: {  	v4 =	vld [tilespmem:s25+$0xC210]  }
0xc6: {  	v5 =	vld [tilespmem:s25+$0xC220]  }
0xc7: {  	v6 =	vld [tilespmem:s25+$0xC230]  }
0xc8: {  	v7 =	vld [tilespmem:s25+$0xC240]  }
0xc9: {  	v8 =	vld [tilespmem:s25+$0xC250]  }
0xca: {  	v9 =	vld [tilespmem:s25+$0xC260]  }
0xcb: {  	v10 =	vld [tilespmem:s25+$0xC270]  }
0xcc: {  	[tilespmem:s25+$0x200] =	vst.add.f32.msk $0xffff, v3  }
0xcd: {  	[tilespmem:s25+$0x210] =	vst.add.f32.msk $0xffff, v4  }
0xce: {  	[tilespmem:s25+$0x220] =	vst.add.f32.msk $0xffff, v5  }
0xcf: {  	[tilespmem:s25+$0x230] =	vst.add.f32.msk $0xffff, v6  }
0xd0: {  	[tilespmem:s25+$0x240] =	vst.add.f32.msk $0xffff, v7  }
0xd1: {  	[tilespmem:s25+$0x250] =	vst.add.f32.msk $0xffff, v8  }
0xd2: {  	s9 =	sadd.s32 $0x1000, s6;
	[tilespmem:s25+$0x260] =	vst.add.f32.msk $0xffff, v9  }
0xd3: {  	s26 =	sor.u32 s7, s9;
	[tilespmem:s25+$0x270] =	vst.add.f32.msk $0xffff, v10  }
0xd4: {  	v3 =	vld [tilespmem:s26+$0xC200]  }
0xd5: {  	v4 =	vld [tilespmem:s26+$0xC210]  }
0xd6: {  	v5 =	vld [tilespmem:s26+$0xC220]  }
0xd7: {  	v6 =	vld [tilespmem:s26+$0xC230]  }
0xd8: {  	v7 =	vld [tilespmem:s26+$0xC240]  }
0xd9: {  	v8 =	vld [tilespmem:s26+$0xC250]  }
0xda: {  	v9 =	vld [tilespmem:s26+$0xC260]  }
0xdb: {  	v10 =	vld [tilespmem:s26+$0xC270]  }
0xdc: {  	[tilespmem:s26+$0x200] =	vst.add.f32.msk $0xffff, v3  }
0xdd: {  	[tilespmem:s26+$0x210] =	vst.add.f32.msk $0xffff, v4  }
0xde: {  	[tilespmem:s26+$0x220] =	vst.add.f32.msk $0xffff, v5  }
0xdf: {  	[tilespmem:s26+$0x230] =	vst.add.f32.msk $0xffff, v6  }
0xe0: {  	[tilespmem:s26+$0x240] =	vst.add.f32.msk $0xffff, v7  }
0xe1: {  	[tilespmem:s26+$0x250] =	vst.add.f32.msk $0xffff, v8  }
0xe2: {  	[tilespmem:s26+$0x260] =	vst.add.f32.msk $0xffff, v9  }
0xe3: {  	[tilespmem:s26+$0x270] =	vst.add.f32.msk $0xffff, v10  }
0xe4: {  	v3 =	vld [tilespmem:s28+$0xC200]  }
0xe5: {  	v4 =	vld [tilespmem:s28+$0xC210]  }
0xe6: {  	v5 =	vld [tilespmem:s28+$0xC220]  }
0xe7: {  	v6 =	vld [tilespmem:s28+$0xC230]  }
0xe8: {  	s5 =	sadd.s32 $0x1400, s6;
	v7 =	vld [tilespmem:s28+$0xC240]  }
0xe9: {  	s6 =	sor.u32 s7, s5;
	v8 =	vld [tilespmem:s28+$0xC250]  }
0xea: {  	v62 =	vld [tilespmem:s6+$0xC200]  }
0xeb: {  	v63 =	vld [tilespmem:s6+$0xC210]  }
0xec: {  	[tilespmem:s28+$0x200] =	vst.add.f32.msk $0xffff, v3  }
0xed: {  	[tilespmem:s28+$0x210] =	vst.add.f32.msk $0xffff, v4  }
0xee: {  	[tilespmem:s28+$0x220] =	vst.add.f32.msk $0xffff, v5  }
0xef: {  	[tilespmem:s28+$0x230] =	vst.add.f32.msk $0xffff, v6  }
0xf0: {  	[tilespmem:s28+$0x240] =	vst.add.f32.msk $0xffff, v7  }
0xf1: {  	s29 =	sor.u32 s22, s8;
	[tilespmem:s28+$0x250] =	vst.add.f32.msk $0xffff, v8  }
0xf2: {  	v3 =	vld [tilespmem:s29+$0xC200]  }
0xf3: {  	v4 =	vld [tilespmem:s29+$0xC210]  }
0xf4: {  	v5 =	vld [tilespmem:s29+$0xC220]  }
0xf5: {  	v6 =	vld [tilespmem:s29+$0xC230]  }
0xf6: {  	v7 =	vld [tilespmem:s29+$0xC240]  }
0xf7: {  	v8 =	vld [tilespmem:s29+$0xC250]  }
0xf8: {  	v9 =	vld [tilespmem:s29+$0xC260]  }
0xf9: {  	v10 =	vld [tilespmem:s29+$0xC270]  }
0xfa: {  	[tilespmem:s6+$0x200] =	vst.add.f32.msk $0xffff, v62  }
0xfb: {  	[tilespmem:s6+$0x210] =	vst.add.f32.msk $0xffff, v63  }
0xfc: {  	[tilespmem:s29+$0x200] =	vst.add.f32.msk $0xffff, v3  }
0xfd: {  	[tilespmem:s29+$0x210] =	vst.add.f32.msk $0xffff, v4  }
0xfe: {  	[tilespmem:s29+$0x220] =	vst.add.f32.msk $0xffff, v5  }
0xff: {  	[tilespmem:s29+$0x230] =	vst.add.f32.msk $0xffff, v6  }
0x100: {  	[tilespmem:s29+$0x240] =	vst.add.f32.msk $0xffff, v7  }
0x101: {  	[tilespmem:s29+$0x250] =	vst.add.f32.msk $0xffff, v8  }
0x102: {  	[tilespmem:s29+$0x260] =	vst.add.f32.msk $0xffff, v9  }
0x103: {  	s30 =	sor.u32 s22, s14;
	[tilespmem:s29+$0x270] =	vst.add.f32.msk $0xffff, v10  }
0x104: {  	v3 =	vld [tilespmem:s30+$0xC200]  }
0x105: {  	v4 =	vld [tilespmem:s30+$0xC210]  }
0x106: {  	v5 =	vld [tilespmem:s30+$0xC220]  }
0x107: {  	v6 =	vld [tilespmem:s30+$0xC230]  }
0x108: {  	v7 =	vld [tilespmem:s30+$0xC240]  }
0x109: {  	v8 =	vld [tilespmem:s30+$0xC250]  }
0x10a: {  	v9 =	vld [tilespmem:s30+$0xC260]  }
0x10b: {  	v10 =	vld [tilespmem:s30+$0xC270]  }
0x10c: {  	[tilespmem:s30+$0x200] =	vst.add.f32.msk $0xffff, v3  }
0x10d: {  	[tilespmem:s30+$0x210] =	vst.add.f32.msk $0xffff, v4  }
0x10e: {  	[tilespmem:s30+$0x220] =	vst.add.f32.msk $0xffff, v5  }
0x10f: {  	[tilespmem:s30+$0x230] =	vst.add.f32.msk $0xffff, v6  }
0x110: {  	[tilespmem:s30+$0x240] =	vst.add.f32.msk $0xffff, v7  }
0x111: {  	[tilespmem:s30+$0x250] =	vst.add.f32.msk $0xffff, v8  }
0x112: {  	[tilespmem:s30+$0x260] =	vst.add.f32.msk $0xffff, v9  }
0x113: {  	[tilespmem:s30+$0x270] =	vst.add.f32.msk $0xffff, v10  }
0x114: {  	s31 =	sor.u32 s22, s9;
	v3 =	vld [tilespmem:s6+$0xC270]  }
0x115: {  	v4 =	vld [tilespmem:s31+$0xC200]  }
0x116: {  	v5 =	vld [tilespmem:s31+$0xC210]  }
0x117: {  	v6 =	vld [tilespmem:s31+$0xC220]  }
0x118: {  	v7 =	vld [tilespmem:s31+$0xC230]  }
0x119: {  	v8 =	vld [tilespmem:s31+$0xC240]  }
0x11a: {  	v9 =	vld [tilespmem:s31+$0xC250]  }
0x11b: {  	v10 =	vld [tilespmem:s31+$0xC260]  }
0x11c: {  	v11 =	vld [tilespmem:s31+$0xC270]  }
0x11d: {  	[tilespmem:s6+$0x270] =	vst.add.f32.msk $0xffff, v3  }
0x11e: {  	v3 =	vld [tilespmem:s6+$0xC260]  }
0x11f: {  	[tilespmem:s31+$0x200] =	vst.add.f32.msk $0xffff, v4  }
0x120: {  	[tilespmem:s31+$0x210] =	vst.add.f32.msk $0xffff, v5  }
0x121: {  	[tilespmem:s31+$0x220] =	vst.add.f32.msk $0xffff, v6  }
0x122: {  	[tilespmem:s31+$0x230] =	vst.add.f32.msk $0xffff, v7  }
0x123: {  	[tilespmem:s31+$0x240] =	vst.add.f32.msk $0xffff, v8  }
0x124: {  	[tilespmem:s31+$0x250] =	vst.add.f32.msk $0xffff, v9  }
0x125: {  	[tilespmem:s31+$0x260] =	vst.add.f32.msk $0xffff, v10  }
0x126: {  	[tilespmem:s31+$0x270] =	vst.add.f32.msk $0xffff, v11  }
0x127: {  	v7 =	vld [tilespmem:s6+$0xC220]  }
0x128: {  	v6 =	vld [tilespmem:s6+$0xC230]  }
0x129: {  	v5 =	vld [tilespmem:s6+$0xC240]  }
0x12a: {  	s2 =	sor.u32 s22, s5;
	v4 =	vld [tilespmem:s6+$0xC250]  }
0x12b: {  	v8 =	vld [tilespmem:s2+$0xC200]  }
0x12c: {  	v9 =	vld [tilespmem:s2+$0xC210]  }
0x12d: {  	v10 =	vld [tilespmem:s2+$0xC220]  }
0x12e: {  	v11 =	vld [tilespmem:s2+$0xC230]  }
0x12f: {  	v12 =	vld [tilespmem:s2+$0xC240]  }
0x130: {  	v13 =	vld [tilespmem:s2+$0xC250]  }
0x131: {  	v14 =	vld [tilespmem:s2+$0xC260]  }
0x132: {  	v15 =	vld [tilespmem:s2+$0xC270]  }
0x133: {  	[tilespmem:s2+$0x200] =	vst.add.f32.msk $0xffff, v8  }
0x134: {  	[tilespmem:s2+$0x210] =	vst.add.f32.msk $0xffff, v9  }
0x135: {  	[tilespmem:s2+$0x220] =	vst.add.f32.msk $0xffff, v10  }
0x136: {  	[tilespmem:s2+$0x230] =	vst.add.f32.msk $0xffff, v11  }
0x137: {  	[tilespmem:s2+$0x240] =	vst.add.f32.msk $0xffff, v12  }
0x138: {  	[tilespmem:s2+$0x250] =	vst.add.f32.msk $0xffff, v13  }
0x139: {  	[tilespmem:s2+$0x260] =	vst.add.f32.msk $0xffff, v14  }
0x13a: {  	[tilespmem:s2+$0x270] =	vst.add.f32.msk $0xffff, v15;
	s2 =	simm.s32 $0x0  }
.LBB2_3:
0x13b: {  	s2 =	sadd.s32 $0x2, s2;
	[tilespmem:s6+$0x220] =	vst.add.f32.msk $0xffff, v7  }
0x13c: {  	s0 =	sadd.s32 $0x100, s0;
	s3 =	sshrl.u32 s2, $0x3;
	p0 =	slt.u32 s2, $0x1E;
	[tilespmem:s6+$0x230] =	vst.add.f32.msk $0xffff, v6  }
0x13d: {  	s8 =	sand.u32 $0x300, s0;
	s18 =	smul.u32 $0x1800, s3;
	[tilespmem:s6+$0x240] =	vst.add.f32.msk $0xffff, v5  }
0x13e: {  	s17 =	sor.u32 $0x80, s8;
	[tilespmem:s6+$0x250] =	vst.add.f32.msk $0xffff, v4  }
0x13f: {  	s7 =	sor.u32 s8, s18;
	s3 =	sor.u32 s18, s17;
	[tilespmem:s6+$0x260] =	vst.add.f32.msk $0xffff, v3  }
0x140: {  	v3 =	vld [tilespmem:s3+$0xC200]  }
0x141: {  	v4 =	vld [tilespmem:s3+$0xC210]  }
0x142: {  	v5 =	vld [tilespmem:s3+$0xC220]  }
0x143: {  	v6 =	vld [tilespmem:s3+$0xC230]  }
0x144: {  	v7 =	vld [tilespmem:s3+$0xC240]  }
0x145: {  	v8 =	vld [tilespmem:s3+$0xC250]  }
0x146: {  	v9 =	vld [tilespmem:s3+$0xC260]  }
0x147: {  	v10 =	vld [tilespmem:s3+$0xC270]  }
0x148: {  	v11 =	vld [tilespmem:s3+$0xC600]  }
0x149: {  	v12 =	vld [tilespmem:s3+$0xC610]  }
0x14a: {  	v13 =	vld [tilespmem:s3+$0xC620]  }
0x14b: {  	v14 =	vld [tilespmem:s3+$0xC630]  }
0x14c: {  	v15 =	vld [tilespmem:s3+$0xC640]  }
0x14d: {  	v16 =	vld [tilespmem:s3+$0xC650]  }
0x14e: {  	v17 =	vld [tilespmem:s3+$0xC660]  }
0x14f: {  	v18 =	vld [tilespmem:s3+$0xC670]  }
0x150: {  	[tilespmem:s3+$0x200] =	vst.add.f32.msk $0xffff, v3  }
0x151: {  	[tilespmem:s3+$0x210] =	vst.add.f32.msk $0xffff, v4  }
0x152: {  	[tilespmem:s3+$0x220] =	vst.add.f32.msk $0xffff, v5  }
0x153: {  	[tilespmem:s3+$0x230] =	vst.add.f32.msk $0xffff, v6  }
0x154: {  	[tilespmem:s3+$0x240] =	vst.add.f32.msk $0xffff, v7  }
0x155: {  	[tilespmem:s3+$0x250] =	vst.add.f32.msk $0xffff, v8  }
0x156: {  	[tilespmem:s3+$0x260] =	vst.add.f32.msk $0xffff, v9  }
0x157: {  	[tilespmem:s3+$0x270] =	vst.add.f32.msk $0xffff, v10  }
0x158: {  	[tilespmem:s3+$0x600] =	vst.add.f32.msk $0xffff, v11  }
0x159: {  	[tilespmem:s3+$0x610] =	vst.add.f32.msk $0xffff, v12  }
0x15a: {  	[tilespmem:s3+$0x620] =	vst.add.f32.msk $0xffff, v13  }
0x15b: {  	[tilespmem:s3+$0x630] =	vst.add.f32.msk $0xffff, v14  }
0x15c: {  	[tilespmem:s3+$0x640] =	vst.add.f32.msk $0xffff, v15  }
0x15d: {  	[tilespmem:s3+$0x650] =	vst.add.f32.msk $0xffff, v16  }
0x15e: {  	s5 =	sadd.s32 $0x800, s18;
	[tilespmem:s3+$0x660] =	vst.add.f32.msk $0xffff, v17  }
0x15f: {  	s9 =	sor.u32 s8, s5;
	[tilespmem:s3+$0x670] =	vst.add.f32.msk $0xffff, v18;
	s3 =	sor.u32 s17, s5  }
0x160: {  	v3 =	vld [tilespmem:s3+$0xC200]  }
0x161: {  	v4 =	vld [tilespmem:s3+$0xC210]  }
0x162: {  	v5 =	vld [tilespmem:s3+$0xC220]  }
0x163: {  	v6 =	vld [tilespmem:s3+$0xC230]  }
0x164: {  	v7 =	vld [tilespmem:s3+$0xC240]  }
0x165: {  	v8 =	vld [tilespmem:s3+$0xC250]  }
0x166: {  	v9 =	vld [tilespmem:s3+$0xC260]  }
0x167: {  	v10 =	vld [tilespmem:s3+$0xC270]  }
0x168: {  	[tilespmem:s3+$0x200] =	vst.add.f32.msk $0xffff, v3  }
0x169: {  	[tilespmem:s3+$0x210] =	vst.add.f32.msk $0xffff, v4  }
0x16a: {  	[tilespmem:s3+$0x220] =	vst.add.f32.msk $0xffff, v5  }
0x16b: {  	[tilespmem:s3+$0x230] =	vst.add.f32.msk $0xffff, v6  }
0x16c: {  	[tilespmem:s3+$0x240] =	vst.add.f32.msk $0xffff, v7  }
0x16d: {  	[tilespmem:s3+$0x250] =	vst.add.f32.msk $0xffff, v8  }
0x16e: {  	s5 =	sadd.s32 $0xC00, s18;
	[tilespmem:s3+$0x260] =	vst.add.f32.msk $0xffff, v9  }
0x16f: {  	s14 =	sor.u32 s8, s5;
	[tilespmem:s3+$0x270] =	vst.add.f32.msk $0xffff, v10;
	s3 =	sor.u32 s17, s5  }
0x170: {  	v3 =	vld [tilespmem:s3+$0xC200]  }
0x171: {  	v4 =	vld [tilespmem:s3+$0xC210]  }
0x172: {  	v5 =	vld [tilespmem:s3+$0xC220]  }
0x173: {  	v6 =	vld [tilespmem:s3+$0xC230]  }
0x174: {  	v7 =	vld [tilespmem:s3+$0xC240]  }
0x175: {  	v8 =	vld [tilespmem:s3+$0xC250]  }
0x176: {  	v9 =	vld [tilespmem:s3+$0xC260]  }
0x177: {  	v10 =	vld [tilespmem:s3+$0xC270]  }
0x178: {  	[tilespmem:s3+$0x200] =	vst.add.f32.msk $0xffff, v3  }
0x179: {  	[tilespmem:s3+$0x210] =	vst.add.f32.msk $0xffff, v4  }
0x17a: {  	[tilespmem:s3+$0x220] =	vst.add.f32.msk $0xffff, v5  }
0x17b: {  	[tilespmem:s3+$0x230] =	vst.add.f32.msk $0xffff, v6  }
0x17c: {  	[tilespmem:s3+$0x240] =	vst.add.f32.msk $0xffff, v7  }
0x17d: {  	[tilespmem:s3+$0x250] =	vst.add.f32.msk $0xffff, v8  }
0x17e: {  	s5 =	sadd.s32 $0x1000, s18;
	[tilespmem:s3+$0x260] =	vst.add.f32.msk $0xffff, v9  }
0x17f: {  	s16 =	sor.u32 s8, s5;
	[tilespmem:s3+$0x270] =	vst.add.f32.msk $0xffff, v10;
	s3 =	sor.u32 s17, s5  }
0x180: {  	v3 =	vld [tilespmem:s3+$0xC200]  }
0x181: {  	v4 =	vld [tilespmem:s3+$0xC210]  }
0x182: {  	v5 =	vld [tilespmem:s3+$0xC220]  }
0x183: {  	v6 =	vld [tilespmem:s3+$0xC230]  }
0x184: {  	v7 =	vld [tilespmem:s3+$0xC240]  }
0x185: {  	v8 =	vld [tilespmem:s3+$0xC250]  }
0x186: {  	v9 =	vld [tilespmem:s3+$0xC260]  }
0x187: {  	v10 =	vld [tilespmem:s3+$0xC270]  }
0x188: {  	[tilespmem:s3+$0x200] =	vst.add.f32.msk $0xffff, v3  }
0x189: {  	[tilespmem:s3+$0x210] =	vst.add.f32.msk $0xffff, v4  }
0x18a: {  	[tilespmem:s3+$0x220] =	vst.add.f32.msk $0xffff, v5  }
0x18b: {  	[tilespmem:s3+$0x230] =	vst.add.f32.msk $0xffff, v6  }
0x18c: {  	[tilespmem:s3+$0x240] =	vst.add.f32.msk $0xffff, v7  }
0x18d: {  	[tilespmem:s3+$0x250] =	vst.add.f32.msk $0xffff, v8  }
0x18e: {  	s5 =	sadd.s32 $0x1400, s18;
	[tilespmem:s3+$0x260] =	vst.add.f32.msk $0xffff, v9  }
0x18f: {  	s8 =	sor.u32 s8, s5;
	s6 =	sor.u32 s17, s5;
	[tilespmem:s3+$0x270] =	vst.add.f32.msk $0xffff, v10  }
0x190: {  	v3 =	vld [tilespmem:s6+$0xC270]  }
0x191: {  	v4 =	vld [tilespmem:s7+$0xC200]  }
0x192: {  	v5 =	vld [tilespmem:s7+$0xC210]  }
0x193: {  	v6 =	vld [tilespmem:s7+$0xC220]  }
0x194: {  	v7 =	vld [tilespmem:s7+$0xC230]  }
0x195: {  	[tilespmem:s6+$0x270] =	vst.add.f32.msk $0xffff, v3  }
0x196: {  	v3 =	vld [tilespmem:s7+$0xC240]  }
0x197: {  	v8 =	vld [tilespmem:s7+$0xC250]  }
0x198: {  	v9 =	vld [tilespmem:s7+$0xC260]  }
0x199: {  	v10 =	vld [tilespmem:s7+$0xC270]  }
0x19a: {  	v11 =	vld [tilespmem:s7+$0xC600]  }
0x19b: {  	v12 =	vld [tilespmem:s7+$0xC610]  }
0x19c: {  	v13 =	vld [tilespmem:s7+$0xC620]  }
0x19d: {  	v14 =	vld [tilespmem:s7+$0xC630]  }
0x19e: {  	v15 =	vld [tilespmem:s7+$0xC640]  }
0x19f: {  	v16 =	vld [tilespmem:s7+$0xC650]  }
0x1a0: {  	v17 =	vld [tilespmem:s7+$0xC660]  }
0x1a1: {  	v18 =	vld [tilespmem:s7+$0xC670]  }
0x1a2: {  	[tilespmem:s7+$0x200] =	vst.add.f32.msk $0xffff, v4  }
0x1a3: {  	[tilespmem:s7+$0x210] =	vst.add.f32.msk $0xffff, v5  }
0x1a4: {  	[tilespmem:s7+$0x220] =	vst.add.f32.msk $0xffff, v6  }
0x1a5: {  	[tilespmem:s7+$0x230] =	vst.add.f32.msk $0xffff, v7  }
0x1a6: {  	[tilespmem:s7+$0x240] =	vst.add.f32.msk $0xffff, v3  }
0x1a7: {  	[tilespmem:s7+$0x250] =	vst.add.f32.msk $0xffff, v8  }
0x1a8: {  	[tilespmem:s7+$0x260] =	vst.add.f32.msk $0xffff, v9  }
0x1a9: {  	[tilespmem:s7+$0x270] =	vst.add.f32.msk $0xffff, v10  }
0x1aa: {  	[tilespmem:s7+$0x600] =	vst.add.f32.msk $0xffff, v11  }
0x1ab: {  	[tilespmem:s7+$0x610] =	vst.add.f32.msk $0xffff, v12  }
0x1ac: {  	[tilespmem:s7+$0x620] =	vst.add.f32.msk $0xffff, v13  }
0x1ad: {  	[tilespmem:s7+$0x630] =	vst.add.f32.msk $0xffff, v14  }
0x1ae: {  	[tilespmem:s7+$0x640] =	vst.add.f32.msk $0xffff, v15  }
0x1af: {  	[tilespmem:s7+$0x650] =	vst.add.f32.msk $0xffff, v16  }
0x1b0: {  	[tilespmem:s7+$0x660] =	vst.add.f32.msk $0xffff, v17  }
0x1b1: {  	[tilespmem:s7+$0x670] =	vst.add.f32.msk $0xffff, v18  }
0x1b2: {  	v3 =	vld [tilespmem:s9+$0xC200]  }
0x1b3: {  	v4 =	vld [tilespmem:s9+$0xC210]  }
0x1b4: {  	v5 =	vld [tilespmem:s9+$0xC220]  }
0x1b5: {  	v6 =	vld [tilespmem:s9+$0xC230]  }
0x1b6: {  	v7 =	vld [tilespmem:s9+$0xC240]  }
0x1b7: {  	v8 =	vld [tilespmem:s9+$0xC250]  }
0x1b8: {  	v9 =	vld [tilespmem:s9+$0xC260]  }
0x1b9: {  	v10 =	vld [tilespmem:s9+$0xC270]  }
0x1ba: {  	[tilespmem:s9+$0x200] =	vst.add.f32.msk $0xffff, v3  }
0x1bb: {  	[tilespmem:s9+$0x210] =	vst.add.f32.msk $0xffff, v4  }
0x1bc: {  	[tilespmem:s9+$0x220] =	vst.add.f32.msk $0xffff, v5  }
0x1bd: {  	[tilespmem:s9+$0x230] =	vst.add.f32.msk $0xffff, v6  }
0x1be: {  	[tilespmem:s9+$0x240] =	vst.add.f32.msk $0xffff, v7  }
0x1bf: {  	[tilespmem:s9+$0x250] =	vst.add.f32.msk $0xffff, v8  }
0x1c0: {  	[tilespmem:s9+$0x260] =	vst.add.f32.msk $0xffff, v9  }
0x1c1: {  	[tilespmem:s9+$0x270] =	vst.add.f32.msk $0xffff, v10  }
0x1c2: {  	v3 =	vld [tilespmem:s14+$0xC200]  }
0x1c3: {  	v4 =	vld [tilespmem:s14+$0xC210]  }
0x1c4: {  	v5 =	vld [tilespmem:s14+$0xC220]  }
0x1c5: {  	v6 =	vld [tilespmem:s14+$0xC230]  }
0x1c6: {  	v7 =	vld [tilespmem:s14+$0xC240]  }
0x1c7: {  	v8 =	vld [tilespmem:s14+$0xC250]  }
0x1c8: {  	v9 =	vld [tilespmem:s14+$0xC260]  }
0x1c9: {  	v10 =	vld [tilespmem:s14+$0xC270]  }
0x1ca: {  	[tilespmem:s14+$0x200] =	vst.add.f32.msk $0xffff, v3  }
0x1cb: {  	[tilespmem:s14+$0x210] =	vst.add.f32.msk $0xffff, v4  }
0x1cc: {  	[tilespmem:s14+$0x220] =	vst.add.f32.msk $0xffff, v5  }
0x1cd: {  	[tilespmem:s14+$0x230] =	vst.add.f32.msk $0xffff, v6  }
0x1ce: {  	[tilespmem:s14+$0x240] =	vst.add.f32.msk $0xffff, v7  }
0x1cf: {  	[tilespmem:s14+$0x250] =	vst.add.f32.msk $0xffff, v8  }
0x1d0: {  	[tilespmem:s14+$0x260] =	vst.add.f32.msk $0xffff, v9  }
0x1d1: {  	[tilespmem:s14+$0x270] =	vst.add.f32.msk $0xffff, v10  }
0x1d2: {  	v3 =	vld [tilespmem:s16+$0xC200]  }
0x1d3: {  	v4 =	vld [tilespmem:s16+$0xC210]  }
0x1d4: {  	v5 =	vld [tilespmem:s16+$0xC220]  }
0x1d5: {  	v6 =	vld [tilespmem:s16+$0xC230]  }
0x1d6: {  	v7 =	vld [tilespmem:s16+$0xC240]  }
0x1d7: {  	v8 =	vld [tilespmem:s16+$0xC250]  }
0x1d8: {  	v9 =	vld [tilespmem:s16+$0xC260]  }
0x1d9: {  	v10 =	vld [tilespmem:s16+$0xC270]  }
0x1da: {  	[tilespmem:s16+$0x200] =	vst.add.f32.msk $0xffff, v3  }
0x1db: {  	[tilespmem:s16+$0x210] =	vst.add.f32.msk $0xffff, v4  }
0x1dc: {  	[tilespmem:s16+$0x220] =	vst.add.f32.msk $0xffff, v5  }
0x1dd: {  	[tilespmem:s16+$0x230] =	vst.add.f32.msk $0xffff, v6  }
0x1de: {  	[tilespmem:s16+$0x240] =	vst.add.f32.msk $0xffff, v7  }
0x1df: {  	[tilespmem:s16+$0x250] =	vst.add.f32.msk $0xffff, v8  }
0x1e0: {  	[tilespmem:s16+$0x260] =	vst.add.f32.msk $0xffff, v9  }
0x1e1: {  	[tilespmem:s16+$0x270] =	vst.add.f32.msk $0xffff, v10  }
0x1e2: {  	v8 =	vld [tilespmem:s8+$0xC200]  }
0x1e3: {  	v9 =	vld [tilespmem:s8+$0xC210]  }
0x1e4: {  	v10 =	vld [tilespmem:s8+$0xC220]  }
0x1e5: {  	v11 =	vld [tilespmem:s8+$0xC230]  }
0x1e6: {  	v12 =	vld [tilespmem:s8+$0xC240]  }
0x1e7: {  	v13 =	vld [tilespmem:s8+$0xC250]  }
0x1e8: {  	v14 =	vld [tilespmem:s8+$0xC260]  }
0x1e9: {  	v15 =	vld [tilespmem:s8+$0xC270]  }
0x1ea: {  	v16 =	vld [tilespmem:s6+$0xC200]  }
0x1eb: {  	v17 =	vld [tilespmem:s6+$0xC210]  }
0x1ec: {  	v7 =	vld [tilespmem:s6+$0xC220]  }
0x1ed: {  	v6 =	vld [tilespmem:s6+$0xC230]  }
0x1ee: {  	v5 =	vld [tilespmem:s6+$0xC240]  }
0x1ef: {  	v4 =	vld [tilespmem:s6+$0xC250]  }
0x1f0: {  	v3 =	vld [tilespmem:s6+$0xC260]  }
0x1f1: {  	[tilespmem:s8+$0x200] =	vst.add.f32.msk $0xffff, v8  }
0x1f2: {  	[tilespmem:s8+$0x210] =	vst.add.f32.msk $0xffff, v9  }
0x1f3: {  	[tilespmem:s8+$0x220] =	vst.add.f32.msk $0xffff, v10  }
0x1f4: {  	[tilespmem:s8+$0x230] =	vst.add.f32.msk $0xffff, v11  }
0x1f5: {  	[tilespmem:s8+$0x240] =	vst.add.f32.msk $0xffff, v12  }
.Ltmp0:
0x1f6: {  	[tilespmem:s8+$0x250] =	vst.add.f32.msk $0xffff, v13;
	(pc) =	sbr.rel @p0 .LBB2_3-.Ltmp0, $4  }
0x1f7: {  	[tilespmem:s8+$0x260] =	vst.add.f32.msk $0xffff, v14  }
0x1f8: {  	[tilespmem:s8+$0x270] =	vst.add.f32.msk $0xffff, v15  }
0x1f9: {  	[tilespmem:s6+$0x200] =	vst.add.f32.msk $0xffff, v16  }
0x1fa: {  	[tilespmem:s6+$0x210] =	vst.add.f32.msk $0xffff, v17  }
0x1fb: {  	[tilespmem:s6+$0x220] =	vst.add.f32.msk $0xffff, v7  }
0x1fc: {  	[tilespmem:s6+$0x230] =	vst.add.f32.msk $0xffff, v6  }
0x1fd: {  	s9 =	smul.u32 $0x180000, s10;
	[tilespmem:s6+$0x240] =	vst.add.f32.msk $0xffff, v5  }
0x1fe: {  	s0 =	rddreg [dreg:$0x5]  }
0x1ff: {  	s0 =	sadd.s32 s0, s9  }
0x200: {  	[tilespmem:s6+$0x250] =	vst.add.f32.msk $0xffff, v4;
	s0 =	sshrl.u32 s0, $0x3  }
0x201: {  	s2 =	simm.s32 $0x200;
	p0 =	seq.s32 s10, $0x3;
	[tilespmem:s6+$0x260] =	vst.add.f32.msk $0xffff, v3;
	s0 =	sadd.s32 s13, s0  }
0x202: {  	[hbm4b:s0+s4] =	stream.linear.scatter [tilespmem:s2], [sflag:$0x3], $0x6000, $0x38;
	[tilespmem:$0x18200] =	vst v63  }
0x203: {  	s0 =	simm.s32 @!p0 $0x3  }
0x204: {  	s10 =	sadd.s32 $0x1, s10;
	_ =	swait.ge @!p0 [sflag:s0], $0x6000  }
0x205: {  	s2 =	sshll.u32 @!p0 s10, $0x7;
	[sflag:s0] =	ssyncset.done @!p0 $0x0  }
0x206: {  	[sflag:s0] =	ssyncadd.s32 @!p0 $0xFFFFA000;
	s0 =	sand.u32 @!p0 $0x3FFFFF80, s2  }
0x207: {  	v3 =	vld @!p0 [tilespmem:s0+$0x0];
	_ =	sdelay $0x4  }
0x208: {  	v4 =	vshrl.u32 @!p0 v3, $0x3  }
0x209: {  	v4 =	vmul.u32 @!p0 $0x30, v4  }
0x20a: {  	v5 =	vlaneseq.u32 @!p0;
	v3 =	vand.u32 @!p0 $0x7, v3  }
0x20b: {  	v6 =	vshrl.u32 @!p0 v5, $0x3;
	v3 =	vor.u32 @!p0 v3, v4;
	v4 =	vand.u32 @!p0 $0x7, v5  }
0x20c: {  	v6 =	vmul.u32 @!p0 $0x8, v6;
	v7 =	vperm.xlane @!p0 v3, v4;
	_ =	sdelay $0x1  }
0x20d: {  	v7 =	vadd.s32 @!p0 v6, v7;
	_ =	sdelay $0x2  }
0x20e: {  	v5 =	vor.u32 @!p0 $0x8, v5  }
0x20f: {  	vm1 =	vmmov @!p0 $0xffff;
	s3 =	simm.s32 @!p0 $0x200;
	s2 =	simm.s32 @!p0 $0x0;
	v3 =	vperm.xlane @!p0 v3, v5  }
0x210: {  	[tilespmem:s3], [sflag:$0x1] =	stream.indirect_vreg.gather @!p0 [hbm4b:s1+s2], $0x80, v7, vm1, $0xb8;
	[tilespmem:$0x18200] =	vst v63  }
0x211: {  	v3 =	vadd.s32 @!p0 v6, v3;
	s3 =	simm.s32 @!p0 $0xA00  }
0x212: {  	[tilespmem:s3], [sflag:$0x1] =	stream.indirect_vreg.gather @!p0 [hbm4b:s11+s2], $0x80, v7, vm1, $0xb8;
	[tilespmem:$0x18200] =	vst v63  }
0x213: {  	s3 =	simm.s32 @!p0 $0x1200  }
0x214: {  	[tilespmem:s3], [sflag:$0x1] =	stream.indirect_vreg.gather @!p0 [hbm4b:s12+s2], $0x80, v7, vm1, $0xb8;
	[tilespmem:$0x18200] =	vst v63  }
0x215: {  	s3 =	simm.s32 @!p0 $0x1A00  }
0x216: {  	[tilespmem:s3], [sflag:$0x1] =	stream.indirect_vreg.gather @!p0 [hbm4b:s1+s2], $0x80, v3, vm1, $0xb8;
	[tilespmem:$0x18200] =	vst v63  }
0x217: {  	s3 =	simm.s32 @!p0 $0x2200  }
0x218: {  	[tilespmem:s3], [sflag:$0x1] =	stream.indirect_vreg.gather @!p0 [hbm4b:s11+s2], $0x80, v3, vm1, $0xb8;
	[tilespmem:$0x18200] =	vst v63  }
0x219: {  	s3 =	simm.s32 @!p0 $0x2A00  }
0x21a: {  	[tilespmem:s3], [sflag:$0x1] =	stream.indirect_vreg.gather @!p0 [hbm4b:s12+s2], $0x80, v3, vm1, $0xb8;
	[tilespmem:$0x18200] =	vst v63  }
0x21b: {  	v3 =	vld @!p0 [tilespmem:s0+$0x10];
	_ =	sdelay $0x4  }
0x21c: {  	v7 =	vshrl.u32 @!p0 v3, $0x3  }
0x21d: {  	v7 =	vmul.u32 @!p0 $0x30, v7  }
0x21e: {  	v3 =	vand.u32 @!p0 $0x7, v3  }
0x21f: {  	v3 =	vor.u32 @!p0 v3, v7  }
0x220: {  	v4 =	vperm.xlane @!p0 v3, v4;
	_ =	sdelay $0x1  }
0x221: {  	v4 =	vadd.s32 @!p0 v6, v4;
	_ =	sdelay $0x3  }
0x222: {  	s0 =	simm.s32 @!p0 $0x3200;
	v3 =	vperm.xlane @!p0 v3, v5  }
0x223: {  	[tilespmem:s0], [sflag:$0x1] =	stream.indirect_vreg.gather @!p0 [hbm4b:s1+s2], $0x80, v4, vm1, $0xb8;
	[tilespmem:$0x18200] =	vst v63  }
0x224: {  	v3 =	vadd.s32 @!p0 v6, v3;
	s0 =	simm.s32 @!p0 $0x3A00  }
0x225: {  	[tilespmem:s0], [sflag:$0x1] =	stream.indirect_vreg.gather @!p0 [hbm4b:s11+s2], $0x80, v4, vm1, $0xb8;
	[tilespmem:$0x18200] =	vst v63  }
0x226: {  	s0 =	simm.s32 @!p0 $0x4200  }
0x227: {  	[tilespmem:s0], [sflag:$0x1] =	stream.indirect_vreg.gather @!p0 [hbm4b:s12+s2], $0x80, v4, vm1, $0xb8;
	[tilespmem:$0x18200] =	vst v63  }
0x228: {  	s0 =	simm.s32 @!p0 $0x4A00  }
0x229: {  	[tilespmem:s0], [sflag:$0x1] =	stream.indirect_vreg.gather @!p0 [hbm4b:s1+s2], $0x80, v3, vm1, $0xb8;
	[tilespmem:$0x18200] =	vst v63  }
0x22a: {  	s0 =	simm.s32 @!p0 $0x5200  }
0x22b: {  	[tilespmem:s0], [sflag:$0x1] =	stream.indirect_vreg.gather @!p0 [hbm4b:s11+s2], $0x80, v3, vm1, $0xb8;
	[tilespmem:$0x18200] =	vst v63  }
0x22c: {  	s16 =	simm.s32 $0x4;
	s0 =	simm.s32 @!p0 $0x5A00  }
0x22d: {  	[tilespmem:s0], [sflag:$0x1] =	stream.indirect_vreg.gather @!p0 [hbm4b:s12+s2], $0x80, v3, vm1, $0xb8;
	[tilespmem:$0x18200] =	vst v63  }
0x22e: {  	s17 =	simm.s32 $0x2;
	s0 =	smul.u32 $0x6000, s16  }
0x22f: {  	s18 =	simm.s32 $0x1080;
	_ =	swait.ge [sflag:s17], $0x6000  }
0x230: {  	s2 =	sand.u32 $0x380, s18;
	[sflag:s17] =	ssyncset.done $0x0;
	s0 =	sshra.s32 s0, $0x2  }
0x231: {  	[sflag:s17] =	ssyncadd.s32 $0xFFFFA000;
	s16 =	sor.u32 s2, s0  }
0x232: {  	v3 =	vld [tilespmem:s16+$0xC200]  }
0x233: {  	s19 =	simm.s32 $0x0;
	s20 =	simm.s32 $0x0  }
0x234: {  	s21 =	smul.u32 $0x1800, s20;
	s22 =	sand.u32 $0x300, s19  }
0x235: {  	s0 =	sor.u32 $0x80, s22  }
0x236: {  	s8 =	sor.u32 s0, s21  }
0x237: {  	[tilespmem:s8+$0x6200] =	vst.add.f32.msk $0xffff, v3  }
0x238: {  	v3 =	vld [tilespmem:s16+$0xC210];
	_ =	sdelay $0x4  }
0x239: {  	[tilespmem:s8+$0x6210] =	vst.add.f32.msk $0xffff, v3  }
0x23a: {  	v3 =	vld [tilespmem:s16+$0xC220];
	_ =	sdelay $0x4  }
0x23b: {  	[tilespmem:s8+$0x6220] =	vst.add.f32.msk $0xffff, v3  }
0x23c: {  	v3 =	vld [tilespmem:s16+$0xC230];
	_ =	sdelay $0x4  }
0x23d: {  	[tilespmem:s8+$0x6230] =	vst.add.f32.msk $0xffff, v3  }
0x23e: {  	v3 =	vld [tilespmem:s16+$0xC240];
	_ =	sdelay $0x4  }
0x23f: {  	[tilespmem:s8+$0x6240] =	vst.add.f32.msk $0xffff, v3  }
0x240: {  	v3 =	vld [tilespmem:s16+$0xC250];
	_ =	sdelay $0x4  }
0x241: {  	[tilespmem:s8+$0x6250] =	vst.add.f32.msk $0xffff, v3  }
0x242: {  	v3 =	vld [tilespmem:s16+$0xC260];
	_ =	sdelay $0x4  }
0x243: {  	[tilespmem:s8+$0x6260] =	vst.add.f32.msk $0xffff, v3  }
0x244: {  	v3 =	vld [tilespmem:s16+$0xC270];
	_ =	sdelay $0x4  }
0x245: {  	[tilespmem:s8+$0x6270] =	vst.add.f32.msk $0xffff, v3  }
0x246: {  	v3 =	vld [tilespmem:s16+$0xC600]  }
0x247: {  	s14 =	sor.u32 s22, s21  }
0x248: {  	s24 =	sadd.s32 $0x6000, s14  }
0x249: {  	s5 =	sadd.s32 $0x6600, s21;
	v4 =	vld [tilespmem:s24+$0xC200]  }
0x24a: {  	s23 =	sadd.s32 s0, s5  }
0x24b: {  	[tilespmem:s23+$0x0] =	vst.add.f32.msk $0xffff, v3  }
0x24c: {  	v3 =	vld [tilespmem:s16+$0xC610];
	_ =	sdelay $0x1  }
0x24d: {  	[tilespmem:s14+$0x6200] =	vst.add.f32.msk $0xffff, v4  }
0x24e: {  	v4 =	vld [tilespmem:s24+$0xC210]  }
0x24f: {  	s25 =	sor.u32 $0x10, s23  }
0x250: {  	[tilespmem:s25+$0x0] =	vst.add.f32.msk $0xffff, v3  }
0x251: {  	v3 =	vld [tilespmem:s16+$0xC620];
	_ =	sdelay $0x1  }
0x252: {  	[tilespmem:s14+$0x6210] =	vst.add.f32.msk $0xffff, v4  }
0x253: {  	v4 =	vld [tilespmem:s24+$0xC220]  }
0x254: {  	s26 =	sor.u32 $0x20, s23  }
0x255: {  	[tilespmem:s26+$0x0] =	vst.add.f32.msk $0xffff, v3  }
0x256: {  	v3 =	vld [tilespmem:s16+$0xC630];
	_ =	sdelay $0x1  }
0x257: {  	[tilespmem:s14+$0x6220] =	vst.add.f32.msk $0xffff, v4  }
0x258: {  	v4 =	vld [tilespmem:s24+$0xC230]  }
0x259: {  	s28 =	sor.u32 $0x30, s23  }
0x25a: {  	[tilespmem:s28+$0x0] =	vst.add.f32.msk $0xffff, v3  }
0x25b: {  	v3 =	vld [tilespmem:s16+$0xC640];
	_ =	sdelay $0x1  }
0x25c: {  	[tilespmem:s14+$0x6230] =	vst.add.f32.msk $0xffff, v4  }
0x25d: {  	v4 =	vld [tilespmem:s24+$0xC240]  }
0x25e: {  	s29 =	sor.u32 $0x40, s23  }
0x25f: {  	[tilespmem:s29+$0x0] =	vst.add.f32.msk $0xffff, v3  }
0x260: {  	v3 =	vld [tilespmem:s16+$0xC650];
	_ =	sdelay $0x1  }
0x261: {  	[tilespmem:s14+$0x6240] =	vst.add.f32.msk $0xffff, v4  }
0x262: {  	v4 =	vld [tilespmem:s24+$0xC250]  }
0x263: {  	s30 =	sor.u32 $0x50, s23  }
0x264: {  	[tilespmem:s30+$0x0] =	vst.add.f32.msk $0xffff, v3  }
0x265: {  	v3 =	vld [tilespmem:s16+$0xC660];
	_ =	sdelay $0x1  }
0x266: {  	[tilespmem:s14+$0x6250] =	vst.add.f32.msk $0xffff, v4  }
0x267: {  	v4 =	vld [tilespmem:s24+$0xC260]  }
0x268: {  	s4 =	sor.u32 $0x60, s23  }
0x269: {  	[tilespmem:s4+$0x0] =	vst.add.f32.msk $0xffff, v3  }
0x26a: {  	v3 =	vld [tilespmem:s16+$0xC670];
	_ =	sdelay $0x1  }
0x26b: {  	[tilespmem:s14+$0x6260] =	vst.add.f32.msk $0xffff, v4  }
0x26c: {  	v4 =	vld [tilespmem:s24+$0xC270]  }
0x26d: {  	s7 =	sor.u32 $0x70, s23  }
0x26e: {  	[tilespmem:s7+$0x0] =	vst.add.f32.msk $0xffff, v3  }
0x26f: {  	v3 =	vld [tilespmem:s16+$0xCA00];
	_ =	sdelay $0x1  }
0x270: {  	[tilespmem:s14+$0x6270] =	vst.add.f32.msk $0xffff, v4  }
0x271: {  	v4 =	vld [tilespmem:s24+$0xC600];
	_ =	sdelay $0x1  }
0x272: {  	[tilespmem:s8+$0x6A00] =	vst.add.f32.msk $0xffff, v3  }
0x273: {  	v3 =	vld [tilespmem:s16+$0xCA10]  }
0x274: {  	s2 =	sadd.s32 s22, s5  }
0x275: {  	[tilespmem:s2+$0x0] =	vst.add.f32.msk $0xffff, v4  }
0x276: {  	v4 =	vld [tilespmem:s24+$0xC610];
	_ =	sdelay $0x1  }
0x277: {  	[tilespmem:s8+$0x6A10] =	vst.add.f32.msk $0xffff, v3  }
0x278: {  	v3 =	vld [tilespmem:s16+$0xCA20]  }
0x279: {  	s31 =	smov.u32 s13;
	s13 =	sor.u32 $0x10, s2  }
0x27a: {  	[tilespmem:s13+$0x0] =	vst.add.f32.msk $0xffff, v4  }
0x27b: {  	v4 =	vld [tilespmem:s24+$0xC620];
	_ =	sdelay $0x1  }
0x27c: {  	[tilespmem:s8+$0x6A20] =	vst.add.f32.msk $0xffff, v3  }
0x27d: {  	v3 =	vld [tilespmem:s16+$0xCA30]  }
0x27e: {  	s15 =	sor.u32 $0x20, s2  }
0x27f: {  	[tilespmem:s15+$0x0] =	vst.add.f32.msk $0xffff, v4  }
0x280: {  	v4 =	vld [tilespmem:s24+$0xC630];
	_ =	sdelay $0x1  }
0x281: {  	[tilespmem:s8+$0x6A30] =	vst.add.f32.msk $0xffff, v3  }
0x282: {  	v3 =	vld [tilespmem:s16+$0xCA40]  }
0x283: {  	s17 =	sor.u32 $0x30, s2  }
0x284: {  	[tilespmem:s17+$0x0] =	vst.add.f32.msk $0xffff, v4  }
0x285: {  	v4 =	vld [tilespmem:s24+$0xC640];
	_ =	sdelay $0x1  }
0x286: {  	[tilespmem:s8+$0x6A40] =	vst.add.f32.msk $0xffff, v3  }
0x287: {  	v3 =	vld [tilespmem:s16+$0xCA50]  }
0x288: {  	s18 =	sor.u32 $0x40, s2  }
0x289: {  	[tilespmem:s18+$0x0] =	vst.add.f32.msk $0xffff, v4  }
0x28a: {  	v4 =	vld [tilespmem:s24+$0xC650];
	_ =	sdelay $0x1  }
0x28b: {  	[tilespmem:s8+$0x6A50] =	vst.add.f32.msk $0xffff, v3  }
0x28c: {  	v3 =	vld [tilespmem:s16+$0xCA60]  }
0x28d: {  	s19 =	sor.u32 $0x50, s2  }
0x28e: {  	[tilespmem:s19+$0x0] =	vst.add.f32.msk $0xffff, v4  }
0x28f: {  	v4 =	vld [tilespmem:s24+$0xC660];
	_ =	sdelay $0x1  }
0x290: {  	[tilespmem:s8+$0x6A60] =	vst.add.f32.msk $0xffff, v3  }
0x291: {  	v3 =	vld [tilespmem:s16+$0xCA70]  }
0x292: {  	s20 =	sor.u32 $0x60, s2  }
0x293: {  	[tilespmem:s20+$0x0] =	vst.add.f32.msk $0xffff, v4  }
0x294: {  	v4 =	vld [tilespmem:s24+$0xC670];
	_ =	sdelay $0x1  }
0x295: {  	s23 =	simm.s32 $0x4;
	[tilespmem:s8+$0x6A70] =	vst.add.f32.msk $0xffff, v3  }
0x296: {  	s0 =	smul.u32 $0x6000, s23;
	v3 =	vld [tilespmem:s16+$0xCE00]  }
0x297: {  	s22 =	sadd.s32 $0x6800, s14;
	s21 =	sor.u32 $0x70, s2;
	s24 =	simm.s32 $0x1180  }
0x298: {  	s0 =	sshra.s32 s0, $0x2;
	s25 =	simm.s32 $0x0;
	s2 =	sand.u32 $0x380, s24;
	[tilespmem:s21+$0x0] =	vst.add.f32.msk $0xffff, v4  }
0x299: {  	s6 =	simm.s32 $0x100;
	s26 =	smul.u32 $0x1800, s25;
	s7 =	sor.u32 s2, s0;
	v4 =	vld [tilespmem:s22+$0xC200]  }
0x29a: {  	s18 =	sand.u32 $0x300, s6;
	v5 =	vld [tilespmem:s7+$0xC200]  }
0x29b: {  	s2 =	sor.u32 s18, s26;
	[tilespmem:s8+$0x6E00] =	vst.add.f32.msk $0xffff, v3  }
0x29c: {  	s17 =	sadd.s32 $0x6000, s2;
	v3 =	vld [tilespmem:s16+$0xCE10]  }
0x29d: {  	s19 =	sor.u32 $0x80, s18;
	v6 =	vld [tilespmem:s17+$0xC200]  }
0x29e: {  	s0 =	sor.u32 s19, s26;
	[tilespmem:s14+$0x6A00] =	vst.add.f32.msk $0xffff, v4  }
0x29f: {  	[tilespmem:s0+$0x6200] =	vst.add.f32.msk $0xffff, v5  }
0x2a0: {  	v4 =	vld [tilespmem:s22+$0xC210]  }
0x2a1: {  	[tilespmem:s8+$0x6E10] =	vst.add.f32.msk $0xffff, v3  }
0x2a2: {  	v3 =	vld [tilespmem:s16+$0xCE20]  }
0x2a3: {  	v5 =	vld [tilespmem:s7+$0xC210]  }
0x2a4: {  	[tilespmem:s2+$0x6200] =	vst.add.f32.msk $0xffff, v6  }
0x2a5: {  	v6 =	vld [tilespmem:s17+$0xC210]  }
0x2a6: {  	[tilespmem:s14+$0x6A10] =	vst.add.f32.msk $0xffff, v4  }
0x2a7: {  	[tilespmem:s8+$0x6E20] =	vst.add.f32.msk $0xffff, v3  }
0x2a8: {  	v3 =	vld [tilespmem:s16+$0xCE30]  }
0x2a9: {  	[tilespmem:s0+$0x6210] =	vst.add.f32.msk $0xffff, v5  }
0x2aa: {  	v4 =	vld [tilespmem:s22+$0xC220]  }
0x2ab: {  	v5 =	vld [tilespmem:s7+$0xC220]  }
0x2ac: {  	[tilespmem:s2+$0x6210] =	vst.add.f32.msk $0xffff, v6  }
0x2ad: {  	[tilespmem:s8+$0x6E30] =	vst.add.f32.msk $0xffff, v3  }
0x2ae: {  	v3 =	vld [tilespmem:s16+$0xCE40]  }
0x2af: {  	[tilespmem:s14+$0x6A20] =	vst.add.f32.msk $0xffff, v4  }
0x2b0: {  	v4 =	vld [tilespmem:s22+$0xC230]  }
0x2b1: {  	[tilespmem:s0+$0x6220] =	vst.add.f32.msk $0xffff, v5  }
0x2b2: {  	v5 =	vld [tilespmem:s7+$0xC230]  }
0x2b3: {  	[tilespmem:s8+$0x6E40] =	vst.add.f32.msk $0xffff, v3  }
0x2b4: {  	v3 =	vld [tilespmem:s16+$0xCE50]  }
0x2b5: {  	[tilespmem:s14+$0x6A30] =	vst.add.f32.msk $0xffff, v4  }
0x2b6: {  	v4 =	vld [tilespmem:s22+$0xC240]  }
0x2b7: {  	[tilespmem:s0+$0x6230] =	vst.add.f32.msk $0xffff, v5  }
0x2b8: {  	v5 =	vld [tilespmem:s7+$0xC240]  }
0x2b9: {  	[tilespmem:s8+$0x6E50] =	vst.add.f32.msk $0xffff, v3  }
0x2ba: {  	v3 =	vld [tilespmem:s16+$0xCE60]  }
0x2bb: {  	[tilespmem:s14+$0x6A40] =	vst.add.f32.msk $0xffff, v4  }
0x2bc: {  	v4 =	vld [tilespmem:s22+$0xC250]  }
0x2bd: {  	[tilespmem:s0+$0x6240] =	vst.add.f32.msk $0xffff, v5  }
0x2be: {  	v5 =	vld [tilespmem:s7+$0xC250]  }
0x2bf: {  	[tilespmem:s8+$0x6E60] =	vst.add.f32.msk $0xffff, v3  }
0x2c0: {  	v3 =	vld [tilespmem:s16+$0xCE70]  }
0x2c1: {  	[tilespmem:s14+$0x6A50] =	vst.add.f32.msk $0xffff, v4  }
0x2c2: {  	v4 =	vld [tilespmem:s22+$0xC260]  }
0x2c3: {  	v6 =	vld [tilespmem:s17+$0xC220]  }
0x2c4: {  	[tilespmem:s0+$0x6250] =	vst.add.f32.msk $0xffff, v5  }
0x2c5: {  	[tilespmem:s8+$0x6E70] =	vst.add.f32.msk $0xffff, v3  }
0x2c6: {  	v3 =	vld [tilespmem:s16+$0xD200]  }
0x2c7: {  	[tilespmem:s14+$0x6A60] =	vst.add.f32.msk $0xffff, v4  }
0x2c8: {  	v4 =	vld [tilespmem:s7+$0xC260]  }
0x2c9: {  	[tilespmem:s2+$0x6220] =	vst.add.f32.msk $0xffff, v6  }
0x2ca: {  	v6 =	vld [tilespmem:s17+$0xC230]  }
0x2cb: {  	[tilespmem:s8+$0x7200] =	vst.add.f32.msk $0xffff, v3  }
0x2cc: {  	v3 =	vld [tilespmem:s16+$0xD210]  }
0x2cd: {  	[tilespmem:s0+$0x6260] =	vst.add.f32.msk $0xffff, v4  }
0x2ce: {  	v4 =	vld [tilespmem:s7+$0xC270]  }
0x2cf: {  	[tilespmem:s2+$0x6230] =	vst.add.f32.msk $0xffff, v6  }
0x2d0: {  	v5 =	vld [tilespmem:s22+$0xC270]  }
0x2d1: {  	[tilespmem:s8+$0x7210] =	vst.add.f32.msk $0xffff, v3  }
0x2d2: {  	v3 =	vld [tilespmem:s16+$0xD220]  }
0x2d3: {  	[tilespmem:s0+$0x6270] =	vst.add.f32.msk $0xffff, v4  }
0x2d4: {  	v4 =	vld [tilespmem:s7+$0xC600]  }
0x2d5: {  	[tilespmem:s14+$0x6A70] =	vst.add.f32.msk $0xffff, v5  }
0x2d6: {  	v5 =	vld [tilespmem:s17+$0xC240]  }
0x2d7: {  	s5 =	sadd.s32 $0x6600, s26;
	[tilespmem:s8+$0x7220] =	vst.add.f32.msk $0xffff, v3  }
0x2d8: {  	s19 =	sadd.s32 s19, s5;
	v3 =	vld [tilespmem:s16+$0xD230]  }
0x2d9: {  	[tilespmem:s19+$0x0] =	vst.add.f32.msk $0xffff, v4  }
0x2da: {  	v4 =	vld [tilespmem:s7+$0xC610]  }
0x2db: {  	[tilespmem:s2+$0x6240] =	vst.add.f32.msk $0xffff, v5  }
0x2dc: {  	v5 =	vld [tilespmem:s17+$0xC250]  }
0x2dd: {  	[tilespmem:s8+$0x7230] =	vst.add.f32.msk $0xffff, v3  }
0x2de: {  	s28 =	sor.u32 $0x10, s19;
	v3 =	vld [tilespmem:s16+$0xD240]  }
0x2df: {  	s29 =	sadd.s32 $0x6C00, s14;
	[tilespmem:s28+$0x0] =	vst.add.f32.msk $0xffff, v4  }
0x2e0: {  	v4 =	vld [tilespmem:s29+$0xC200]  }
0x2e1: {  	[tilespmem:s2+$0x6250] =	vst.add.f32.msk $0xffff, v5  }
0x2e2: {  	v5 =	vld [tilespmem:s17+$0xC260]  }
0x2e3: {  	[tilespmem:s8+$0x7240] =	vst.add.f32.msk $0xffff, v3  }
0x2e4: {  	v3 =	vld [tilespmem:s16+$0xD250]  }
0x2e5: {  	[tilespmem:s14+$0x6E00] =	vst.add.f32.msk $0xffff, v4  }
0x2e6: {  	v4 =	vld [tilespmem:s29+$0xC210]  }
0x2e7: {  	[tilespmem:s2+$0x6260] =	vst.add.f32.msk $0xffff, v5  }
0x2e8: {  	v5 =	vld [tilespmem:s17+$0xC270]  }
0x2e9: {  	[tilespmem:s8+$0x7250] =	vst.add.f32.msk $0xffff, v3  }
0x2ea: {  	v3 =	vld [tilespmem:s16+$0xD260]  }
0x2eb: {  	[tilespmem:s14+$0x6E10] =	vst.add.f32.msk $0xffff, v4  }
0x2ec: {  	v4 =	vld [tilespmem:s29+$0xC220]  }
0x2ed: {  	[tilespmem:s2+$0x6270] =	vst.add.f32.msk $0xffff, v5  }
0x2ee: {  	v5 =	vld [tilespmem:s17+$0xC600]  }
0x2ef: {  	[tilespmem:s8+$0x7260] =	vst.add.f32.msk $0xffff, v3  }
0x2f0: {  	v3 =	vld [tilespmem:s16+$0xD270]  }
0x2f1: {  	[tilespmem:s14+$0x6E20] =	vst.add.f32.msk $0xffff, v4  }
0x2f2: {  	s5 =	sadd.s32 s18, s5;
	v4 =	vld [tilespmem:s29+$0xC230]  }
0x2f3: {  	[tilespmem:s5+$0x0] =	vst.add.f32.msk $0xffff, v5  }
0x2f4: {  	v5 =	vld [tilespmem:s17+$0xC610]  }
0x2f5: {  	[tilespmem:s8+$0x7270] =	vst.add.f32.msk $0xffff, v3  }
0x2f6: {  	v3 =	vld [tilespmem:s16+$0xD600]  }
0x2f7: {  	[tilespmem:s14+$0x6E30] =	vst.add.f32.msk $0xffff, v4  }
0x2f8: {  	v4 =	vld [tilespmem:s29+$0xC240]  }
0x2f9: {  	s4 =	sor.u32 $0x10, s5  }
0x2fa: {  	[tilespmem:s4+$0x0] =	vst.add.f32.msk $0xffff, v5  }
0x2fb: {  	[tilespmem:s8+$0x7600] =	vst.add.f32.msk $0xffff, v3  }
0x2fc: {  	v3 =	vld [tilespmem:s16+$0xD610]  }
0x2fd: {  	[tilespmem:s14+$0x6E40] =	vst.add.f32.msk $0xffff, v4  }
0x2fe: {  	v4 =	vld [tilespmem:s7+$0xC620]  }
0x2ff: {  	v5 =	vld [tilespmem:s17+$0xC620]  }
0x300: {  	v6 =	vld [tilespmem:s29+$0xC250]  }
0x301: {  	[tilespmem:s8+$0x7610] =	vst.add.f32.msk $0xffff, v3  }
0x302: {  	s30 =	sor.u32 $0x20, s19;
	v3 =	vld [tilespmem:s16+$0xD620]  }
0x303: {  	[tilespmem:s30+$0x0] =	vst.add.f32.msk $0xffff, v4  }
0x304: {  	v4 =	vld [tilespmem:s7+$0xC630]  }
0x305: {  	[tilespmem:s14+$0x6E50] =	vst.add.f32.msk $0xffff, v6  }
0x306: {  	v6 =	vld [tilespmem:s29+$0xC260]  }
0x307: {  	[tilespmem:s8+$0x7620] =	vst.add.f32.msk $0xffff, v3  }
0x308: {  	s15 =	sor.u32 $0x20, s5;
	v3 =	vld [tilespmem:s16+$0xD630]  }
0x309: {  	s13 =	sor.u32 $0x30, s19;
	[tilespmem:s15+$0x0] =	vst.add.f32.msk $0xffff, v5  }
0x30a: {  	[tilespmem:s13+$0x0] =	vst.add.f32.msk $0xffff, v4  }
0x30b: {  	v4 =	vld [tilespmem:s7+$0xC640]  }
0x30c: {  	[tilespmem:s14+$0x6E60] =	vst.add.f32.msk $0xffff, v6  }
0x30d: {  	[tilespmem:s8+$0x7630] =	vst.add.f32.msk $0xffff, v3  }
0x30e: {  	v3 =	vld [tilespmem:s17+$0xC630]  }
0x30f: {  	s20 =	sor.u32 $0x40, s19;
	v5 =	vld [tilespmem:s16+$0xD640]  }
0x310: {  	[tilespmem:s20+$0x0] =	vst.add.f32.msk $0xffff, v4  }
0x311: {  	v4 =	vld [tilespmem:s7+$0xC650]  }
0x312: {  	s21 =	sor.u32 $0x30, s5;
	v6 =	vld [tilespmem:s29+$0xC270]  }
0x313: {  	[tilespmem:s21+$0x0] =	vst.add.f32.msk $0xffff, v3  }
0x314: {  	[tilespmem:s8+$0x7640] =	vst.add.f32.msk $0xffff, v5  }
0x315: {  	s22 =	sor.u32 $0x50, s19;
	v3 =	vld [tilespmem:s16+$0xD650]  }
0x316: {  	[tilespmem:s22+$0x0] =	vst.add.f32.msk $0xffff, v4  }
0x317: {  	v4 =	vld [tilespmem:s17+$0xC640]  }
0x318: {  	[tilespmem:s14+$0x6E70] =	vst.add.f32.msk $0xffff, v6  }
0x319: {  	v5 =	vld [tilespmem:s7+$0xC660]  }
0x31a: {  	[tilespmem:s8+$0x7650] =	vst.add.f32.msk $0xffff, v3  }
0x31b: {  	s23 =	sor.u32 $0x40, s5;
	v3 =	vld [tilespmem:s16+$0xD660]  }
0x31c: {  	[tilespmem:s23+$0x0] =	vst.add.f32.msk $0xffff, v4  }
0x31d: {  	s24 =	sor.u32 $0x60, s19;
	v4 =	vld [tilespmem:s17+$0xC650]  }
0x31e: {  	[tilespmem:s24+$0x0] =	vst.add.f32.msk $0xffff, v5  }
0x31f: {  	v5 =	vld [tilespmem:s7+$0xC670]  }
0x320: {  	[tilespmem:s8+$0x7660] =	vst.add.f32.msk $0xffff, v3  }
0x321: {  	s25 =	sor.u32 $0x50, s5;
	v3 =	vld [tilespmem:s16+$0xD670]  }
0x322: {  	[tilespmem:s25+$0x0] =	vst.add.f32.msk $0xffff, v4  }
0x323: {  	s26 =	sadd.s32 $0x7000, s14;
	v4 =	vld [tilespmem:s17+$0xC660]  }
0x324: {  	s28 =	sor.u32 $0x70, s19;
	v6 =	vld [tilespmem:s26+$0xC200]  }
0x325: {  	[tilespmem:s28+$0x0] =	vst.add.f32.msk $0xffff, v5  }
0x326: {  	[tilespmem:s8+$0x7670] =	vst.add.f32.msk $0xffff, v3  }
0x327: {  	s29 =	sor.u32 $0x60, s5;
	v3 =	vld [tilespmem:s7+$0xCA00]  }
0x328: {  	[tilespmem:s29+$0x0] =	vst.add.f32.msk $0xffff, v4  }
0x329: {  	v4 =	vld [tilespmem:s17+$0xC670]  }
0x32a: {  	[tilespmem:s14+$0x7200] =	vst.add.f32.msk $0xffff, v6  }
0x32b: {  	v5 =	vld [tilespmem:s26+$0xC210]  }
0x32c: {  	[tilespmem:s0+$0x6A00] =	vst.add.f32.msk $0xffff, v3  }
0x32d: {  	s5 =	sor.u32 $0x70, s5;
	v3 =	vld [tilespmem:s7+$0xCA10]  }
0x32e: {  	s30 =	sadd.s32 $0x6800, s2;
	[tilespmem:s5+$0x0] =	vst.add.f32.msk $0xffff, v4  }
0x32f: {  	v4 =	vld [tilespmem:s30+$0xC200]  }
0x330: {  	[tilespmem:s14+$0x7210] =	vst.add.f32.msk $0xffff, v5  }
0x331: {  	v5 =	vld [tilespmem:s26+$0xC220]  }
0x332: {  	[tilespmem:s0+$0x6A10] =	vst.add.f32.msk $0xffff, v3  }
0x333: {  	v3 =	vld [tilespmem:s7+$0xCA20]  }
0x334: {  	[tilespmem:s2+$0x6A00] =	vst.add.f32.msk $0xffff, v4  }
0x335: {  	v4 =	vld [tilespmem:s30+$0xC210]  }
0x336: {  	[tilespmem:s14+$0x7220] =	vst.add.f32.msk $0xffff, v5  }
0x337: {  	v5 =	vld [tilespmem:s26+$0xC230]  }
0x338: {  	[tilespmem:s0+$0x6A20] =	vst.add.f32.msk $0xffff, v3  }
0x339: {  	v3 =	vld [tilespmem:s7+$0xCA30]  }
0x33a: {  	[tilespmem:s2+$0x6A10] =	vst.add.f32.msk $0xffff, v4  }
0x33b: {  	v4 =	vld [tilespmem:s30+$0xC220]  }
0x33c: {  	[tilespmem:s14+$0x7230] =	vst.add.f32.msk $0xffff, v5  }
0x33d: {  	v5 =	vld [tilespmem:s26+$0xC240]  }
0x33e: {  	[tilespmem:s0+$0x6A30] =	vst.add.f32.msk $0xffff, v3  }
0x33f: {  	v3 =	vld [tilespmem:s7+$0xCA40]  }
0x340: {  	[tilespmem:s2+$0x6A20] =	vst.add.f32.msk $0xffff, v4  }
0x341: {  	v4 =	vld [tilespmem:s30+$0xC230]  }
0x342: {  	[tilespmem:s14+$0x7240] =	vst.add.f32.msk $0xffff, v5  }
0x343: {  	v5 =	vld [tilespmem:s26+$0xC250]  }
0x344: {  	[tilespmem:s0+$0x6A40] =	vst.add.f32.msk $0xffff, v3  }
0x345: {  	v3 =	vld [tilespmem:s7+$0xCA50]  }
0x346: {  	[tilespmem:s2+$0x6A30] =	vst.add.f32.msk $0xffff, v4  }
0x347: {  	v4 =	vld [tilespmem:s30+$0xC240]  }
0x348: {  	[tilespmem:s14+$0x7250] =	vst.add.f32.msk $0xffff, v5  }
0x349: {  	v5 =	vld [tilespmem:s26+$0xC260]  }
0x34a: {  	[tilespmem:s0+$0x6A50] =	vst.add.f32.msk $0xffff, v3  }
0x34b: {  	v3 =	vld [tilespmem:s7+$0xCA60]  }
0x34c: {  	[tilespmem:s2+$0x6A40] =	vst.add.f32.msk $0xffff, v4  }
0x34d: {  	v4 =	vld [tilespmem:s30+$0xC250]  }
0x34e: {  	[tilespmem:s14+$0x7260] =	vst.add.f32.msk $0xffff, v5  }
0x34f: {  	v5 =	vld [tilespmem:s26+$0xC270]  }
0x350: {  	[tilespmem:s0+$0x6A60] =	vst.add.f32.msk $0xffff, v3  }
0x351: {  	v3 =	vld [tilespmem:s7+$0xCA70]  }
0x352: {  	[tilespmem:s2+$0x6A50] =	vst.add.f32.msk $0xffff, v4  }
0x353: {  	v4 =	vld [tilespmem:s30+$0xC260]  }
0x354: {  	s19 =	sadd.s32 $0x7400, s14;
	[tilespmem:s14+$0x7270] =	vst.add.f32.msk $0xffff, v5  }
0x355: {  	v5 =	vld [tilespmem:s19+$0xC200]  }
0x356: {  	[tilespmem:s0+$0x6A70] =	vst.add.f32.msk $0xffff, v3  }
0x357: {  	v3 =	vld [tilespmem:s7+$0xCE00]  }
0x358: {  	[tilespmem:s2+$0x6A60] =	vst.add.f32.msk $0xffff, v4  }
0x359: {  	v4 =	vld [tilespmem:s30+$0xC270]  }
0x35a: {  	[tilespmem:s14+$0x7600] =	vst.add.f32.msk $0xffff, v5  }
0x35b: {  	v5 =	vld [tilespmem:s19+$0xC210]  }
0x35c: {  	[tilespmem:s0+$0x6E00] =	vst.add.f32.msk $0xffff, v3  }
0x35d: {  	v3 =	vld [tilespmem:s7+$0xCE10]  }
0x35e: {  	s16 =	sadd.s32 $0x6C00, s2;
	[tilespmem:s2+$0x6A70] =	vst.add.f32.msk $0xffff, v4  }
0x35f: {  	v4 =	vld [tilespmem:s16+$0xC200]  }
0x360: {  	[tilespmem:s14+$0x7610] =	vst.add.f32.msk $0xffff, v5  }
0x361: {  	v5 =	vld [tilespmem:s19+$0xC220]  }
0x362: {  	[tilespmem:s0+$0x6E10] =	vst.add.f32.msk $0xffff, v3  }
0x363: {  	v3 =	vld [tilespmem:s7+$0xCE20]  }
0x364: {  	[tilespmem:s2+$0x6E00] =	vst.add.f32.msk $0xffff, v4  }
0x365: {  	v4 =	vld [tilespmem:s16+$0xC210]  }
0x366: {  	[tilespmem:s14+$0x7620] =	vst.add.f32.msk $0xffff, v5  }
0x367: {  	v5 =	vld [tilespmem:s19+$0xC230]  }
0x368: {  	[tilespmem:s0+$0x6E20] =	vst.add.f32.msk $0xffff, v3  }
0x369: {  	v3 =	vld [tilespmem:s7+$0xCE30]  }
0x36a: {  	[tilespmem:s2+$0x6E10] =	vst.add.f32.msk $0xffff, v4  }
0x36b: {  	v4 =	vld [tilespmem:s16+$0xC220]  }
0x36c: {  	[tilespmem:s14+$0x7630] =	vst.add.f32.msk $0xffff, v5  }
0x36d: {  	v5 =	vld [tilespmem:s19+$0xC240]  }
0x36e: {  	[tilespmem:s0+$0x6E30] =	vst.add.f32.msk $0xffff, v3  }
0x36f: {  	v3 =	vld [tilespmem:s7+$0xCE40]  }
0x370: {  	[tilespmem:s2+$0x6E20] =	vst.add.f32.msk $0xffff, v4  }
0x371: {  	v4 =	vld [tilespmem:s16+$0xC230]  }
0x372: {  	[tilespmem:s14+$0x7640] =	vst.add.f32.msk $0xffff, v5  }
0x373: {  	v5 =	vld [tilespmem:s19+$0xC250]  }
0x374: {  	[tilespmem:s0+$0x6E40] =	vst.add.f32.msk $0xffff, v3  }
0x375: {  	v3 =	vld [tilespmem:s7+$0xCE50]  }
0x376: {  	[tilespmem:s2+$0x6E30] =	vst.add.f32.msk $0xffff, v4  }
0x377: {  	v4 =	vld [tilespmem:s16+$0xC240]  }
0x378: {  	[tilespmem:s14+$0x7650] =	vst.add.f32.msk $0xffff, v5  }
0x379: {  	v5 =	vld [tilespmem:s19+$0xC260]  }
0x37a: {  	[tilespmem:s0+$0x6E50] =	vst.add.f32.msk $0xffff, v3  }
0x37b: {  	v3 =	vld [tilespmem:s7+$0xCE60]  }
0x37c: {  	[tilespmem:s2+$0x6E40] =	vst.add.f32.msk $0xffff, v4  }
0x37d: {  	v4 =	vld [tilespmem:s16+$0xC250]  }
0x37e: {  	s18 =	simm.s32 $0x2;
	s8 =	sadd.s32 $0x7000, s2;
	s17 =	sadd.s32 $0x7400, s2;
	[tilespmem:s14+$0x7660] =	vst.add.f32.msk $0xffff, v5  }
.LBB2_5:
0x37f: {  	s3 =	sadd.s32 $0x23, s18;
	v5 =	vld [tilespmem:s19+$0xC270];
	s19 =	smov.u32 s17  }
0x380: {  	s3 =	sshrl.u32 s3, $0x3;
	[tilespmem:s0+$0x6E60] =	vst.add.f32.msk $0xffff, v3  }
0x381: {  	s6 =	sadd.s32 $0x100, s6;
	s3 =	smul.u32 $0x6000, s3;
	v3 =	vld [tilespmem:s7+$0xCE70]  }
0x382: {  	s5 =	sadd.s32 $0x1080, s6;
	[tilespmem:s2+$0x6E50] =	vst.add.f32.msk $0xffff, v4  }
0x383: {  	s5 =	sand.u32 $0x380, s5;
	s3 =	sshra.s32 s3, $0x2;
	v4 =	vld [tilespmem:s16+$0xC260]  }
0x384: {  	s23 =	sor.u32 s5, s3;
	[tilespmem:s14+$0x7670] =	vst.add.f32.msk $0xffff, v5;
	s14 =	smov.u32 s2  }
0x385: {  	s18 =	sadd.s32 $0x2, s18;
	v5 =	vld [tilespmem:s23+$0xC200]  }
0x386: {  	p0 =	slt.u32 s18, $0x1E;
	s2 =	sshrl.u32 s18, $0x3;
	[tilespmem:s0+$0x6E70] =	vst.add.f32.msk $0xffff, v3  }
0x387: {  	s26 =	sand.u32 $0x300, s6;
	s28 =	smul.u32 $0x1800, s2;
	v3 =	vld [tilespmem:s7+$0xD200]  }
0x388: {  	s29 =	sor.u32 $0x80, s26;
	[tilespmem:s14+$0x6E60] =	vst.add.f32.msk $0xffff, v4  }
0x389: {  	s2 =	sor.u32 s26, s28;
	s25 =	sor.u32 s29, s28;
	v4 =	vld [tilespmem:s16+$0xC270]  }
0x38a: {  	s24 =	sadd.s32 $0x6000, s2;
	s21 =	sadd.s32 $0x6800, s2;
	s16 =	sadd.s32 $0x6C00, s2;
	[tilespmem:s25+$0x6200] =	vst.add.f32.msk $0xffff, v5  }
0x38b: {  	s22 =	sadd.s32 $0x7000, s2;
	s17 =	sadd.s32 $0x7400, s2;
	v5 =	vld [tilespmem:s23+$0xC210]  }
0x38c: {  	[tilespmem:s0+$0x7200] =	vst.add.f32.msk $0xffff, v3  }
0x38d: {  	v3 =	vld [tilespmem:s7+$0xD210]  }
0x38e: {  	v6 =	vld [tilespmem:s24+$0xC200]  }
0x38f: {  	[tilespmem:s14+$0x6E70] =	vst.add.f32.msk $0xffff, v4  }
0x390: {  	[tilespmem:s25+$0x6210] =	vst.add.f32.msk $0xffff, v5  }
0x391: {  	v4 =	vld [tilespmem:s23+$0xC220]  }
0x392: {  	[tilespmem:s0+$0x7210] =	vst.add.f32.msk $0xffff, v3  }
0x393: {  	v3 =	vld [tilespmem:s7+$0xD220]  }
0x394: {  	[tilespmem:s2+$0x6200] =	vst.add.f32.msk $0xffff, v6  }
0x395: {  	v5 =	vld [tilespmem:s24+$0xC210]  }
0x396: {  	[tilespmem:s25+$0x6220] =	vst.add.f32.msk $0xffff, v4  }
0x397: {  	v4 =	vld [tilespmem:s23+$0xC230]  }
0x398: {  	[tilespmem:s0+$0x7220] =	vst.add.f32.msk $0xffff, v3  }
0x399: {  	v3 =	vld [tilespmem:s7+$0xD230]  }
0x39a: {  	[tilespmem:s2+$0x6210] =	vst.add.f32.msk $0xffff, v5  }
0x39b: {  	v5 =	vld [tilespmem:s24+$0xC220]  }
0x39c: {  	[tilespmem:s25+$0x6230] =	vst.add.f32.msk $0xffff, v4  }
0x39d: {  	v4 =	vld [tilespmem:s23+$0xC240]  }
0x39e: {  	[tilespmem:s0+$0x7230] =	vst.add.f32.msk $0xffff, v3  }
0x39f: {  	v3 =	vld [tilespmem:s7+$0xD240]  }
0x3a0: {  	[tilespmem:s2+$0x6220] =	vst.add.f32.msk $0xffff, v5  }
0x3a1: {  	v5 =	vld [tilespmem:s24+$0xC230]  }
0x3a2: {  	[tilespmem:s25+$0x6240] =	vst.add.f32.msk $0xffff, v4  }
0x3a3: {  	v4 =	vld [tilespmem:s23+$0xC250]  }
0x3a4: {  	[tilespmem:s0+$0x7240] =	vst.add.f32.msk $0xffff, v3  }
0x3a5: {  	v3 =	vld [tilespmem:s7+$0xD250]  }
0x3a6: {  	[tilespmem:s2+$0x6230] =	vst.add.f32.msk $0xffff, v5  }
0x3a7: {  	v5 =	vld [tilespmem:s24+$0xC240]  }
0x3a8: {  	[tilespmem:s25+$0x6250] =	vst.add.f32.msk $0xffff, v4  }
0x3a9: {  	v4 =	vld [tilespmem:s23+$0xC260]  }
0x3aa: {  	[tilespmem:s0+$0x7250] =	vst.add.f32.msk $0xffff, v3  }
0x3ab: {  	v3 =	vld [tilespmem:s7+$0xD260]  }
0x3ac: {  	[tilespmem:s2+$0x6240] =	vst.add.f32.msk $0xffff, v5  }
0x3ad: {  	v5 =	vld [tilespmem:s24+$0xC250]  }
0x3ae: {  	[tilespmem:s25+$0x6260] =	vst.add.f32.msk $0xffff, v4  }
0x3af: {  	v4 =	vld [tilespmem:s23+$0xC270]  }
0x3b0: {  	[tilespmem:s0+$0x7260] =	vst.add.f32.msk $0xffff, v3  }
0x3b1: {  	v3 =	vld [tilespmem:s7+$0xD270]  }
0x3b2: {  	[tilespmem:s2+$0x6250] =	vst.add.f32.msk $0xffff, v5  }
0x3b3: {  	v5 =	vld [tilespmem:s24+$0xC260]  }
0x3b4: {  	[tilespmem:s25+$0x6270] =	vst.add.f32.msk $0xffff, v4  }
0x3b5: {  	v4 =	vld [tilespmem:s23+$0xC600]  }
0x3b6: {  	[tilespmem:s0+$0x7270] =	vst.add.f32.msk $0xffff, v3  }
0x3b7: {  	v3 =	vld [tilespmem:s7+$0xD600]  }
0x3b8: {  	s3 =	sadd.s32 $0x6600, s28;
	[tilespmem:s2+$0x6260] =	vst.add.f32.msk $0xffff, v5  }
0x3b9: {  	s13 =	sadd.s32 s26, s3;
	s29 =	sadd.s32 s29, s3;
	v5 =	vld [tilespmem:s24+$0xC270]  }
0x3ba: {  	s15 =	sor.u32 $0x10, s13;
	s4 =	sor.u32 $0x20, s13;
	s5 =	sor.u32 $0x30, s13;
	[tilespmem:s29+$0x0] =	vst.add.f32.msk $0xffff, v4  }
0x3bb: {  	s3 =	sor.u32 $0x40, s13;
	s20 =	sor.u32 $0x50, s13;
	s28 =	sor.u32 $0x60, s13;
	v4 =	vld [tilespmem:s23+$0xC610]  }
0x3bc: {  	s26 =	sor.u32 $0x70, s13;
	[tilespmem:s0+$0x7600] =	vst.add.f32.msk $0xffff, v3  }
0x3bd: {  	v3 =	vld [tilespmem:s7+$0xD610]  }
0x3be: {  	[tilespmem:s2+$0x6270] =	vst.add.f32.msk $0xffff, v5  }
0x3bf: {  	s30 =	sor.u32 $0x10, s29;
	v5 =	vld [tilespmem:s24+$0xC600]  }
0x3c0: {  	[tilespmem:s30+$0x0] =	vst.add.f32.msk $0xffff, v4  }
0x3c1: {  	v4 =	vld [tilespmem:s23+$0xC620]  }
0x3c2: {  	[tilespmem:s0+$0x7610] =	vst.add.f32.msk $0xffff, v3  }
0x3c3: {  	v3 =	vld [tilespmem:s7+$0xD620]  }
0x3c4: {  	[tilespmem:s13+$0x0] =	vst.add.f32.msk $0xffff, v5  }
0x3c5: {  	s13 =	sor.u32 $0x20, s29;
	v5 =	vld [tilespmem:s24+$0xC610]  }
0x3c6: {  	[tilespmem:s13+$0x0] =	vst.add.f32.msk $0xffff, v4  }
0x3c7: {  	v4 =	vld [tilespmem:s23+$0xC630]  }
0x3c8: {  	[tilespmem:s0+$0x7620] =	vst.add.f32.msk $0xffff, v3  }
0x3c9: {  	v3 =	vld [tilespmem:s7+$0xD630]  }
0x3ca: {  	[tilespmem:s15+$0x0] =	vst.add.f32.msk $0xffff, v5  }
0x3cb: {  	s13 =	sor.u32 $0x30, s29;
	v5 =	vld [tilespmem:s24+$0xC620]  }
0x3cc: {  	[tilespmem:s13+$0x0] =	vst.add.f32.msk $0xffff, v4  }
0x3cd: {  	v4 =	vld [tilespmem:s23+$0xC640]  }
0x3ce: {  	[tilespmem:s0+$0x7630] =	vst.add.f32.msk $0xffff, v3  }
0x3cf: {  	v3 =	vld [tilespmem:s7+$0xD640]  }
0x3d0: {  	[tilespmem:s4+$0x0] =	vst.add.f32.msk $0xffff, v5  }
0x3d1: {  	s4 =	sor.u32 $0x40, s29;
	v5 =	vld [tilespmem:s24+$0xC630]  }
0x3d2: {  	[tilespmem:s4+$0x0] =	vst.add.f32.msk $0xffff, v4  }
0x3d3: {  	v4 =	vld [tilespmem:s23+$0xC650]  }
0x3d4: {  	[tilespmem:s0+$0x7640] =	vst.add.f32.msk $0xffff, v3  }
0x3d5: {  	v3 =	vld [tilespmem:s7+$0xD650]  }
0x3d6: {  	[tilespmem:s5+$0x0] =	vst.add.f32.msk $0xffff, v5  }
0x3d7: {  	s4 =	sor.u32 $0x50, s29;
	v5 =	vld [tilespmem:s24+$0xC640]  }
0x3d8: {  	[tilespmem:s4+$0x0] =	vst.add.f32.msk $0xffff, v4  }
0x3d9: {  	v4 =	vld [tilespmem:s23+$0xC660]  }
0x3da: {  	[tilespmem:s0+$0x7650] =	vst.add.f32.msk $0xffff, v3  }
0x3db: {  	v3 =	vld [tilespmem:s7+$0xD660]  }
0x3dc: {  	[tilespmem:s3+$0x0] =	vst.add.f32.msk $0xffff, v5  }
0x3dd: {  	s3 =	sor.u32 $0x60, s29;
	v5 =	vld [tilespmem:s24+$0xC650]  }
0x3de: {  	[tilespmem:s3+$0x0] =	vst.add.f32.msk $0xffff, v4  }
0x3df: {  	v4 =	vld [tilespmem:s23+$0xC670]  }
0x3e0: {  	[tilespmem:s0+$0x7660] =	vst.add.f32.msk $0xffff, v3  }
0x3e1: {  	v3 =	vld [tilespmem:s7+$0xD670];
	s7 =	smov.u32 s23  }
0x3e2: {  	[tilespmem:s20+$0x0] =	vst.add.f32.msk $0xffff, v5  }
0x3e3: {  	v5 =	vld [tilespmem:s24+$0xC660]  }
0x3e4: {  	s3 =	sor.u32 $0x70, s29;
	v6 =	vld [tilespmem:s8+$0xC200]  }
0x3e5: {  	[tilespmem:s3+$0x0] =	vst.add.f32.msk $0xffff, v4  }
0x3e6: {  	[tilespmem:s0+$0x7670] =	vst.add.f32.msk $0xffff, v3;
	s0 =	smov.u32 s25  }
0x3e7: {  	v3 =	vld [tilespmem:s7+$0xCA00]  }
0x3e8: {  	[tilespmem:s28+$0x0] =	vst.add.f32.msk $0xffff, v5  }
0x3e9: {  	v4 =	vld [tilespmem:s24+$0xC670]  }
0x3ea: {  	[tilespmem:s14+$0x7200] =	vst.add.f32.msk $0xffff, v6  }
0x3eb: {  	v5 =	vld [tilespmem:s8+$0xC210]  }
0x3ec: {  	[tilespmem:s0+$0x6A00] =	vst.add.f32.msk $0xffff, v3  }
0x3ed: {  	v3 =	vld [tilespmem:s7+$0xCA10]  }
0x3ee: {  	[tilespmem:s26+$0x0] =	vst.add.f32.msk $0xffff, v4  }
0x3ef: {  	v4 =	vld [tilespmem:s21+$0xC200]  }
0x3f0: {  	[tilespmem:s14+$0x7210] =	vst.add.f32.msk $0xffff, v5  }
0x3f1: {  	v5 =	vld [tilespmem:s8+$0xC220]  }
0x3f2: {  	[tilespmem:s0+$0x6A10] =	vst.add.f32.msk $0xffff, v3  }
0x3f3: {  	v3 =	vld [tilespmem:s7+$0xCA20]  }
0x3f4: {  	[tilespmem:s2+$0x6A00] =	vst.add.f32.msk $0xffff, v4  }
0x3f5: {  	v4 =	vld [tilespmem:s21+$0xC210]  }
0x3f6: {  	[tilespmem:s14+$0x7220] =	vst.add.f32.msk $0xffff, v5  }
0x3f7: {  	v5 =	vld [tilespmem:s8+$0xC230]  }
0x3f8: {  	[tilespmem:s0+$0x6A20] =	vst.add.f32.msk $0xffff, v3  }
0x3f9: {  	v3 =	vld [tilespmem:s7+$0xCA30]  }
0x3fa: {  	[tilespmem:s2+$0x6A10] =	vst.add.f32.msk $0xffff, v4  }
0x3fb: {  	v4 =	vld [tilespmem:s21+$0xC220]  }
0x3fc: {  	[tilespmem:s14+$0x7230] =	vst.add.f32.msk $0xffff, v5  }
0x3fd: {  	v5 =	vld [tilespmem:s8+$0xC240]  }
0x3fe: {  	[tilespmem:s0+$0x6A30] =	vst.add.f32.msk $0xffff, v3  }
0x3ff: {  	v3 =	vld [tilespmem:s7+$0xCA40]  }
0x400: {  	[tilespmem:s2+$0x6A20] =	vst.add.f32.msk $0xffff, v4  }
0x401: {  	v4 =	vld [tilespmem:s21+$0xC230]  }
0x402: {  	[tilespmem:s14+$0x7240] =	vst.add.f32.msk $0xffff, v5  }
0x403: {  	v5 =	vld [tilespmem:s8+$0xC250]  }
0x404: {  	[tilespmem:s0+$0x6A40] =	vst.add.f32.msk $0xffff, v3  }
0x405: {  	v3 =	vld [tilespmem:s7+$0xCA50]  }
0x406: {  	[tilespmem:s2+$0x6A30] =	vst.add.f32.msk $0xffff, v4  }
0x407: {  	v4 =	vld [tilespmem:s21+$0xC240]  }
0x408: {  	[tilespmem:s14+$0x7250] =	vst.add.f32.msk $0xffff, v5  }
0x409: {  	v5 =	vld [tilespmem:s8+$0xC260]  }
0x40a: {  	[tilespmem:s0+$0x6A50] =	vst.add.f32.msk $0xffff, v3  }
0x40b: {  	v3 =	vld [tilespmem:s7+$0xCA60]  }
0x40c: {  	[tilespmem:s2+$0x6A40] =	vst.add.f32.msk $0xffff, v4  }
0x40d: {  	v4 =	vld [tilespmem:s21+$0xC250]  }
0x40e: {  	[tilespmem:s14+$0x7260] =	vst.add.f32.msk $0xffff, v5  }
0x40f: {  	v5 =	vld [tilespmem:s8+$0xC270];
	s8 =	smov.u32 s22  }
0x410: {  	[tilespmem:s0+$0x6A60] =	vst.add.f32.msk $0xffff, v3  }
0x411: {  	v3 =	vld [tilespmem:s7+$0xCA70]  }
0x412: {  	[tilespmem:s2+$0x6A50] =	vst.add.f32.msk $0xffff, v4  }
0x413: {  	v4 =	vld [tilespmem:s21+$0xC260]  }
0x414: {  	[tilespmem:s14+$0x7270] =	vst.add.f32.msk $0xffff, v5  }
0x415: {  	v5 =	vld [tilespmem:s19+$0xC200]  }
0x416: {  	[tilespmem:s0+$0x6A70] =	vst.add.f32.msk $0xffff, v3  }
0x417: {  	v3 =	vld [tilespmem:s7+$0xCE00]  }
0x418: {  	[tilespmem:s2+$0x6A60] =	vst.add.f32.msk $0xffff, v4  }
0x419: {  	v4 =	vld [tilespmem:s21+$0xC270]  }
0x41a: {  	[tilespmem:s14+$0x7600] =	vst.add.f32.msk $0xffff, v5  }
0x41b: {  	v5 =	vld [tilespmem:s19+$0xC210]  }
0x41c: {  	[tilespmem:s0+$0x6E00] =	vst.add.f32.msk $0xffff, v3  }
0x41d: {  	v3 =	vld [tilespmem:s7+$0xCE10]  }
0x41e: {  	[tilespmem:s2+$0x6A70] =	vst.add.f32.msk $0xffff, v4  }
0x41f: {  	v4 =	vld [tilespmem:s16+$0xC200]  }
0x420: {  	[tilespmem:s14+$0x7610] =	vst.add.f32.msk $0xffff, v5  }
0x421: {  	v5 =	vld [tilespmem:s19+$0xC220]  }
0x422: {  	[tilespmem:s0+$0x6E10] =	vst.add.f32.msk $0xffff, v3  }
0x423: {  	v3 =	vld [tilespmem:s7+$0xCE20]  }
0x424: {  	[tilespmem:s2+$0x6E00] =	vst.add.f32.msk $0xffff, v4  }
0x425: {  	v4 =	vld [tilespmem:s16+$0xC210]  }
0x426: {  	[tilespmem:s14+$0x7620] =	vst.add.f32.msk $0xffff, v5  }
0x427: {  	v5 =	vld [tilespmem:s19+$0xC230]  }
0x428: {  	[tilespmem:s0+$0x6E20] =	vst.add.f32.msk $0xffff, v3  }
0x429: {  	v3 =	vld [tilespmem:s7+$0xCE30]  }
0x42a: {  	[tilespmem:s2+$0x6E10] =	vst.add.f32.msk $0xffff, v4  }
0x42b: {  	v4 =	vld [tilespmem:s16+$0xC220]  }
0x42c: {  	[tilespmem:s14+$0x7630] =	vst.add.f32.msk $0xffff, v5  }
0x42d: {  	v5 =	vld [tilespmem:s19+$0xC240]  }
0x42e: {  	[tilespmem:s0+$0x6E30] =	vst.add.f32.msk $0xffff, v3  }
0x42f: {  	v3 =	vld [tilespmem:s7+$0xCE40]  }
0x430: {  	[tilespmem:s2+$0x6E20] =	vst.add.f32.msk $0xffff, v4  }
0x431: {  	v4 =	vld [tilespmem:s16+$0xC230]  }
0x432: {  	[tilespmem:s14+$0x7640] =	vst.add.f32.msk $0xffff, v5  }
0x433: {  	v5 =	vld [tilespmem:s19+$0xC250]  }
0x434: {  	[tilespmem:s0+$0x6E40] =	vst.add.f32.msk $0xffff, v3  }
0x435: {  	v3 =	vld [tilespmem:s7+$0xCE50]  }
0x436: {  	[tilespmem:s2+$0x6E30] =	vst.add.f32.msk $0xffff, v4  }
0x437: {  	v4 =	vld [tilespmem:s16+$0xC240]  }
0x438: {  	[tilespmem:s14+$0x7650] =	vst.add.f32.msk $0xffff, v5  }
0x439: {  	v5 =	vld [tilespmem:s19+$0xC260]  }
.Ltmp1:
0x43a: {  	[tilespmem:s0+$0x6E50] =	vst.add.f32.msk $0xffff, v3;
	(pc) =	sbr.rel @p0 .LBB2_5-.Ltmp1, $4  }
0x43b: {  	v3 =	vld [tilespmem:s7+$0xCE60]  }
0x43c: {  	[tilespmem:s2+$0x6E40] =	vst.add.f32.msk $0xffff, v4  }
0x43d: {  	v4 =	vld [tilespmem:s16+$0xC250]  }
0x43e: {  	[tilespmem:s14+$0x7660] =	vst.add.f32.msk $0xffff, v5  }
0x43f: {  	_ =	sdelay $0x2  }
0x440: {  	[tilespmem:s2+$0x6E50] =	vst.add.f32.msk $0xffff, v4  }
0x441: {  	v4 =	vld [tilespmem:s16+$0xC260];
	_ =	sdelay $0x2  }
0x442: {  	[tilespmem:s0+$0x6E60] =	vst.add.f32.msk $0xffff, v3  }
0x443: {  	v3 =	vld [tilespmem:s7+$0xCE70]  }
0x444: {  	[tilespmem:s2+$0x6E60] =	vst.add.f32.msk $0xffff, v4  }
0x445: {  	v4 =	vld [tilespmem:s16+$0xC270];
	_ =	sdelay $0x2  }
0x446: {  	[tilespmem:s0+$0x6E70] =	vst.add.f32.msk $0xffff, v3  }
0x447: {  	v3 =	vld [tilespmem:s7+$0xD200]  }
0x448: {  	[tilespmem:s2+$0x6E70] =	vst.add.f32.msk $0xffff, v4  }
0x449: {  	v4 =	vld [tilespmem:s8+$0xC200];
	_ =	sdelay $0x2  }
0x44a: {  	[tilespmem:s0+$0x7200] =	vst.add.f32.msk $0xffff, v3  }
0x44b: {  	v3 =	vld [tilespmem:s7+$0xD210]  }
0x44c: {  	[tilespmem:s2+$0x7200] =	vst.add.f32.msk $0xffff, v4  }
0x44d: {  	v4 =	vld [tilespmem:s8+$0xC210];
	_ =	sdelay $0x2  }
0x44e: {  	[tilespmem:s0+$0x7210] =	vst.add.f32.msk $0xffff, v3  }
0x44f: {  	v3 =	vld [tilespmem:s7+$0xD220]  }
0x450: {  	[tilespmem:s2+$0x7210] =	vst.add.f32.msk $0xffff, v4  }
0x451: {  	v4 =	vld [tilespmem:s8+$0xC220];
	_ =	sdelay $0x2  }
0x452: {  	[tilespmem:s0+$0x7220] =	vst.add.f32.msk $0xffff, v3  }
0x453: {  	v3 =	vld [tilespmem:s7+$0xD230]  }
0x454: {  	[tilespmem:s2+$0x7220] =	vst.add.f32.msk $0xffff, v4  }
0x455: {  	v4 =	vld [tilespmem:s8+$0xC230];
	_ =	sdelay $0x2  }
0x456: {  	[tilespmem:s0+$0x7230] =	vst.add.f32.msk $0xffff, v3  }
0x457: {  	v3 =	vld [tilespmem:s7+$0xD240]  }
0x458: {  	[tilespmem:s2+$0x7230] =	vst.add.f32.msk $0xffff, v4  }
0x459: {  	v4 =	vld [tilespmem:s8+$0xC240];
	_ =	sdelay $0x2  }
0x45a: {  	[tilespmem:s0+$0x7240] =	vst.add.f32.msk $0xffff, v3  }
0x45b: {  	v3 =	vld [tilespmem:s7+$0xD250]  }
0x45c: {  	[tilespmem:s2+$0x7240] =	vst.add.f32.msk $0xffff, v4  }
0x45d: {  	v4 =	vld [tilespmem:s8+$0xC250];
	_ =	sdelay $0x2  }
0x45e: {  	[tilespmem:s0+$0x7250] =	vst.add.f32.msk $0xffff, v3  }
0x45f: {  	v3 =	vld [tilespmem:s7+$0xD260]  }
0x460: {  	[tilespmem:s2+$0x7250] =	vst.add.f32.msk $0xffff, v4  }
0x461: {  	v4 =	vld [tilespmem:s8+$0xC260];
	_ =	sdelay $0x2  }
0x462: {  	[tilespmem:s0+$0x7260] =	vst.add.f32.msk $0xffff, v3  }
0x463: {  	v3 =	vld [tilespmem:s7+$0xD270]  }
0x464: {  	[tilespmem:s2+$0x7260] =	vst.add.f32.msk $0xffff, v4  }
0x465: {  	v4 =	vld [tilespmem:s8+$0xC270];
	_ =	sdelay $0x2  }
0x466: {  	[tilespmem:s0+$0x7270] =	vst.add.f32.msk $0xffff, v3  }
0x467: {  	v3 =	vld [tilespmem:s7+$0xD600]  }
0x468: {  	[tilespmem:s2+$0x7270] =	vst.add.f32.msk $0xffff, v4  }
0x469: {  	v4 =	vld [tilespmem:s17+$0xC200];
	_ =	sdelay $0x2  }
0x46a: {  	[tilespmem:s0+$0x7600] =	vst.add.f32.msk $0xffff, v3  }
0x46b: {  	v3 =	vld [tilespmem:s7+$0xD610]  }
0x46c: {  	[tilespmem:s2+$0x7600] =	vst.add.f32.msk $0xffff, v4  }
0x46d: {  	v4 =	vld [tilespmem:s17+$0xC210];
	_ =	sdelay $0x2  }
0x46e: {  	[tilespmem:s0+$0x7610] =	vst.add.f32.msk $0xffff, v3  }
0x46f: {  	v3 =	vld [tilespmem:s7+$0xD620]  }
0x470: {  	[tilespmem:s2+$0x7610] =	vst.add.f32.msk $0xffff, v4  }
0x471: {  	v4 =	vld [tilespmem:s17+$0xC220];
	_ =	sdelay $0x2  }
0x472: {  	[tilespmem:s0+$0x7620] =	vst.add.f32.msk $0xffff, v3  }
0x473: {  	v3 =	vld [tilespmem:s7+$0xD630]  }
0x474: {  	[tilespmem:s2+$0x7620] =	vst.add.f32.msk $0xffff, v4  }
0x475: {  	v4 =	vld [tilespmem:s17+$0xC230];
	_ =	sdelay $0x2  }
0x476: {  	[tilespmem:s0+$0x7630] =	vst.add.f32.msk $0xffff, v3  }
0x477: {  	v3 =	vld [tilespmem:s7+$0xD640]  }
0x478: {  	[tilespmem:s2+$0x7630] =	vst.add.f32.msk $0xffff, v4  }
0x479: {  	v4 =	vld [tilespmem:s17+$0xC240];
	_ =	sdelay $0x2  }
0x47a: {  	[tilespmem:s0+$0x7640] =	vst.add.f32.msk $0xffff, v3  }
0x47b: {  	v3 =	vld [tilespmem:s7+$0xD650]  }
0x47c: {  	[tilespmem:s2+$0x7640] =	vst.add.f32.msk $0xffff, v4  }
0x47d: {  	v4 =	vld [tilespmem:s17+$0xC250];
	_ =	sdelay $0x2  }
0x47e: {  	[tilespmem:s0+$0x7650] =	vst.add.f32.msk $0xffff, v3  }
0x47f: {  	v3 =	vld [tilespmem:s7+$0xD660]  }
0x480: {  	[tilespmem:s2+$0x7650] =	vst.add.f32.msk $0xffff, v4  }
0x481: {  	v4 =	vld [tilespmem:s17+$0xC260];
	_ =	sdelay $0x1  }
0x482: {  	v5 =	vld [tilespmem:s19+$0xC270]  }
0x483: {  	[tilespmem:s0+$0x7660] =	vst.add.f32.msk $0xffff, v3  }
0x484: {  	v3 =	vld [tilespmem:s7+$0xD670]  }
0x485: {  	[tilespmem:s2+$0x7660] =	vst.add.f32.msk $0xffff, v4  }
0x486: {  	v4 =	vld [tilespmem:s17+$0xC270]  }
0x487: {  	p0 =	sne.s32 s10, $0x4;
	[tilespmem:s14+$0x7670] =	vst.add.f32.msk $0xffff, v5  }
.Ltmp2:
0x488: {  	s3 =	rddreg [dreg:$0xb];
	(pc) =	sbr.rel @p0 .LBB2_2-.Ltmp2, $4  }
0x489: {  	s3 =	sadd.s32 s9, s3  }
0x48a: {  	s13 =	smov.u32 s31;
	[tilespmem:s0+$0x7670] =	vst.add.f32.msk $0xffff, v3;
	s30 =	sshrl.u32 s3, $0x3  }
0x48b: {  	s4 =	simm.s32 $0x0;
	s3 =	simm.s32 $0x6200;
	s0 =	sadd.s32 s31, s30;
	[tilespmem:s2+$0x7670] =	vst.add.f32.msk $0xffff, v4  }
0x48c: {  	[hbm4b:s0+s4] =	stream.linear.scatter [tilespmem:s3], [sflag:$0x4], $0x6000, $0x38;
	[tilespmem:$0x18200] =	vst v63  }
0x48d: {  	s0 =	simm.s32 $0x3  }
0x48e: {  	_ =	swait.ge [sflag:s0], $0x6000  }
0x48f: {  	[sflag:s0] =	ssyncset.done $0x0  }
0x490: {  	s2 =	simm.s32 $0x4;
	[sflag:s0] =	ssyncadd.s32 $0xFFFFA000  }
0x491: {  	_ =	swait.ge [sflag:s2], $0x6000  }
0x492: {  	s5 =	rddreg [dreg:$0xd]  }
0x493: {  	s31 =	rddreg [dreg:$0xc];
	s5 =	sadd.s32 $0x1, s5  }
0x494: {  	p0 =	sne.s32 s5, s31  }
.Ltmp3:
0x495: {  	_ = 	snop;
	(pc) =	sbr.rel @p0 .LBB2_1-.Ltmp3, $3  }
0x496: {  	_ =	sdelay $0x1  }
0x497: {  	[sflag:s2] =	ssyncset.done $0x0  }
0x498: {  	[sflag:s2] =	ssyncadd.s32 $0xFFFFA000  }
0x499: {  	_ =	sfence.sel $0x180000  }
0x49a: {  	[bflag:$0x0] =	sbarrier.arrive $0xFFFF  }
0x49b: {  	_ =	strace $0x90000047  }
0x49c: {  	s0 =	stileid.u32;
	[bflag:$0x2] =	sbarrier.arrive $0xFFFF  }
0x49d: {  	p0 =	sne.s32 s0, $0x0;
	s0 =	rddreg [dreg:$0x4]  }
0x49e: {  	s0 =	sadd.s32 @!p0 $0x100000, s0  }
0x49f: {  	[sflag:s0] =	ssyncadd.tile.s32 @!p0 $0x1;
	_ =	shalt  }
.Lfunc_end2:
_tile_overlayer_lowered:
.L_overlay_start_2:
0x4a0: {  	(tag) =	ssettag $0x2  }
0x4a1: {  	s0 =	rddreg [dreg:$0x0];
	s2 =	stileid.u32  }
0x4a2: {  	s1 =	rddreg [dreg:$0x1];
	p0 =	sne.s32 s2, $0x0  }
0x4a3: {  	s3 =	rddreg [dreg:$0x2];
	[bflag:$0x3] =	sbarrier.arrive $0xFFFF;
	s2 =	simm.s32 @!p0 $0x1C07  }
0x4a4: {  	[timem:s3], [sflag:s2] =	dma.local @!p0 [hbm:s0], s1  }
0x4a5: {  	s0 =	simm.s32 @!p0 $0x7  }
0x4a6: {  	_ =	swait.ge @!p0 [sflag:s0], s1  }
0x4a7: {  	s1 =	ssub.s32 @!p0 $0x0, s1;
	[sflag:s0] =	ssyncset.done @!p0 $0x0  }
0x4a8: {  	[sflag:s0] =	ssyncadd.s32 @!p0 s1  }
0x4a9: {  	[bflag:$0x3] =	sbarrier.arrive $0xFFFF  }
0x4aa: {  	_ =	shalt  }

</sc_bundles>
